<compile_context>
chip_gen: v7x
topology: tpu7x:2x2x1
jax: 0.10.2.dev20260603
libtpu: 0.0.44.dev20260713+nightly
codegen_flags: <defaults>
</compile_context>

<pallas_src>
import functools

import jax
import jax.numpy as jnp
from jax import lax
from jax.experimental import pallas as pl
from jax.experimental.pallas import tpu as pltpu
from jax.experimental.pallas import tpu_sc as plsc


@functools.lru_cache(maxsize=None)
def _build(M, D, B):
  NC = 2
  NS = 16
  NT = NC * NS
  L = 16
  SCH = 1024
  OWN = (M // NT) // 8 * 8
  LAST_EXTRA = M - NT * OWN
  NCOPY = 4
  CRS = [OWN // NCOPY // 8 * 8] * (NCOPY - 1)
  CRS.append(OWN - sum(CRS))

  assert B % SCH == 0 and D % L == 0 and OWN % 8 == 0
  assert LAST_EXTRA >= 0 and LAST_EXTRA % 8 == 0 and all(c % 8 == 0 for c in CRS)

  mesh = plsc.VectorSubcoreMesh(core_axis_name="c", subcore_axis_name="s")

  @functools.partial(
      pl.kernel,
      out_type=jax.ShapeDtypeStruct((M, D), jnp.float32),
      mesh=mesh,
      scratch_types=[
          pltpu.VMEM((B,), jnp.int32),
          pltpu.VMEM((8, D), jnp.float32),
          pltpu.VMEM((8, D), jnp.float32),
          pltpu.SemaphoreType.DMA,
          pltpu.SemaphoreType.DMA,
      ],
      compiler_params=pltpu.CompilerParams(use_tc_tiling_on_sc=False),
  )
  def run(mem_h, idx_h, val_h, out_h, idx_v, rowb, valb, sem, csem):
    c = lax.axis_index("c")
    s = lax.axis_index("s")
    t = c * NS + s
    lo = t * OWN
    hi = lo + OWN + LAST_EXTRA * (t == NT - 1)

    off = 0
    cps = []
    for cr in CRS:
      cps.append(pltpu.async_copy(mem_h.at[pl.ds(lo + off, cr)],
                                  out_h.at[pl.ds(lo + off, cr)], csem))
      off += cr
    if LAST_EXTRA:
      @pl.when(t == NT - 1)
      def _extra_copy():
        pltpu.async_copy(mem_h.at[pl.ds(NT * OWN, LAST_EXTRA)],
                         out_h.at[pl.ds(NT * OWN, LAST_EXTRA)], csem)
    for cp in cps:
      cp.wait()
    if LAST_EXTRA:
      @pl.when(t == NT - 1)
      def _extra_drain():
        pltpu.make_async_copy(mem_h.at[pl.ds(NT * OWN, LAST_EXTRA)],
                              out_h.at[pl.ds(NT * OWN, LAST_EXTRA)],
                              csem).wait()

    pltpu.sync_copy(idx_h, idx_v)

    def body(g, carry):
      vec = idx_v[pl.ds(g * L, L)]

      for i in range(L):
        row = vec[i]

        @pl.when((row >= lo) & (row < hi))
        def _apply(row=row, i=i):
          b8 = (row >> 3) << 3
          o8 = row - b8
          gj = g * L + i
          vb8 = (gj >> 3) << 3
          vo8 = gj - vb8
          cp1 = pltpu.async_copy(out_h.at[pl.ds(b8, 8)], rowb, sem)
          cp2 = pltpu.async_copy(val_h.at[pl.ds(vb8, 8)], valb, sem)
          cp1.wait()
          cp2.wait()
          for k in range(D // L):
            rowb[o8, pl.ds(k * L, L)] = (rowb[o8, pl.ds(k * L, L)] +
                                         valb[vo8, pl.ds(k * L, L)])
          pltpu.async_copy(rowb, out_h.at[pl.ds(b8, 8)], sem).wait()

      return carry

    lax.fori_loop(0, B // L, body, 0)

  return run


def kernel(mem, idx, val):
  M, D = mem.shape
  B = idx.shape[0]
  return _build(M, D, B)(mem, idx.astype(jnp.int32), val)

# --- scband reference (transcript-rebuilt; emitter-appended) ---
"""Pipeline reference for scband-array-tree-29283087024448 (READ-ONLY COPY).

The authoritative reference and input builder live on the scoring server;
editing this copy changes nothing except your own understanding.
"""

import jax, jax.numpy as jnp
import numpy as np

M = 1000000
D = 64
B = 16384

def setup_inputs(seed: int = 0) -> dict:
    key = jax.random.key(seed)
    k1, k2, k3 = jax.random.split(key, 3)
    mem = jax.random.normal(k1, (M, D), dtype=jnp.float32)
    idx = jax.random.randint(k2, (B,), 0, M, dtype=jnp.int64 if jax.config.read('jax_enable_x64') else jnp.int32)
    val = jax.random.normal(k3, (B, D), dtype=jnp.float32)
    return {"mem": mem, "idx": idx, "val": val}

def reference(mem, idx, val):
    # Faithful to ArrayTree.at[idx].add(values): for each leaf array,
    # broadcast values and apply arr.at[idx].add(v). Here the tree has a
    # single leaf `mem` of shape [M, D]; idx indexes the leading (prefix)
    # dimension, exactly as _IndexedHelper._scatter('add', values) does.
    return mem.at[idx].add(val)

if __name__ == "__main__":
    import jax
    _d = setup_inputs()
    print(jax.jit(kernel)(*tuple(_d.values())))

</pallas_src>

<mosaic_0001>
#map = affine_map<(d0, d1) -> (0, 0)>
#map1 = affine_map<(d0, d1) -> (0)>
module attributes {stable_mosaic.version = 14 : i64} {
  func.func @run(%arg0: i32, %arg1: i32, %arg2: memref<1000000x64xf32, #tpu.memory_space<hbm>>, %arg3: memref<16384xi32, #tpu.memory_space<hbm>>, %arg4: memref<16384x64xf32, #tpu.memory_space<hbm>>, %arg5: memref<1000000x64xf32, #tpu.memory_space<hbm>>, %arg6: memref<16384xi32, #tpu.memory_space<vmem>>, %arg7: memref<8x64xf32, #tpu.memory_space<vmem>>, %arg8: memref<8x64xf32, #tpu.memory_space<vmem>>, %arg9: memref<!tpu.dma_semaphore, #tpu.memory_space<semaphore_mem>>, %arg10: memref<!tpu.dma_semaphore, #tpu.memory_space<semaphore_mem>>) attributes {dimension_semantics = [#tpu.dimension_semantics<core_parallel>, #tpu.dimension_semantics<subcore_parallel>], iteration_bounds = array<i64: 2, 16>, scalar_prefetch = 0 : i64, scratch_operands = 5 : i64, tpu.core_type = #tpu.core_type<sc_vector_subcore>, window_params = [{transform_indices = #map}, {transform_indices = #map1}, {transform_indices = #map}, {transform_indices = #map}]} {
    %mul3A = arith.constant 16 : i32
    %mul3A_0 = arith.muli %arg0, %mul3A : i32
    %add3A = arith.addi %mul3A_0, %arg1 : i32
    %mul3A_1 = arith.constant 31248 : i32
    %mul3A_2 = arith.muli %add3A, %mul3A_1 : i32
    %add3A_3 = arith.constant 31248 : i32
    %add3A_4 = arith.addi %mul3A_2, %add3A_3 : i32
    %eq3A = arith.constant 31 : i32
    %eq3A_5 = arith.cmpi eq, %add3A, %eq3A : i32
    %convert_element_type3A = arith.extui %eq3A_5 : i1 to i32
    %mul3A_6 = arith.constant 64 : i32
    %mul3A_7 = arith.muli %mul3A_6, %convert_element_type3A : i32
    %add3A_8 = arith.addi %add3A_4, %mul3A_7 : i32
    %add3A_9 = arith.constant 0 : i32
    %add3A_10 = arith.addi %mul3A_2, %add3A_9 : i32
    %add3A_11 = arith.constant 0 : i32
    %add3A_12 = arith.addi %mul3A_2, %add3A_11 : i32
    %dma_start3A = arith.constant 0 : i32
    %dma_start3A_13 = tpu.memref_slice %arg5[%add3A_12, %dma_start3A] : memref<1000000x64xf32, #tpu.memory_space<hbm>> -> memref<7808x64xf32, #tpu.memory_space<hbm>>
    %dma_start3A_14 = arith.constant 0 : i32
    %dma_start3A_15 = tpu.memref_slice %arg2[%add3A_10, %dma_start3A_14] : memref<1000000x64xf32, #tpu.memory_space<hbm>> -> memref<7808x64xf32, #tpu.memory_space<hbm>>
    tpu.enqueue_dma source(%dma_start3A_15 : memref<7808x64xf32, #tpu.memory_space<hbm>>) target(%dma_start3A_13 : memref<7808x64xf32, #tpu.memory_space<hbm>>) target_semaphore(%arg10 : memref<!tpu.dma_semaphore, #tpu.memory_space<semaphore_mem>>)
    %add3A_16 = arith.constant 7808 : i32
    %add3A_17 = arith.addi %mul3A_2, %add3A_16 : i32
    %add3A_18 = arith.constant 7808 : i32
    %add3A_19 = arith.addi %mul3A_2, %add3A_18 : i32
    %dma_start3A_20 = arith.constant 0 : i32
    %dma_start3A_21 = tpu.memref_slice %arg5[%add3A_19, %dma_start3A_20] : memref<1000000x64xf32, #tpu.memory_space<hbm>> -> memref<7808x64xf32, #tpu.memory_space<hbm>>
    %dma_start3A_22 = arith.constant 0 : i32
    %dma_start3A_23 = tpu.memref_slice %arg2[%add3A_17, %dma_start3A_22] : memref<1000000x64xf32, #tpu.memory_space<hbm>> -> memref<7808x64xf32, #tpu.memory_space<hbm>>
    tpu.enqueue_dma source(%dma_start3A_23 : memref<7808x64xf32, #tpu.memory_space<hbm>>) target(%dma_start3A_21 : memref<7808x64xf32, #tpu.memory_space<hbm>>) target_semaphore(%arg10 : memref<!tpu.dma_semaphore, #tpu.memory_space<semaphore_mem>>)
    %add3A_24 = arith.constant 15616 : i32
    %add3A_25 = arith.addi %mul3A_2, %add3A_24 : i32
    %add3A_26 = arith.constant 15616 : i32
    %add3A_27 = arith.addi %mul3A_2, %add3A_26 : i32
    %dma_start3A_28 = arith.constant 0 : i32
    %dma_start3A_29 = tpu.memref_slice %arg5[%add3A_27, %dma_start3A_28] : memref<1000000x64xf32, #tpu.memory_space<hbm>> -> memref<7808x64xf32, #tpu.memory_space<hbm>>
    %dma_start3A_30 = arith.constant 0 : i32
    %dma_start3A_31 = tpu.memref_slice %arg2[%add3A_25, %dma_start3A_30] : memref<1000000x64xf32, #tpu.memory_space<hbm>> -> memref<7808x64xf32, #tpu.memory_space<hbm>>
    tpu.enqueue_dma source(%dma_start3A_31 : memref<7808x64xf32, #tpu.memory_space<hbm>>) target(%dma_start3A_29 : memref<7808x64xf32, #tpu.memory_space<hbm>>) target_semaphore(%arg10 : memref<!tpu.dma_semaphore, #tpu.memory_space<semaphore_mem>>)
    %add3A_32 = arith.constant 23424 : i32
    %add3A_33 = arith.addi %mul3A_2, %add3A_32 : i32
    %add3A_34 = arith.constant 23424 : i32
    %add3A_35 = arith.addi %mul3A_2, %add3A_34 : i32
    %dma_start3A_36 = arith.constant 0 : i32
    %dma_start3A_37 = tpu.memref_slice %arg5[%add3A_35, %dma_start3A_36] : memref<1000000x64xf32, #tpu.memory_space<hbm>> -> memref<7824x64xf32, #tpu.memory_space<hbm>>
    %dma_start3A_38 = arith.constant 0 : i32
    %dma_start3A_39 = tpu.memref_slice %arg2[%add3A_33, %dma_start3A_38] : memref<1000000x64xf32, #tpu.memory_space<hbm>> -> memref<7824x64xf32, #tpu.memory_space<hbm>>
    tpu.enqueue_dma source(%dma_start3A_39 : memref<7824x64xf32, #tpu.memory_space<hbm>>) target(%dma_start3A_37 : memref<7824x64xf32, #tpu.memory_space<hbm>>) target_semaphore(%arg10 : memref<!tpu.dma_semaphore, #tpu.memory_space<semaphore_mem>>)
    %eq3A_40 = arith.constant 31 : i32
    %eq3A_41 = arith.cmpi eq, %add3A, %eq3A_40 : i32
    %convert_element_type3A_42 = arith.extui %eq3A_41 : i1 to i32
    %cond3A = arith.constant 0 : i32
    %cond3A_43 = arith.cmpi ne, %convert_element_type3A_42, %cond3A : i32
    scf.if %cond3A_43 {
      %dma_start3A_69 = arith.constant 999936 : i32
      %dma_start3A_70 = arith.constant 0 : i32
      %dma_start3A_71 = tpu.memref_slice %arg5[%dma_start3A_69, %dma_start3A_70] : memref<1000000x64xf32, #tpu.memory_space<hbm>> -> memref<64x64xf32, #tpu.memory_space<hbm>>
      %dma_start3A_72 = arith.constant 999936 : i32
      %dma_start3A_73 = arith.constant 0 : i32
      %dma_start3A_74 = tpu.memref_slice %arg2[%dma_start3A_72, %dma_start3A_73] : memref<1000000x64xf32, #tpu.memory_space<hbm>> -> memref<64x64xf32, #tpu.memory_space<hbm>>
      tpu.enqueue_dma source(%dma_start3A_74 : memref<64x64xf32, #tpu.memory_space<hbm>>) target(%dma_start3A_71 : memref<64x64xf32, #tpu.memory_space<hbm>>) target_semaphore(%arg10 : memref<!tpu.dma_semaphore, #tpu.memory_space<semaphore_mem>>)
    } else {
    }
    %dma_wait3A = arith.constant 0 : i32
    %dma_wait3A_44 = tpu.memref_slice %arg5[%add3A_12, %dma_wait3A] : memref<1000000x64xf32, #tpu.memory_space<hbm>> -> memref<7808x64xf32, #tpu.memory_space<hbm>>
    %dma_wait3A_45 = arith.constant 0 : i32
    %dma_wait3A_46 = tpu.memref_slice %arg2[%add3A_10, %dma_wait3A_45] : memref<1000000x64xf32, #tpu.memory_space<hbm>> -> memref<7808x64xf32, #tpu.memory_space<hbm>>
    tpu.wait_dma2 semaphore(%arg10 : memref<!tpu.dma_semaphore, #tpu.memory_space<semaphore_mem>>) src(%dma_wait3A_46 : memref<7808x64xf32, #tpu.memory_space<hbm>>) dst(%dma_wait3A_44 : memref<7808x64xf32, #tpu.memory_space<hbm>>)
    %dma_wait3A_47 = arith.constant 0 : i32
    %dma_wait3A_48 = tpu.memref_slice %arg5[%add3A_19, %dma_wait3A_47] : memref<1000000x64xf32, #tpu.memory_space<hbm>> -> memref<7808x64xf32, #tpu.memory_space<hbm>>
    %dma_wait3A_49 = arith.constant 0 : i32
    %dma_wait3A_50 = tpu.memref_slice %arg2[%add3A_17, %dma_wait3A_49] : memref<1000000x64xf32, #tpu.memory_space<hbm>> -> memref<7808x64xf32, #tpu.memory_space<hbm>>
    tpu.wait_dma2 semaphore(%arg10 : memref<!tpu.dma_semaphore, #tpu.memory_space<semaphore_mem>>) src(%dma_wait3A_50 : memref<7808x64xf32, #tpu.memory_space<hbm>>) dst(%dma_wait3A_48 : memref<7808x64xf32, #tpu.memory_space<hbm>>)
    %dma_wait3A_51 = arith.constant 0 : i32
    %dma_wait3A_52 = tpu.memref_slice %arg5[%add3A_27, %dma_wait3A_51] : memref<1000000x64xf32, #tpu.memory_space<hbm>> -> memref<7808x64xf32, #tpu.memory_space<hbm>>
    %dma_wait3A_53 = arith.constant 0 : i32
    %dma_wait3A_54 = tpu.memref_slice %arg2[%add3A_25, %dma_wait3A_53] : memref<1000000x64xf32, #tpu.memory_space<hbm>> -> memref<7808x64xf32, #tpu.memory_space<hbm>>
    tpu.wait_dma2 semaphore(%arg10 : memref<!tpu.dma_semaphore, #tpu.memory_space<semaphore_mem>>) src(%dma_wait3A_54 : memref<7808x64xf32, #tpu.memory_space<hbm>>) dst(%dma_wait3A_52 : memref<7808x64xf32, #tpu.memory_space<hbm>>)
    %dma_wait3A_55 = arith.constant 0 : i32
    %dma_wait3A_56 = tpu.memref_slice %arg5[%add3A_35, %dma_wait3A_55] : memref<1000000x64xf32, #tpu.memory_space<hbm>> -> memref<7824x64xf32, #tpu.memory_space<hbm>>
    %dma_wait3A_57 = arith.constant 0 : i32
    %dma_wait3A_58 = tpu.memref_slice %arg2[%add3A_33, %dma_wait3A_57] : memref<1000000x64xf32, #tpu.memory_space<hbm>> -> memref<7824x64xf32, #tpu.memory_space<hbm>>
    tpu.wait_dma2 semaphore(%arg10 : memref<!tpu.dma_semaphore, #tpu.memory_space<semaphore_mem>>) src(%dma_wait3A_58 : memref<7824x64xf32, #tpu.memory_space<hbm>>) dst(%dma_wait3A_56 : memref<7824x64xf32, #tpu.memory_space<hbm>>)
    %eq3A_59 = arith.constant 31 : i32
    %eq3A_60 = arith.cmpi eq, %add3A, %eq3A_59 : i32
    %convert_element_type3A_61 = arith.extui %eq3A_60 : i1 to i32
    %cond3A_62 = arith.constant 0 : i32
    %cond3A_63 = arith.cmpi ne, %convert_element_type3A_61, %cond3A_62 : i32
    scf.if %cond3A_63 {
      %dma_wait3A_69 = arith.constant 999936 : i32
      %dma_wait3A_70 = arith.constant 0 : i32
      %dma_wait3A_71 = tpu.memref_slice %arg5[%dma_wait3A_69, %dma_wait3A_70] : memref<1000000x64xf32, #tpu.memory_space<hbm>> -> memref<64x64xf32, #tpu.memory_space<hbm>>
      %dma_wait3A_72 = arith.constant 999936 : i32
      %dma_wait3A_73 = arith.constant 0 : i32
      %dma_wait3A_74 = tpu.memref_slice %arg2[%dma_wait3A_72, %dma_wait3A_73] : memref<1000000x64xf32, #tpu.memory_space<hbm>> -> memref<64x64xf32, #tpu.memory_space<hbm>>
      tpu.wait_dma2 semaphore(%arg10 : memref<!tpu.dma_semaphore, #tpu.memory_space<semaphore_mem>>) src(%dma_wait3A_74 : memref<64x64xf32, #tpu.memory_space<hbm>>) dst(%dma_wait3A_71 : memref<64x64xf32, #tpu.memory_space<hbm>>)
    } else {
    }
    "tpu.region"() ({
      %run_scoped3A = tpu.sem_alloc : memref<!tpu.dma_semaphore, #tpu.memory_space<semaphore_mem>>
      tpu.enqueue_dma source(%arg3 : memref<16384xi32, #tpu.memory_space<hbm>>) target(%arg6 : memref<16384xi32, #tpu.memory_space<vmem>>) target_semaphore(%run_scoped3A : memref<!tpu.dma_semaphore, #tpu.memory_space<semaphore_mem>>)
      tpu.wait_dma2 semaphore(%run_scoped3A : memref<!tpu.dma_semaphore, #tpu.memory_space<semaphore_mem>>) src(%arg3 : memref<16384xi32, #tpu.memory_space<hbm>>) dst(%arg6 : memref<16384xi32, #tpu.memory_space<vmem>>)
      tpu.yield
    }) : () -> ()
    %scan3A = arith.constant 0 : i32
    %scan3A_64 = arith.constant 0 : i32
    %scan3A_65 = arith.constant 1024 : i32
    %scan3A_66 = arith.addi %scan3A_64, %scan3A_65 : i32
    %scan3A_67 = arith.constant 1 : i32
    scf.for %scan3A_69 = %scan3A_64 to %scan3A_66 step %scan3A_67  : i32 {
      %mul3A_70 = arith.constant 16 : i32
      %mul3A_71 = arith.muli %scan3A_69, %mul3A_70 : i32
      %get3A = arith.index_cast %mul3A_71 : i32 to index
      %get3A_72 = tpu.vector_load %arg6[%get3A] {strides = array<i32>} : memref<16384xi32, #tpu.memory_space<vmem>>, vector<16xi32>,
      %get3A_73 = vector.shape_cast %get3A_72 : vector<16xi32> to vector<16xi32>
      %slice3A = vector.extract_strided_slice %get3A_73 {offsets = [0], sizes = [1], strides = [1]} : vector<16xi32> to vector<1xi32>
      %squeeze3A = vector.extract %slice3A[0] : i32 from vector<1xi32>
      %ge3A = arith.cmpi sge, %squeeze3A, %mul3A_2 : i32
      %lt3A = arith.cmpi slt, %squeeze3A, %add3A_8 : i32
      %and3A = arith.andi %ge3A, %lt3A : i1
      %convert_element_type3A_74 = arith.extui %and3A : i1 to i32
      %cond3A_75 = arith.constant 0 : i32
      %cond3A_76 = arith.cmpi ne, %convert_element_type3A_74, %cond3A_75 : i32
      scf.if %cond3A_76 {
        %shift_right_arithmetic3A = arith.constant 3 : i32
        %shift_right_arithmetic3A_197 = arith.shrsi %squeeze3A, %shift_right_arithmetic3A : i32
        %shift_left3A = arith.constant 3 : i32
        %shift_left3A_198 = arith.shli %shift_right_arithmetic3A_197, %shift_left3A : i32
        %sub3A = arith.subi %squeeze3A, %shift_left3A_198 : i32
        %mul3A_199 = arith.constant 16 : i32
        %mul3A_200 = arith.muli %scan3A_69, %mul3A_199 : i32
        %add3A_201 = arith.constant 0 : i32
        %add3A_202 = arith.addi %mul3A_200, %add3A_201 : i32
        %shift_right_arithmetic3A_203 = arith.constant 3 : i32
        %shift_right_arithmetic3A_204 = arith.shrsi %add3A_202, %shift_right_arithmetic3A_203 : i32
        %shift_left3A_205 = arith.constant 3 : i32
        %shift_left3A_206 = arith.shli %shift_right_arithmetic3A_204, %shift_left3A_205 : i32
        %sub3A_207 = arith.subi %add3A_202, %shift_left3A_206 : i32
        %dma_start3A_208 = arith.constant 0 : i32
        %dma_start3A_209 = tpu.memref_slice %arg5[%shift_left3A_198, %dma_start3A_208] : memref<1000000x64xf32, #tpu.memory_space<hbm>> -> memref<8x64xf32, #tpu.memory_space<hbm>>
        %dma_start3A_210 = arith.constant 0 : i32
        %dma_start3A_211 = tpu.memref_slice %arg5[%shift_left3A_198, %dma_start3A_210] : memref<1000000x64xf32, #tpu.memory_space<hbm>> -> memref<8x64xf32, #tpu.memory_space<hbm>>
        tpu.enqueue_dma source(%dma_start3A_211 : memref<8x64xf32, #tpu.memory_space<hbm>>) target(%arg7 : memref<8x64xf32, #tpu.memory_space<vmem>>) target_semaphore(%arg9 : memref<!tpu.dma_semaphore, #tpu.memory_space<semaphore_mem>>)
        %dma_start3A_212 = arith.constant 0 : i32
        %dma_start3A_213 = tpu.memref_slice %arg4[%shift_left3A_206, %dma_start3A_212] : memref<16384x64xf32, #tpu.memory_space<hbm>> -> memref<8x64xf32, #tpu.memory_space<hbm>>
        %dma_start3A_214 = arith.constant 0 : i32
        %dma_start3A_215 = tpu.memref_slice %arg4[%shift_left3A_206, %dma_start3A_214] : memref<16384x64xf32, #tpu.memory_space<hbm>> -> memref<8x64xf32, #tpu.memory_space<hbm>>
        tpu.enqueue_dma source(%dma_start3A_215 : memref<8x64xf32, #tpu.memory_space<hbm>>) target(%arg8 : memref<8x64xf32, #tpu.memory_space<vmem>>) target_semaphore(%arg9 : memref<!tpu.dma_semaphore, #tpu.memory_space<semaphore_mem>>)
        %dma_wait3A_216 = arith.constant 0 : i32
        %dma_wait3A_217 = tpu.memref_slice %arg5[%shift_left3A_198, %dma_wait3A_216] : memref<1000000x64xf32, #tpu.memory_space<hbm>> -> memref<8x64xf32, #tpu.memory_space<hbm>>
        %dma_wait3A_218 = arith.constant 0 : i32
        %dma_wait3A_219 = tpu.memref_slice %arg5[%shift_left3A_198, %dma_wait3A_218] : memref<1000000x64xf32, #tpu.memory_space<hbm>> -> memref<8x64xf32, #tpu.memory_space<hbm>>
        tpu.wait_dma2 semaphore(%arg9 : memref<!tpu.dma_semaphore, #tpu.memory_space<semaphore_mem>>) src(%dma_wait3A_219 : memref<8x64xf32, #tpu.memory_space<hbm>>) dst(%arg7 : memref<8x64xf32, #tpu.memory_space<vmem>>)
        %dma_wait3A_220 = arith.constant 0 : i32
        %dma_wait3A_221 = tpu.memref_slice %arg4[%shift_left3A_206, %dma_wait3A_220] : memref<16384x64xf32, #tpu.memory_space<hbm>> -> memref<8x64xf32, #tpu.memory_space<hbm>>
        %dma_wait3A_222 = arith.constant 0 : i32
        %dma_wait3A_223 = tpu.memref_slice %arg4[%shift_left3A_206, %dma_wait3A_222] : memref<16384x64xf32, #tpu.memory_space<hbm>> -> memref<8x64xf32, #tpu.memory_space<hbm>>
        tpu.wait_dma2 semaphore(%arg9 : memref<!tpu.dma_semaphore, #tpu.memory_space<semaphore_mem>>) src(%dma_wait3A_223 : memref<8x64xf32, #tpu.memory_space<hbm>>) dst(%arg8 : memref<8x64xf32, #tpu.memory_space<vmem>>)
        %get3A_224 = arith.index_cast %sub3A : i32 to index
        %get3A_225 = arith.constant 0 : index
        %get3A_226 = tpu.vector_load %arg7[%get3A_224, %get3A_225] {strides = array<i32>} : memref<8x64xf32, #tpu.memory_space<vmem>>, vector<1x16xf32>,
        %get3A_227 = vector.shape_cast %get3A_226 : vector<1x16xf32> to vector<16xf32>
        %get3A_228 = arith.index_cast %sub3A_207 : i32 to index
        %get3A_229 = arith.constant 0 : index
        %get3A_230 = tpu.vector_load %arg8[%get3A_228, %get3A_229] {strides = array<i32>} : memref<8x64xf32, #tpu.memory_space<vmem>>, vector<1x16xf32>,
        %get3A_231 = vector.shape_cast %get3A_230 : vector<1x16xf32> to vector<16xf32>
        %add3A_232 = arith.addf %get3A_227, %get3A_231 : vector<16xf32>
        %swap3A = arith.index_cast %sub3A : i32 to index
        %swap3A_233 = arith.constant 0 : index
        %swap3A_234 = tpu.vector_load %arg7[%swap3A, %swap3A_233] {strides = array<i32>} : memref<8x64xf32, #tpu.memory_space<vmem>>, vector<1x16xf32>,
        %swap3A_235 = vector.shape_cast %swap3A_234 : vector<1x16xf32> to vector<16xf32>
        %swap3A_236 = vector.shape_cast %add3A_232 : vector<16xf32> to vector<1x16xf32>
        tpu.vector_store %arg7[%swap3A, %swap3A_233], %swap3A_236 {strides = array<i32>} : memref<8x64xf32, #tpu.memory_space<vmem>>, vector<1x16xf32>,
        %get3A_237 = arith.index_cast %sub3A : i32 to index
        %get3A_238 = arith.constant 16 : index
        %get3A_239 = tpu.vector_load %arg7[%get3A_237, %get3A_238] {strides = array<i32>} : memref<8x64xf32, #tpu.memory_space<vmem>>, vector<1x16xf32>,
        %get3A_240 = vector.shape_cast %get3A_239 : vector<1x16xf32> to vector<16xf32>
        %get3A_241 = arith.index_cast %sub3A_207 : i32 to index
        %get3A_242 = arith.constant 16 : index
        %get3A_243 = tpu.vector_load %arg8[%get3A_241, %get3A_242] {strides = array<i32>} : memref<8x64xf32, #tpu.memory_space<vmem>>, vector<1x16xf32>,
        %get3A_244 = vector.shape_cast %get3A_243 : vector<1x16xf32> to vector<16xf32>
        %add3A_245 = arith.addf %get3A_240, %get3A_244 : vector<16xf32>
        %swap3A_246 = arith.index_cast %sub3A : i32 to index
        %swap3A_247 = arith.constant 16 : index
        %swap3A_248 = tpu.vector_load %arg7[%swap3A_246, %swap3A_247] {strides = array<i32>} : memref<8x64xf32, #tpu.memory_space<vmem>>, vector<1x16xf32>,
        %swap3A_249 = vector.shape_cast %swap3A_248 : vector<1x16xf32> to vector<16xf32>
        %swap3A_250 = vector.shape_cast %add3A_245 : vector<16xf32> to vector<1x16xf32>
        tpu.vector_store %arg7[%swap3A_246, %swap3A_247], %swap3A_250 {strides = array<i32>} : memref<8x64xf32, #tpu.memory_space<vmem>>, vector<1x16xf32>,
        %get3A_251 = arith.index_cast %sub3A : i32 to index
        %get3A_252 = arith.constant 32 : index
        %get3A_253 = tpu.vector_load %arg7[%get3A_251, %get3A_252] {strides = array<i32>} : memref<8x64xf32, #tpu.memory_space<vmem>>, vector<1x16xf32>,
        %get3A_254 = vector.shape_cast %get3A_253 : vector<1x16xf32> to vector<16xf32>
        %get3A_255 = arith.index_cast %sub3A_207 : i32 to index
        %get3A_256 = arith.constant 32 : index
        %get3A_257 = tpu.vector_load %arg8[%get3A_255, %get3A_256] {strides = array<i32>} : memref<8x64xf32, #tpu.memory_space<vmem>>, vector<1x16xf32>,
        %get3A_258 = vector.shape_cast %get3A_257 : vector<1x16xf32> to vector<16xf32>
        %add3A_259 = arith.addf %get3A_254, %get3A_258 : vector<16xf32>
        %swap3A_260 = arith.index_cast %sub3A : i32 to index
        %swap3A_261 = arith.constant 32 : index
        %swap3A_262 = tpu.vector_load %arg7[%swap3A_260, %swap3A_261] {strides = array<i32>} : memref<8x64xf32, #tpu.memory_space<vmem>>, vector<1x16xf32>,
        %swap3A_263 = vector.shape_cast %swap3A_262 : vector<1x16xf32> to vector<16xf32>
        %swap3A_264 = vector.shape_cast %add3A_259 : vector<16xf32> to vector<1x16xf32>
        tpu.vector_store %arg7[%swap3A_260, %swap3A_261], %swap3A_264 {strides = array<i32>} : memref<8x64xf32, #tpu.memory_space<vmem>>, vector<1x16xf32>,
        %get3A_265 = arith.index_cast %sub3A : i32 to index
        %get3A_266 = arith.constant 48 : index
        %get3A_267 = tpu.vector_load %arg7[%get3A_265, %get3A_266] {strides = array<i32>} : memref<8x64xf32, #tpu.memory_space<vmem>>, vector<1x16xf32>,
        %get3A_268 = vector.shape_cast %get3A_267 : vector<1x16xf32> to vector<16xf32>
        %get3A_269 = arith.index_cast %sub3A_207 : i32 to index
        %get3A_270 = arith.constant 48 : index
        %get3A_271 = tpu.vector_load %arg8[%get3A_269, %get3A_270] {strides = array<i32>} : memref<8x64xf32, #tpu.memory_space<vmem>>, vector<1x16xf32>,
        %get3A_272 = vector.shape_cast %get3A_271 : vector<1x16xf32> to vector<16xf32>
        %add3A_273 = arith.addf %get3A_268, %get3A_272 : vector<16xf32>
        %swap3A_274 = arith.index_cast %sub3A : i32 to index
        %swap3A_275 = arith.constant 48 : index
        %swap3A_276 = tpu.vector_load %arg7[%swap3A_274, %swap3A_275] {strides = array<i32>} : memref<8x64xf32, #tpu.memory_space<vmem>>, vector<1x16xf32>,
        %swap3A_277 = vector.shape_cast %swap3A_276 : vector<1x16xf32> to vector<16xf32>
        %swap3A_278 = vector.shape_cast %add3A_273 : vector<16xf32> to vector<1x16xf32>
        tpu.vector_store %arg7[%swap3A_274, %swap3A_275], %swap3A_278 {strides = array<i32>} : memref<8x64xf32, #tpu.memory_space<vmem>>, vector<1x16xf32>,
        %dma_start3A_279 = arith.constant 0 : i32
        %dma_start3A_280 = tpu.memref_slice %arg5[%shift_left3A_198, %dma_start3A_279] : memref<1000000x64xf32, #tpu.memory_space<hbm>> -> memref<8x64xf32, #tpu.memory_space<hbm>>
        %dma_start3A_281 = arith.constant 0 : i32
        %dma_start3A_282 = tpu.memref_slice %arg5[%shift_left3A_198, %dma_start3A_281] : memref<1000000x64xf32, #tpu.memory_space<hbm>> -> memref<8x64xf32, #tpu.memory_space<hbm>>
        tpu.enqueue_dma source(%arg7 : memref<8x64xf32, #tpu.memory_space<vmem>>) target(%dma_start3A_282 : memref<8x64xf32, #tpu.memory_space<hbm>>) target_semaphore(%arg9 : memref<!tpu.dma_semaphore, #tpu.memory_space<semaphore_mem>>)
        %dma_wait3A_283 = arith.constant 0 : i32
        %dma_wait3A_284 = tpu.memref_slice %arg5[%shift_left3A_198, %dma_wait3A_283] : memref<1000000x64xf32, #tpu.memory_space<hbm>> -> memref<8x64xf32, #tpu.memory_space<hbm>>
        %dma_wait3A_285 = arith.constant 0 : i32
        %dma_wait3A_286 = tpu.memref_slice %arg5[%shift_left3A_198, %dma_wait3A_285] : memref<1000000x64xf32, #tpu.memory_space<hbm>> -> memref<8x64xf32, #tpu.memory_space<hbm>>
        tpu.wait_dma2 semaphore(%arg9 : memref<!tpu.dma_semaphore, #tpu.memory_space<semaphore_mem>>) src(%arg7 : memref<8x64xf32, #tpu.memory_space<vmem>>) dst(%dma_wait3A_286 : memref<8x64xf32, #tpu.memory_space<hbm>>)
      } else {
      }
      %slice3A_77 = vector.extract_strided_slice %get3A_73 {offsets = [1], sizes = [1], strides = [1]} : vector<16xi32> to vector<1xi32>
      %squeeze3A_78 = vector.extract %slice3A_77[0] : i32 from vector<1xi32>
      %ge3A_79 = arith.cmpi sge, %squeeze3A_78, %mul3A_2 : i32
      %lt3A_80 = arith.cmpi slt, %squeeze3A_78, %add3A_8 : i32
      %and3A_81 = arith.andi %ge3A_79, %lt3A_80 : i1
      %convert_element_type3A_82 = arith.extui %and3A_81 : i1 to i32
      %cond3A_83 = arith.constant 0 : i32
      %cond3A_84 = arith.cmpi ne, %convert_element_type3A_82, %cond3A_83 : i32
      scf.if %cond3A_84 {
        %shift_right_arithmetic3A = arith.constant 3 : i32
        %shift_right_arithmetic3A_197 = arith.shrsi %squeeze3A_78, %shift_right_arithmetic3A : i32
        %shift_left3A = arith.constant 3 : i32
        %shift_left3A_198 = arith.shli %shift_right_arithmetic3A_197, %shift_left3A : i32
        %sub3A = arith.subi %squeeze3A_78, %shift_left3A_198 : i32
        %mul3A_199 = arith.constant 16 : i32
        %mul3A_200 = arith.muli %scan3A_69, %mul3A_199 : i32
        %add3A_201 = arith.constant 1 : i32
        %add3A_202 = arith.addi %mul3A_200, %add3A_201 : i32
        %shift_right_arithmetic3A_203 = arith.constant 3 : i32
        %shift_right_arithmetic3A_204 = arith.shrsi %add3A_202, %shift_right_arithmetic3A_203 : i32
        %shift_left3A_205 = arith.constant 3 : i32
        %shift_left3A_206 = arith.shli %shift_right_arithmetic3A_204, %shift_left3A_205 : i32
        %sub3A_207 = arith.subi %add3A_202, %shift_left3A_206 : i32
        %dma_start3A_208 = arith.constant 0 : i32
        %dma_start3A_209 = tpu.memref_slice %arg5[%shift_left3A_198, %dma_start3A_208] : memref<1000000x64xf32, #tpu.memory_space<hbm>> -> memref<8x64xf32, #tpu.memory_space<hbm>>
        %dma_start3A_210 = arith.constant 0 : i32
        %dma_start3A_211 = tpu.memref_slice %arg5[%shift_left3A_198, %dma_start3A_210] : memref<1000000x64xf32, #tpu.memory_space<hbm>> -> memref<8x64xf32, #tpu.memory_space<hbm>>
        tpu.enqueue_dma source(%dma_start3A_211 : memref<8x64xf32, #tpu.memory_space<hbm>>) target(%arg7 : memref<8x64xf32, #tpu.memory_space<vmem>>) target_semaphore(%arg9 : memref<!tpu.dma_semaphore, #tpu.memory_space<semaphore_mem>>)
        %dma_start3A_212 = arith.constant 0 : i32
        %dma_start3A_213 = tpu.memref_slice %arg4[%shift_left3A_206, %dma_start3A_212] : memref<16384x64xf32, #tpu.memory_space<hbm>> -> memref<8x64xf32, #tpu.memory_space<hbm>>
        %dma_start3A_214 = arith.constant 0 : i32
        %dma_start3A_215 = tpu.memref_slice %arg4[%shift_left3A_206, %dma_start3A_214] : memref<16384x64xf32, #tpu.memory_space<hbm>> -> memref<8x64xf32, #tpu.memory_space<hbm>>
        tpu.enqueue_dma source(%dma_start3A_215 : memref<8x64xf32, #tpu.memory_space<hbm>>) target(%arg8 : memref<8x64xf32, #tpu.memory_space<vmem>>) target_semaphore(%arg9 : memref<!tpu.dma_semaphore, #tpu.memory_space<semaphore_mem>>)
        %dma_wait3A_216 = arith.constant 0 : i32
        %dma_wait3A_217 = tpu.memref_slice %arg5[%shift_left3A_198, %dma_wait3A_216] : memref<1000000x64xf32, #tpu.memory_space<hbm>> -> memref<8x64xf32, #tpu.memory_space<hbm>>
        %dma_wait3A_218 = arith.constant 0 : i32
        %dma_wait3A_219 = tpu.memref_slice %arg5[%shift_left3A_198, %dma_wait3A_218] : memref<1000000x64xf32, #tpu.memory_space<hbm>> -> memref<8x64xf32, #tpu.memory_space<hbm>>
        tpu.wait_dma2 semaphore(%arg9 : memref<!tpu.dma_semaphore, #tpu.memory_space<semaphore_mem>>) src(%dma_wait3A_219 : memref<8x64xf32, #tpu.memory_space<hbm>>) dst(%arg7 : memref<8x64xf32, #tpu.memory_space<vmem>>)
        %dma_wait3A_220 = arith.constant 0 : i32
        %dma_wait3A_221 = tpu.memref_slice %arg4[%shift_left3A_206, %dma_wait3A_220] : memref<16384x64xf32, #tpu.memory_space<hbm>> -> memref<8x64xf32, #tpu.memory_space<hbm>>
        %dma_wait3A_222 = arith.constant 0 : i32
        %dma_wait3A_223 = tpu.memref_slice %arg4[%shift_left3A_206, %dma_wait3A_222] : memref<16384x64xf32, #tpu.memory_space<hbm>> -> memref<8x64xf32, #tpu.memory_space<hbm>>
        tpu.wait_dma2 semaphore(%arg9 : memref<!tpu.dma_semaphore, #tpu.memory_space<semaphore_mem>>) src(%dma_wait3A_223 : memref<8x64xf32, #tpu.memory_space<hbm>>) dst(%arg8 : memref<8x64xf32, #tpu.memory_space<vmem>>)
        %get3A_224 = arith.index_cast %sub3A : i32 to index
        %get3A_225 = arith.constant 0 : index
        %get3A_226 = tpu.vector_load %arg7[%get3A_224, %get3A_225] {strides = array<i32>} : memref<8x64xf32, #tpu.memory_space<vmem>>, vector<1x16xf32>,
        %get3A_227 = vector.shape_cast %get3A_226 : vector<1x16xf32> to vector<16xf32>
        %get3A_228 = arith.index_cast %sub3A_207 : i32 to index
        %get3A_229 = arith.constant 0 : index
        %get3A_230 = tpu.vector_load %arg8[%get3A_228, %get3A_229] {strides = array<i32>} : memref<8x64xf32, #tpu.memory_space<vmem>>, vector<1x16xf32>,
        %get3A_231 = vector.shape_cast %get3A_230 : vector<1x16xf32> to vector<16xf32>
        %add3A_232 = arith.addf %get3A_227, %get3A_231 : vector<16xf32>
        %swap3A = arith.index_cast %sub3A : i32 to index
        %swap3A_233 = arith.constant 0 : index
        %swap3A_234 = tpu.vector_load %arg7[%swap3A, %swap3A_233] {strides = array<i32>} : memref<8x64xf32, #tpu.memory_space<vmem>>, vector<1x16xf32>,
        %swap3A_235 = vector.shape_cast %swap3A_234 : vector<1x16xf32> to vector<16xf32>
        %swap3A_236 = vector.shape_cast %add3A_232 : vector<16xf32> to vector<1x16xf32>
        tpu.vector_store %arg7[%swap3A, %swap3A_233], %swap3A_236 {strides = array<i32>} : memref<8x64xf32, #tpu.memory_space<vmem>>, vector<1x16xf32>,
        %get3A_237 = arith.index_cast %sub3A : i32 to index
        %get3A_238 = arith.constant 16 : index
        %get3A_239 = tpu.vector_load %arg7[%get3A_237, %get3A_238] {strides = array<i32>} : memref<8x64xf32, #tpu.memory_space<vmem>>, vector<1x16xf32>,
        %get3A_240 = vector.shape_cast %get3A_239 : vector<1x16xf32> to vector<16xf32>
        %get3A_241 = arith.index_cast %sub3A_207 : i32 to index
        %get3A_242 = arith.constant 16 : index
        %get3A_243 = tpu.vector_load %arg8[%get3A_241, %get3A_242] {strides = array<i32>} : memref<8x64xf32, #tpu.memory_space<vmem>>, vector<1x16xf32>,
        %get3A_244 = vector.shape_cast %get3A_243 : vector<1x16xf32> to vector<16xf32>
        %add3A_245 = arith.addf %get3A_240, %get3A_244 : vector<16xf32>
        %swap3A_246 = arith.index_cast %sub3A : i32 to index
        %swap3A_247 = arith.constant 16 : index
        %swap3A_248 = tpu.vector_load %arg7[%swap3A_246, %swap3A_247] {strides = array<i32>} : memref<8x64xf32, #tpu.memory_space<vmem>>, vector<1x16xf32>,
        %swap3A_249 = vector.shape_cast %swap3A_248 : vector<1x16xf32> to vector<16xf32>
        %swap3A_250 = vector.shape_cast %add3A_245 : vector<16xf32> to vector<1x16xf32>
        tpu.vector_store %arg7[%swap3A_246, %swap3A_247], %swap3A_250 {strides = array<i32>} : memref<8x64xf32, #tpu.memory_space<vmem>>, vector<1x16xf32>,
        %get3A_251 = arith.index_cast %sub3A : i32 to index
        %get3A_252 = arith.constant 32 : index
        %get3A_253 = tpu.vector_load %arg7[%get3A_251, %get3A_252] {strides = array<i32>} : memref<8x64xf32, #tpu.memory_space<vmem>>, vector<1x16xf32>,
        %get3A_254 = vector.shape_cast %get3A_253 : vector<1x16xf32> to vector<16xf32>
        %get3A_255 = arith.index_cast %sub3A_207 : i32 to index
        %get3A_256 = arith.constant 32 : index
        %get3A_257 = tpu.vector_load %arg8[%get3A_255, %get3A_256] {strides = array<i32>} : memref<8x64xf32, #tpu.memory_space<vmem>>, vector<1x16xf32>,
        %get3A_258 = vector.shape_cast %get3A_257 : vector<1x16xf32> to vector<16xf32>
        %add3A_259 = arith.addf %get3A_254, %get3A_258 : vector<16xf32>
        %swap3A_260 = arith.index_cast %sub3A : i32 to index
        %swap3A_261 = arith.constant 32 : index
        %swap3A_262 = tpu.vector_load %arg7[%swap3A_260, %swap3A_261] {strides = array<i32>} : memref<8x64xf32, #tpu.memory_space<vmem>>, vector<1x16xf32>,
        %swap3A_263 = vector.shape_cast %swap3A_262 : vector<1x16xf32> to vector<16xf32>
        %swap3A_264 = vector.shape_cast %add3A_259 : vector<16xf32> to vector<1x16xf32>
        tpu.vector_store %arg7[%swap3A_260, %swap3A_261], %swap3A_264 {strides = array<i32>} : memref<8x64xf32, #tpu.memory_space<vmem>>, vector<1x16xf32>,
        %get3A_265 = arith.index_cast %sub3A : i32 to index
        %get3A_266 = arith.constant 48 : index
        %get3A_267 = tpu.vector_load %arg7[%get3A_265, %get3A_266] {strides = array<i32>} : memref<8x64xf32, #tpu.memory_space<vmem>>, vector<1x16xf32>,
        %get3A_268 = vector.shape_cast %get3A_267 : vector<1x16xf32> to vector<16xf32>
        %get3A_269 = arith.index_cast %sub3A_207 : i32 to index
        %get3A_270 = arith.constant 48 : index
        %get3A_271 = tpu.vector_load %arg8[%get3A_269, %get3A_270] {strides = array<i32>} : memref<8x64xf32, #tpu.memory_space<vmem>>, vector<1x16xf32>,
        %get3A_272 = vector.shape_cast %get3A_271 : vector<1x16xf32> to vector<16xf32>
        %add3A_273 = arith.addf %get3A_268, %get3A_272 : vector<16xf32>
        %swap3A_274 = arith.index_cast %sub3A : i32 to index
        %swap3A_275 = arith.constant 48 : index
        %swap3A_276 = tpu.vector_load %arg7[%swap3A_274, %swap3A_275] {strides = array<i32>} : memref<8x64xf32, #tpu.memory_space<vmem>>, vector<1x16xf32>,
        %swap3A_277 = vector.shape_cast %swap3A_276 : vector<1x16xf32> to vector<16xf32>
        %swap3A_278 = vector.shape_cast %add3A_273 : vector<16xf32> to vector<1x16xf32>
        tpu.vector_store %arg7[%swap3A_274, %swap3A_275], %swap3A_278 {strides = array<i32>} : memref<8x64xf32, #tpu.memory_space<vmem>>, vector<1x16xf32>,
        %dma_start3A_279 = arith.constant 0 : i32
        %dma_start3A_280 = tpu.memref_slice %arg5[%shift_left3A_198, %dma_start3A_279] : memref<1000000x64xf32, #tpu.memory_space<hbm>> -> memref<8x64xf32, #tpu.memory_space<hbm>>
        %dma_start3A_281 = arith.constant 0 : i32
        %dma_start3A_282 = tpu.memref_slice %arg5[%shift_left3A_198, %dma_start3A_281] : memref<1000000x64xf32, #tpu.memory_space<hbm>> -> memref<8x64xf32, #tpu.memory_space<hbm>>
        tpu.enqueue_dma source(%arg7 : memref<8x64xf32, #tpu.memory_space<vmem>>) target(%dma_start3A_282 : memref<8x64xf32, #tpu.memory_space<hbm>>) target_semaphore(%arg9 : memref<!tpu.dma_semaphore, #tpu.memory_space<semaphore_mem>>)
        %dma_wait3A_283 = arith.constant 0 : i32
        %dma_wait3A_284 = tpu.memref_slice %arg5[%shift_left3A_198, %dma_wait3A_283] : memref<1000000x64xf32, #tpu.memory_space<hbm>> -> memref<8x64xf32, #tpu.memory_space<hbm>>
        %dma_wait3A_285 = arith.constant 0 : i32
        %dma_wait3A_286 = tpu.memref_slice %arg5[%shift_left3A_198, %dma_wait3A_285] : memref<1000000x64xf32, #tpu.memory_space<hbm>> -> memref<8x64xf32, #tpu.memory_space<hbm>>
        tpu.wait_dma2 semaphore(%arg9 : memref<!tpu.dma_semaphore, #tpu.memory_space<semaphore_mem>>) src(%arg7 : memref<8x64xf32, #tpu.memory_space<vmem>>) dst(%dma_wait3A_286 : memref<8x64xf32, #tpu.memory_space<hbm>>)
      } else {
      }
      %slice3A_85 = vector.extract_strided_slice %get3A_73 {offsets = [2], sizes = [1], strides = [1]} : vector<16xi32> to vector<1xi32>
      %squeeze3A_86 = vector.extract %slice3A_85[0] : i32 from vector<1xi32>
      %ge3A_87 = arith.cmpi sge, %squeeze3A_86, %mul3A_2 : i32
      %lt3A_88 = arith.cmpi slt, %squeeze3A_86, %add3A_8 : i32
      %and3A_89 = arith.andi %ge3A_87, %lt3A_88 : i1
      %convert_element_type3A_90 = arith.extui %and3A_89 : i1 to i32
      %cond3A_91 = arith.constant 0 : i32
      %cond3A_92 = arith.cmpi ne, %convert_element_type3A_90, %cond3A_91 : i32
      scf.if %cond3A_92 {
        %shift_right_arithmetic3A = arith.constant 3 : i32
        %shift_right_arithmetic3A_197 = arith.shrsi %squeeze3A_86, %shift_right_arithmetic3A : i32
        %shift_left3A = arith.constant 3 : i32
        %shift_left3A_198 = arith.shli %shift_right_arithmetic3A_197, %shift_left3A : i32
        %sub3A = arith.subi %squeeze3A_86, %shift_left3A_198 : i32
        %mul3A_199 = arith.constant 16 : i32
        %mul3A_200 = arith.muli %scan3A_69, %mul3A_199 : i32
        %add3A_201 = arith.constant 2 : i32
        %add3A_202 = arith.addi %mul3A_200, %add3A_201 : i32
        %shift_right_arithmetic3A_203 = arith.constant 3 : i32
        %shift_right_arithmetic3A_204 = arith.shrsi %add3A_202, %shift_right_arithmetic3A_203 : i32
        %shift_left3A_205 = arith.constant 3 : i32
        %shift_left3A_206 = arith.shli %shift_right_arithmetic3A_204, %shift_left3A_205 : i32
        %sub3A_207 = arith.subi %add3A_202, %shift_left3A_206 : i32
        %dma_start3A_208 = arith.constant 0 : i32
        %dma_start3A_209 = tpu.memref_slice %arg5[%shift_left3A_198, %dma_start3A_208] : memref<1000000x64xf32, #tpu.memory_space<hbm>> -> memref<8x64xf32, #tpu.memory_space<hbm>>
        %dma_start3A_210 = arith.constant 0 : i32
        %dma_start3A_211 = tpu.memref_slice %arg5[%shift_left3A_198, %dma_start3A_210] : memref<1000000x64xf32, #tpu.memory_space<hbm>> -> memref<8x64xf32, #tpu.memory_space<hbm>>
        tpu.enqueue_dma source(%dma_start3A_211 : memref<8x64xf32, #tpu.memory_space<hbm>>) target(%arg7 : memref<8x64xf32, #tpu.memory_space<vmem>>) target_semaphore(%arg9 : memref<!tpu.dma_semaphore, #tpu.memory_space<semaphore_mem>>)
        %dma_start3A_212 = arith.constant 0 : i32
        %dma_start3A_213 = tpu.memref_slice %arg4[%shift_left3A_206, %dma_start3A_212] : memref<16384x64xf32, #tpu.memory_space<hbm>> -> memref<8x64xf32, #tpu.memory_space<hbm>>
        %dma_start3A_214 = arith.constant 0 : i32
        %dma_start3A_215 = tpu.memref_slice %arg4[%shift_left3A_206, %dma_start3A_214] : memref<16384x64xf32, #tpu.memory_space<hbm>> -> memref<8x64xf32, #tpu.memory_space<hbm>>
        tpu.enqueue_dma source(%dma_start3A_215 : memref<8x64xf32, #tpu.memory_space<hbm>>) target(%arg8 : memref<8x64xf32, #tpu.memory_space<vmem>>) target_semaphore(%arg9 : memref<!tpu.dma_semaphore, #tpu.memory_space<semaphore_mem>>)
        %dma_wait3A_216 = arith.constant 0 : i32
        %dma_wait3A_217 = tpu.memref_slice %arg5[%shift_left3A_198, %dma_wait3A_216] : memref<1000000x64xf32, #tpu.memory_space<hbm>> -> memref<8x64xf32, #tpu.memory_space<hbm>>
        %dma_wait3A_218 = arith.constant 0 : i32
        %dma_wait3A_219 = tpu.memref_slice %arg5[%shift_left3A_198, %dma_wait3A_218] : memref<1000000x64xf32, #tpu.memory_space<hbm>> -> memref<8x64xf32, #tpu.memory_space<hbm>>
        tpu.wait_dma2 semaphore(%arg9 : memref<!tpu.dma_semaphore, #tpu.memory_space<semaphore_mem>>) src(%dma_wait3A_219 : memref<8x64xf32, #tpu.memory_space<hbm>>) dst(%arg7 : memref<8x64xf32, #tpu.memory_space<vmem>>)
        %dma_wait3A_220 = arith.constant 0 : i32
        %dma_wait3A_221 = tpu.memref_slice %arg4[%shift_left3A_206, %dma_wait3A_220] : memref<16384x64xf32, #tpu.memory_space<hbm>> -> memref<8x64xf32, #tpu.memory_space<hbm>>
        %dma_wait3A_222 = arith.constant 0 : i32
        %dma_wait3A_223 = tpu.memref_slice %arg4[%shift_left3A_206, %dma_wait3A_222] : memref<16384x64xf32, #tpu.memory_space<hbm>> -> memref<8x64xf32, #tpu.memory_space<hbm>>
        tpu.wait_dma2 semaphore(%arg9 : memref<!tpu.dma_semaphore, #tpu.memory_space<semaphore_mem>>) src(%dma_wait3A_223 : memref<8x64xf32, #tpu.memory_space<hbm>>) dst(%arg8 : memref<8x64xf32, #tpu.memory_space<vmem>>)
        %get3A_224 = arith.index_cast %sub3A : i32 to index
        %get3A_225 = arith.constant 0 : index
        %get3A_226 = tpu.vector_load %arg7[%get3A_224, %get3A_225] {strides = array<i32>} : memref<8x64xf32, #tpu.memory_space<vmem>>, vector<1x16xf32>,
        %get3A_227 = vector.shape_cast %get3A_226 : vector<1x16xf32> to vector<16xf32>
        %get3A_228 = arith.index_cast %sub3A_207 : i32 to index
        %get3A_229 = arith.constant 0 : index
        %get3A_230 = tpu.vector_load %arg8[%get3A_228, %get3A_229] {strides = array<i32>} : memref<8x64xf32, #tpu.memory_space<vmem>>, vector<1x16xf32>,
        %get3A_231 = vector.shape_cast %get3A_230 : vector<1x16xf32> to vector<16xf32>
        %add3A_232 = arith.addf %get3A_227, %get3A_231 : vector<16xf32>
        %swap3A = arith.index_cast %sub3A : i32 to index
        %swap3A_233 = arith.constant 0 : index
        %swap3A_234 = tpu.vector_load %arg7[%swap3A, %swap3A_233] {strides = array<i32>} : memref<8x64xf32, #tpu.memory_space<vmem>>, vector<1x16xf32>,
        %swap3A_235 = vector.shape_cast %swap3A_234 : vector<1x16xf32> to vector<16xf32>
        %swap3A_236 = vector.shape_cast %add3A_232 : vector<16xf32> to vector<1x16xf32>
        tpu.vector_store %arg7[%swap3A, %swap3A_233], %swap3A_236 {strides = array<i32>} : memref<8x64xf32, #tpu.memory_space<vmem>>, vector<1x16xf32>,
        %get3A_237 = arith.index_cast %sub3A : i32 to index
        %get3A_238 = arith.constant 16 : index
        %get3A_239 = tpu.vector_load %arg7[%get3A_237, %get3A_238] {strides = array<i32>} : memref<8x64xf32, #tpu.memory_space<vmem>>, vector<1x16xf32>,
        %get3A_240 = vector.shape_cast %get3A_239 : vector<1x16xf32> to vector<16xf32>
        %get3A_241 = arith.index_cast %sub3A_207 : i32 to index
        %get3A_242 = arith.constant 16 : index
        %get3A_243 = tpu.vector_load %arg8[%get3A_241, %get3A_242] {strides = array<i32>} : memref<8x64xf32, #tpu.memory_space<vmem>>, vector<1x16xf32>,
        %get3A_244 = vector.shape_cast %get3A_243 : vector<1x16xf32> to vector<16xf32>
        %add3A_245 = arith.addf %get3A_240, %get3A_244 : vector<16xf32>
        %swap3A_246 = arith.index_cast %sub3A : i32 to index
        %swap3A_247 = arith.constant 16 : index
        %swap3A_248 = tpu.vector_load %arg7[%swap3A_246, %swap3A_247] {strides = array<i32>} : memref<8x64xf32, #tpu.memory_space<vmem>>, vector<1x16xf32>,
        %swap3A_249 = vector.shape_cast %swap3A_248 : vector<1x16xf32> to vector<16xf32>
        %swap3A_250 = vector.shape_cast %add3A_245 : vector<16xf32> to vector<1x16xf32>
        tpu.vector_store %arg7[%swap3A_246, %swap3A_247], %swap3A_250 {strides = array<i32>} : memref<8x64xf32, #tpu.memory_space<vmem>>, vector<1x16xf32>,
        %get3A_251 = arith.index_cast %sub3A : i32 to index
        %get3A_252 = arith.constant 32 : index
        %get3A_253 = tpu.vector_load %arg7[%get3A_251, %get3A_252] {strides = array<i32>} : memref<8x64xf32, #tpu.memory_space<vmem>>, vector<1x16xf32>,
        %get3A_254 = vector.shape_cast %get3A_253 : vector<1x16xf32> to vector<16xf32>
        %get3A_255 = arith.index_cast %sub3A_207 : i32 to index
        %get3A_256 = arith.constant 32 : index
        %get3A_257 = tpu.vector_load %arg8[%get3A_255, %get3A_256] {strides = array<i32>} : memref<8x64xf32, #tpu.memory_space<vmem>>, vector<1x16xf32>,
        %get3A_258 = vector.shape_cast %get3A_257 : vector<1x16xf32> to vector<16xf32>
        %add3A_259 = arith.addf %get3A_254, %get3A_258 : vector<16xf32>
        %swap3A_260 = arith.index_cast %sub3A : i32 to index
        %swap3A_261 = arith.constant 32 : index
        %swap3A_262 = tpu.vector_load %arg7[%swap3A_260, %swap3A_261] {strides = array<i32>} : memref<8x64xf32, #tpu.memory_space<vmem>>, vector<1x16xf32>,
        %swap3A_263 = vector.shape_cast %swap3A_262 : vector<1x16xf32> to vector<16xf32>
        %swap3A_264 = vector.shape_cast %add3A_259 : vector<16xf32> to vector<1x16xf32>
        tpu.vector_store %arg7[%swap3A_260, %swap3A_261], %swap3A_264 {strides = array<i32>} : memref<8x64xf32, #tpu.memory_space<vmem>>, vector<1x16xf32>,
        %get3A_265 = arith.index_cast %sub3A : i32 to index
        %get3A_266 = arith.constant 48 : index
        %get3A_267 = tpu.vector_load %arg7[%get3A_265, %get3A_266] {strides = array<i32>} : memref<8x64xf32, #tpu.memory_space<vmem>>, vector<1x16xf32>,
        %get3A_268 = vector.shape_cast %get3A_267 : vector<1x16xf32> to vector<16xf32>
        %get3A_269 = arith.index_cast %sub3A_207 : i32 to index
        %get3A_270 = arith.constant 48 : index
        %get3A_271 = tpu.vector_load %arg8[%get3A_269, %get3A_270] {strides = array<i32>} : memref<8x64xf32, #tpu.memory_space<vmem>>, vector<1x16xf32>,
        %get3A_272 = vector.shape_cast %get3A_271 : vector<1x16xf32> to vector<16xf32>
        %add3A_273 = arith.addf %get3A_268, %get3A_272 : vector<16xf32>
        %swap3A_274 = arith.index_cast %sub3A : i32 to index
        %swap3A_275 = arith.constant 48 : index
        %swap3A_276 = tpu.vector_load %arg7[%swap3A_274, %swap3A_275] {strides = array<i32>} : memref<8x64xf32, #tpu.memory_space<vmem>>, vector<1x16xf32>,
        %swap3A_277 = vector.shape_cast %swap3A_276 : vector<1x16xf32> to vector<16xf32>
        %swap3A_278 = vector.shape_cast %add3A_273 : vector<16xf32> to vector<1x16xf32>
        tpu.vector_store %arg7[%swap3A_274, %swap3A_275], %swap3A_278 {strides = array<i32>} : memref<8x64xf32, #tpu.memory_space<vmem>>, vector<1x16xf32>,
        %dma_start3A_279 = arith.constant 0 : i32
        %dma_start3A_280 = tpu.memref_slice %arg5[%shift_left3A_198, %dma_start3A_279] : memref<1000000x64xf32, #tpu.memory_space<hbm>> -> memref<8x64xf32, #tpu.memory_space<hbm>>
        %dma_start3A_281 = arith.constant 0 : i32
        %dma_start3A_282 = tpu.memref_slice %arg5[%shift_left3A_198, %dma_start3A_281] : memref<1000000x64xf32, #tpu.memory_space<hbm>> -> memref<8x64xf32, #tpu.memory_space<hbm>>
        tpu.enqueue_dma source(%arg7 : memref<8x64xf32, #tpu.memory_space<vmem>>) target(%dma_start3A_282 : memref<8x64xf32, #tpu.memory_space<hbm>>) target_semaphore(%arg9 : memref<!tpu.dma_semaphore, #tpu.memory_space<semaphore_mem>>)
        %dma_wait3A_283 = arith.constant 0 : i32
        %dma_wait3A_284 = tpu.memref_slice %arg5[%shift_left3A_198, %dma_wait3A_283] : memref<1000000x64xf32, #tpu.memory_space<hbm>> -> memref<8x64xf32, #tpu.memory_space<hbm>>
        %dma_wait3A_285 = arith.constant 0 : i32
        %dma_wait3A_286 = tpu.memref_slice %arg5[%shift_left3A_198, %dma_wait3A_285] : memref<1000000x64xf32, #tpu.memory_space<hbm>> -> memref<8x64xf32, #tpu.memory_space<hbm>>
        tpu.wait_dma2 semaphore(%arg9 : memref<!tpu.dma_semaphore, #tpu.memory_space<semaphore_mem>>) src(%arg7 : memref<8x64xf32, #tpu.memory_space<vmem>>) dst(%dma_wait3A_286 : memref<8x64xf32, #tpu.memory_space<hbm>>)
      } else {
      }
      %slice3A_93 = vector.extract_strided_slice %get3A_73 {offsets = [3], sizes = [1], strides = [1]} : vector<16xi32> to vector<1xi32>
      %squeeze3A_94 = vector.extract %slice3A_93[0] : i32 from vector<1xi32>
      %ge3A_95 = arith.cmpi sge, %squeeze3A_94, %mul3A_2 : i32
      %lt3A_96 = arith.cmpi slt, %squeeze3A_94, %add3A_8 : i32
      %and3A_97 = arith.andi %ge3A_95, %lt3A_96 : i1
      %convert_element_type3A_98 = arith.extui %and3A_97 : i1 to i32
      %cond3A_99 = arith.constant 0 : i32
      %cond3A_100 = arith.cmpi ne, %convert_element_type3A_98, %cond3A_99 : i32
      scf.if %cond3A_100 {
        %shift_right_arithmetic3A = arith.constant 3 : i32
        %shift_right_arithmetic3A_197 = arith.shrsi %squeeze3A_94, %shift_right_arithmetic3A : i32
        %shift_left3A = arith.constant 3 : i32
        %shift_left3A_198 = arith.shli %shift_right_arithmetic3A_197, %shift_left3A : i32
        %sub3A = arith.subi %squeeze3A_94, %shift_left3A_198 : i32
        %mul3A_199 = arith.constant 16 : i32
        %mul3A_200 = arith.muli %scan3A_69, %mul3A_199 : i32
        %add3A_201 = arith.constant 3 : i32
        %add3A_202 = arith.addi %mul3A_200, %add3A_201 : i32
        %shift_right_arithmetic3A_203 = arith.constant 3 : i32
        %shift_right_arithmetic3A_204 = arith.shrsi %add3A_202, %shift_right_arithmetic3A_203 : i32
        %shift_left3A_205 = arith.constant 3 : i32
        %shift_left3A_206 = arith.shli %shift_right_arithmetic3A_204, %shift_left3A_205 : i32
        %sub3A_207 = arith.subi %add3A_202, %shift_left3A_206 : i32
        %dma_start3A_208 = arith.constant 0 : i32
        %dma_start3A_209 = tpu.memref_slice %arg5[%shift_left3A_198, %dma_start3A_208] : memref<1000000x64xf32, #tpu.memory_space<hbm>> -> memref<8x64xf32, #tpu.memory_space<hbm>>
        %dma_start3A_210 = arith.constant 0 : i32
        %dma_start3A_211 = tpu.memref_slice %arg5[%shift_left3A_198, %dma_start3A_210] : memref<1000000x64xf32, #tpu.memory_space<hbm>> -> memref<8x64xf32, #tpu.memory_space<hbm>>
        tpu.enqueue_dma source(%dma_start3A_211 : memref<8x64xf32, #tpu.memory_space<hbm>>) target(%arg7 : memref<8x64xf32, #tpu.memory_space<vmem>>) target_semaphore(%arg9 : memref<!tpu.dma_semaphore, #tpu.memory_space<semaphore_mem>>)
        %dma_start3A_212 = arith.constant 0 : i32
        %dma_start3A_213 = tpu.memref_slice %arg4[%shift_left3A_206, %dma_start3A_212] : memref<16384x64xf32, #tpu.memory_space<hbm>> -> memref<8x64xf32, #tpu.memory_space<hbm>>
        %dma_start3A_214 = arith.constant 0 : i32
        %dma_start3A_215 = tpu.memref_slice %arg4[%shift_left3A_206, %dma_start3A_214] : memref<16384x64xf32, #tpu.memory_space<hbm>> -> memref<8x64xf32, #tpu.memory_space<hbm>>
        tpu.enqueue_dma source(%dma_start3A_215 : memref<8x64xf32, #tpu.memory_space<hbm>>) target(%arg8 : memref<8x64xf32, #tpu.memory_space<vmem>>) target_semaphore(%arg9 : memref<!tpu.dma_semaphore, #tpu.memory_space<semaphore_mem>>)
        %dma_wait3A_216 = arith.constant 0 : i32
        %dma_wait3A_217 = tpu.memref_slice %arg5[%shift_left3A_198, %dma_wait3A_216] : memref<1000000x64xf32, #tpu.memory_space<hbm>> -> memref<8x64xf32, #tpu.memory_space<hbm>>
        %dma_wait3A_218 = arith.constant 0 : i32
        %dma_wait3A_219 = tpu.memref_slice %arg5[%shift_left3A_198, %dma_wait3A_218] : memref<1000000x64xf32, #tpu.memory_space<hbm>> -> memref<8x64xf32, #tpu.memory_space<hbm>>
        tpu.wait_dma2 semaphore(%arg9 : memref<!tpu.dma_semaphore, #tpu.memory_space<semaphore_mem>>) src(%dma_wait3A_219 : memref<8x64xf32, #tpu.memory_space<hbm>>) dst(%arg7 : memref<8x64xf32, #tpu.memory_space<vmem>>)
        %dma_wait3A_220 = arith.constant 0 : i32
        %dma_wait3A_221 = tpu.memref_slice %arg4[%shift_left3A_206, %dma_wait3A_220] : memref<16384x64xf32, #tpu.memory_space<hbm>> -> memref<8x64xf32, #tpu.memory_space<hbm>>
        %dma_wait3A_222 = arith.constant 0 : i32
        %dma_wait3A_223 = tpu.memref_slice %arg4[%shift_left3A_206, %dma_wait3A_222] : memref<16384x64xf32, #tpu.memory_space<hbm>> -> memref<8x64xf32, #tpu.memory_space<hbm>>
        tpu.wait_dma2 semaphore(%arg9 : memref<!tpu.dma_semaphore, #tpu.memory_space<semaphore_mem>>) src(%dma_wait3A_223 : memref<8x64xf32, #tpu.memory_space<hbm>>) dst(%arg8 : memref<8x64xf32, #tpu.memory_space<vmem>>)
        %get3A_224 = arith.index_cast %sub3A : i32 to index
        %get3A_225 = arith.constant 0 : index
        %get3A_226 = tpu.vector_load %arg7[%get3A_224, %get3A_225] {strides = array<i32>} : memref<8x64xf32, #tpu.memory_space<vmem>>, vector<1x16xf32>,
        %get3A_227 = vector.shape_cast %get3A_226 : vector<1x16xf32> to vector<16xf32>
        %get3A_228 = arith.index_cast %sub3A_207 : i32 to index
        %get3A_229 = arith.constant 0 : index
        %get3A_230 = tpu.vector_load %arg8[%get3A_228, %get3A_229] {strides = array<i32>} : memref<8x64xf32, #tpu.memory_space<vmem>>, vector<1x16xf32>,
        %get3A_231 = vector.shape_cast %get3A_230 : vector<1x16xf32> to vector<16xf32>
        %add3A_232 = arith.addf %get3A_227, %get3A_231 : vector<16xf32>
        %swap3A = arith.index_cast %sub3A : i32 to index
        %swap3A_233 = arith.constant 0 : index
        %swap3A_234 = tpu.vector_load %arg7[%swap3A, %swap3A_233] {strides = array<i32>} : memref<8x64xf32, #tpu.memory_space<vmem>>, vector<1x16xf32>,
        %swap3A_235 = vector.shape_cast %swap3A_234 : vector<1x16xf32> to vector<16xf32>
        %swap3A_236 = vector.shape_cast %add3A_232 : vector<16xf32> to vector<1x16xf32>
        tpu.vector_store %arg7[%swap3A, %swap3A_233], %swap3A_236 {strides = array<i32>} : memref<8x64xf32, #tpu.memory_space<vmem>>, vector<1x16xf32>,
        %get3A_237 = arith.index_cast %sub3A : i32 to index
        %get3A_238 = arith.constant 16 : index
        %get3A_239 = tpu.vector_load %arg7[%get3A_237, %get3A_238] {strides = array<i32>} : memref<8x64xf32, #tpu.memory_space<vmem>>, vector<1x16xf32>,
        %get3A_240 = vector.shape_cast %get3A_239 : vector<1x16xf32> to vector<16xf32>
        %get3A_241 = arith.index_cast %sub3A_207 : i32 to index
        %get3A_242 = arith.constant 16 : index
        %get3A_243 = tpu.vector_load %arg8[%get3A_241, %get3A_242] {strides = array<i32>} : memref<8x64xf32, #tpu.memory_space<vmem>>, vector<1x16xf32>,
        %get3A_244 = vector.shape_cast %get3A_243 : vector<1x16xf32> to vector<16xf32>
        %add3A_245 = arith.addf %get3A_240, %get3A_244 : vector<16xf32>
        %swap3A_246 = arith.index_cast %sub3A : i32 to index
        %swap3A_247 = arith.constant 16 : index
        %swap3A_248 = tpu.vector_load %arg7[%swap3A_246, %swap3A_247] {strides = array<i32>} : memref<8x64xf32, #tpu.memory_space<vmem>>, vector<1x16xf32>,
        %swap3A_249 = vector.shape_cast %swap3A_248 : vector<1x16xf32> to vector<16xf32>
        %swap3A_250 = vector.shape_cast %add3A_245 : vector<16xf32> to vector<1x16xf32>
        tpu.vector_store %arg7[%swap3A_246, %swap3A_247], %swap3A_250 {strides = array<i32>} : memref<8x64xf32, #tpu.memory_space<vmem>>, vector<1x16xf32>,
        %get3A_251 = arith.index_cast %sub3A : i32 to index
        %get3A_252 = arith.constant 32 : index
        %get3A_253 = tpu.vector_load %arg7[%get3A_251, %get3A_252] {strides = array<i32>} : memref<8x64xf32, #tpu.memory_space<vmem>>, vector<1x16xf32>,
        %get3A_254 = vector.shape_cast %get3A_253 : vector<1x16xf32> to vector<16xf32>
        %get3A_255 = arith.index_cast %sub3A_207 : i32 to index
        %get3A_256 = arith.constant 32 : index
        %get3A_257 = tpu.vector_load %arg8[%get3A_255, %get3A_256] {strides = array<i32>} : memref<8x64xf32, #tpu.memory_space<vmem>>, vector<1x16xf32>,
        %get3A_258 = vector.shape_cast %get3A_257 : vector<1x16xf32> to vector<16xf32>
        %add3A_259 = arith.addf %get3A_254, %get3A_258 : vector<16xf32>
        %swap3A_260 = arith.index_cast %sub3A : i32 to index
        %swap3A_261 = arith.constant 32 : index
        %swap3A_262 = tpu.vector_load %arg7[%swap3A_260, %swap3A_261] {strides = array<i32>} : memref<8x64xf32, #tpu.memory_space<vmem>>, vector<1x16xf32>,
        %swap3A_263 = vector.shape_cast %swap3A_262 : vector<1x16xf32> to vector<16xf32>
        %swap3A_264 = vector.shape_cast %add3A_259 : vector<16xf32> to vector<1x16xf32>
        tpu.vector_store %arg7[%swap3A_260, %swap3A_261], %swap3A_264 {strides = array<i32>} : memref<8x64xf32, #tpu.memory_space<vmem>>, vector<1x16xf32>,
        %get3A_265 = arith.index_cast %sub3A : i32 to index
        %get3A_266 = arith.constant 48 : index
        %get3A_267 = tpu.vector_load %arg7[%get3A_265, %get3A_266] {strides = array<i32>} : memref<8x64xf32, #tpu.memory_space<vmem>>, vector<1x16xf32>,
        %get3A_268 = vector.shape_cast %get3A_267 : vector<1x16xf32> to vector<16xf32>
        %get3A_269 = arith.index_cast %sub3A_207 : i32 to index
        %get3A_270 = arith.constant 48 : index
        %get3A_271 = tpu.vector_load %arg8[%get3A_269, %get3A_270] {strides = array<i32>} : memref<8x64xf32, #tpu.memory_space<vmem>>, vector<1x16xf32>,
        %get3A_272 = vector.shape_cast %get3A_271 : vector<1x16xf32> to vector<16xf32>
        %add3A_273 = arith.addf %get3A_268, %get3A_272 : vector<16xf32>
        %swap3A_274 = arith.index_cast %sub3A : i32 to index
        %swap3A_275 = arith.constant 48 : index
        %swap3A_276 = tpu.vector_load %arg7[%swap3A_274, %swap3A_275] {strides = array<i32>} : memref<8x64xf32, #tpu.memory_space<vmem>>, vector<1x16xf32>,
        %swap3A_277 = vector.shape_cast %swap3A_276 : vector<1x16xf32> to vector<16xf32>
        %swap3A_278 = vector.shape_cast %add3A_273 : vector<16xf32> to vector<1x16xf32>
        tpu.vector_store %arg7[%swap3A_274, %swap3A_275], %swap3A_278 {strides = array<i32>} : memref<8x64xf32, #tpu.memory_space<vmem>>, vector<1x16xf32>,
        %dma_start3A_279 = arith.constant 0 : i32
        %dma_start3A_280 = tpu.memref_slice %arg5[%shift_left3A_198, %dma_start3A_279] : memref<1000000x64xf32, #tpu.memory_space<hbm>> -> memref<8x64xf32, #tpu.memory_space<hbm>>
        %dma_start3A_281 = arith.constant 0 : i32
        %dma_start3A_282 = tpu.memref_slice %arg5[%shift_left3A_198, %dma_start3A_281] : memref<1000000x64xf32, #tpu.memory_space<hbm>> -> memref<8x64xf32, #tpu.memory_space<hbm>>
        tpu.enqueue_dma source(%arg7 : memref<8x64xf32, #tpu.memory_space<vmem>>) target(%dma_start3A_282 : memref<8x64xf32, #tpu.memory_space<hbm>>) target_semaphore(%arg9 : memref<!tpu.dma_semaphore, #tpu.memory_space<semaphore_mem>>)
        %dma_wait3A_283 = arith.constant 0 : i32
        %dma_wait3A_284 = tpu.memref_slice %arg5[%shift_left3A_198, %dma_wait3A_283] : memref<1000000x64xf32, #tpu.memory_space<hbm>> -> memref<8x64xf32, #tpu.memory_space<hbm>>
        %dma_wait3A_285 = arith.constant 0 : i32
        %dma_wait3A_286 = tpu.memref_slice %arg5[%shift_left3A_198, %dma_wait3A_285] : memref<1000000x64xf32, #tpu.memory_space<hbm>> -> memref<8x64xf32, #tpu.memory_space<hbm>>
        tpu.wait_dma2 semaphore(%arg9 : memref<!tpu.dma_semaphore, #tpu.memory_space<semaphore_mem>>) src(%arg7 : memref<8x64xf32, #tpu.memory_space<vmem>>) dst(%dma_wait3A_286 : memref<8x64xf32, #tpu.memory_space<hbm>>)
      } else {
      }
      %slice3A_101 = vector.extract_strided_slice %get3A_73 {offsets = [4], sizes = [1], strides = [1]} : vector<16xi32> to vector<1xi32>
      %squeeze3A_102 = vector.extract %slice3A_101[0] : i32 from vector<1xi32>
      %ge3A_103 = arith.cmpi sge, %squeeze3A_102, %mul3A_2 : i32
      %lt3A_104 = arith.cmpi slt, %squeeze3A_102, %add3A_8 : i32
      %and3A_105 = arith.andi %ge3A_103, %lt3A_104 : i1
      %convert_element_type3A_106 = arith.extui %and3A_105 : i1 to i32
      %cond3A_107 = arith.constant 0 : i32
      %cond3A_108 = arith.cmpi ne, %convert_element_type3A_106, %cond3A_107 : i32
      scf.if %cond3A_108 {
        %shift_right_arithmetic3A = arith.constant 3 : i32
        %shift_right_arithmetic3A_197 = arith.shrsi %squeeze3A_102, %shift_right_arithmetic3A : i32
        %shift_left3A = arith.constant 3 : i32
        %shift_left3A_198 = arith.shli %shift_right_arithmetic3A_197, %shift_left3A : i32
        %sub3A = arith.subi %squeeze3A_102, %shift_left3A_198 : i32
        %mul3A_199 = arith.constant 16 : i32
        %mul3A_200 = arith.muli %scan3A_69, %mul3A_199 : i32
        %add3A_201 = arith.constant 4 : i32
        %add3A_202 = arith.addi %mul3A_200, %add3A_201 : i32
        %shift_right_arithmetic3A_203 = arith.constant 3 : i32
        %shift_right_arithmetic3A_204 = arith.shrsi %add3A_202, %shift_right_arithmetic3A_203 : i32
        %shift_left3A_205 = arith.constant 3 : i32
        %shift_left3A_206 = arith.shli %shift_right_arithmetic3A_204, %shift_left3A_205 : i32
        %sub3A_207 = arith.subi %add3A_202, %shift_left3A_206 : i32
        %dma_start3A_208 = arith.constant 0 : i32
        %dma_start3A_209 = tpu.memref_slice %arg5[%shift_left3A_198, %dma_start3A_208] : memref<1000000x64xf32, #tpu.memory_space<hbm>> -> memref<8x64xf32, #tpu.memory_space<hbm>>
        %dma_start3A_210 = arith.constant 0 : i32
        %dma_start3A_211 = tpu.memref_slice %arg5[%shift_left3A_198, %dma_start3A_210] : memref<1000000x64xf32, #tpu.memory_space<hbm>> -> memref<8x64xf32, #tpu.memory_space<hbm>>
        tpu.enqueue_dma source(%dma_start3A_211 : memref<8x64xf32, #tpu.memory_space<hbm>>) target(%arg7 : memref<8x64xf32, #tpu.memory_space<vmem>>) target_semaphore(%arg9 : memref<!tpu.dma_semaphore, #tpu.memory_space<semaphore_mem>>)
        %dma_start3A_212 = arith.constant 0 : i32
        %dma_start3A_213 = tpu.memref_slice %arg4[%shift_left3A_206, %dma_start3A_212] : memref<16384x64xf32, #tpu.memory_space<hbm>> -> memref<8x64xf32, #tpu.memory_space<hbm>>
        %dma_start3A_214 = arith.constant 0 : i32
        %dma_start3A_215 = tpu.memref_slice %arg4[%shift_left3A_206, %dma_start3A_214] : memref<16384x64xf32, #tpu.memory_space<hbm>> -> memref<8x64xf32, #tpu.memory_space<hbm>>
        tpu.enqueue_dma source(%dma_start3A_215 : memref<8x64xf32, #tpu.memory_space<hbm>>) target(%arg8 : memref<8x64xf32, #tpu.memory_space<vmem>>) target_semaphore(%arg9 : memref<!tpu.dma_semaphore, #tpu.memory_space<semaphore_mem>>)
        %dma_wait3A_216 = arith.constant 0 : i32
        %dma_wait3A_217 = tpu.memref_slice %arg5[%shift_left3A_198, %dma_wait3A_216] : memref<1000000x64xf32, #tpu.memory_space<hbm>> -> memref<8x64xf32, #tpu.memory_space<hbm>>
        %dma_wait3A_218 = arith.constant 0 : i32
        %dma_wait3A_219 = tpu.memref_slice %arg5[%shift_left3A_198, %dma_wait3A_218] : memref<1000000x64xf32, #tpu.memory_space<hbm>> -> memref<8x64xf32, #tpu.memory_space<hbm>>
        tpu.wait_dma2 semaphore(%arg9 : memref<!tpu.dma_semaphore, #tpu.memory_space<semaphore_mem>>) src(%dma_wait3A_219 : memref<8x64xf32, #tpu.memory_space<hbm>>) dst(%arg7 : memref<8x64xf32, #tpu.memory_space<vmem>>)
        %dma_wait3A_220 = arith.constant 0 : i32
        %dma_wait3A_221 = tpu.memref_slice %arg4[%shift_left3A_206, %dma_wait3A_220] : memref<16384x64xf32, #tpu.memory_space<hbm>> -> memref<8x64xf32, #tpu.memory_space<hbm>>
        %dma_wait3A_222 = arith.constant 0 : i32
        %dma_wait3A_223 = tpu.memref_slice %arg4[%shift_left3A_206, %dma_wait3A_222] : memref<16384x64xf32, #tpu.memory_space<hbm>> -> memref<8x64xf32, #tpu.memory_space<hbm>>
        tpu.wait_dma2 semaphore(%arg9 : memref<!tpu.dma_semaphore, #tpu.memory_space<semaphore_mem>>) src(%dma_wait3A_223 : memref<8x64xf32, #tpu.memory_space<hbm>>) dst(%arg8 : memref<8x64xf32, #tpu.memory_space<vmem>>)
        %get3A_224 = arith.index_cast %sub3A : i32 to index
        %get3A_225 = arith.constant 0 : index
        %get3A_226 = tpu.vector_load %arg7[%get3A_224, %get3A_225] {strides = array<i32>} : memref<8x64xf32, #tpu.memory_space<vmem>>, vector<1x16xf32>,
        %get3A_227 = vector.shape_cast %get3A_226 : vector<1x16xf32> to vector<16xf32>
        %get3A_228 = arith.index_cast %sub3A_207 : i32 to index
        %get3A_229 = arith.constant 0 : index
        %get3A_230 = tpu.vector_load %arg8[%get3A_228, %get3A_229] {strides = array<i32>} : memref<8x64xf32, #tpu.memory_space<vmem>>, vector<1x16xf32>,
        %get3A_231 = vector.shape_cast %get3A_230 : vector<1x16xf32> to vector<16xf32>
        %add3A_232 = arith.addf %get3A_227, %get3A_231 : vector<16xf32>
        %swap3A = arith.index_cast %sub3A : i32 to index
        %swap3A_233 = arith.constant 0 : index
        %swap3A_234 = tpu.vector_load %arg7[%swap3A, %swap3A_233] {strides = array<i32>} : memref<8x64xf32, #tpu.memory_space<vmem>>, vector<1x16xf32>,
        %swap3A_235 = vector.shape_cast %swap3A_234 : vector<1x16xf32> to vector<16xf32>
        %swap3A_236 = vector.shape_cast %add3A_232 : vector<16xf32> to vector<1x16xf32>
        tpu.vector_store %arg7[%swap3A, %swap3A_233], %swap3A_236 {strides = array<i32>} : memref<8x64xf32, #tpu.memory_space<vmem>>, vector<1x16xf32>,
        %get3A_237 = arith.index_cast %sub3A : i32 to index
        %get3A_238 = arith.constant 16 : index
        %get3A_239 = tpu.vector_load %arg7[%get3A_237, %get3A_238] {strides = array<i32>} : memref<8x64xf32, #tpu.memory_space<vmem>>, vector<1x16xf32>,
        %get3A_240 = vector.shape_cast %get3A_239 : vector<1x16xf32> to vector<16xf32>
        %get3A_241 = arith.index_cast %sub3A_207 : i32 to index
        %get3A_242 = arith.constant 16 : index
        %get3A_243 = tpu.vector_load %arg8[%get3A_241, %get3A_242] {strides = array<i32>} : memref<8x64xf32, #tpu.memory_space<vmem>>, vector<1x16xf32>,
        %get3A_244 = vector.shape_cast %get3A_243 : vector<1x16xf32> to vector<16xf32>
        %add3A_245 = arith.addf %get3A_240, %get3A_244 : vector<16xf32>
        %swap3A_246 = arith.index_cast %sub3A : i32 to index
        %swap3A_247 = arith.constant 16 : index
        %swap3A_248 = tpu.vector_load %arg7[%swap3A_246, %swap3A_247] {strides = array<i32>} : memref<8x64xf32, #tpu.memory_space<vmem>>, vector<1x16xf32>,
        %swap3A_249 = vector.shape_cast %swap3A_248 : vector<1x16xf32> to vector<16xf32>
        %swap3A_250 = vector.shape_cast %add3A_245 : vector<16xf32> to vector<1x16xf32>
        tpu.vector_store %arg7[%swap3A_246, %swap3A_247], %swap3A_250 {strides = array<i32>} : memref<8x64xf32, #tpu.memory_space<vmem>>, vector<1x16xf32>,
        %get3A_251 = arith.index_cast %sub3A : i32 to index
        %get3A_252 = arith.constant 32 : index
        %get3A_253 = tpu.vector_load %arg7[%get3A_251, %get3A_252] {strides = array<i32>} : memref<8x64xf32, #tpu.memory_space<vmem>>, vector<1x16xf32>,
        %get3A_254 = vector.shape_cast %get3A_253 : vector<1x16xf32> to vector<16xf32>
        %get3A_255 = arith.index_cast %sub3A_207 : i32 to index
        %get3A_256 = arith.constant 32 : index
        %get3A_257 = tpu.vector_load %arg8[%get3A_255, %get3A_256] {strides = array<i32>} : memref<8x64xf32, #tpu.memory_space<vmem>>, vector<1x16xf32>,
        %get3A_258 = vector.shape_cast %get3A_257 : vector<1x16xf32> to vector<16xf32>
        %add3A_259 = arith.addf %get3A_254, %get3A_258 : vector<16xf32>
        %swap3A_260 = arith.index_cast %sub3A : i32 to index
        %swap3A_261 = arith.constant 32 : index
        %swap3A_262 = tpu.vector_load %arg7[%swap3A_260, %swap3A_261] {strides = array<i32>} : memref<8x64xf32, #tpu.memory_space<vmem>>, vector<1x16xf32>,
        %swap3A_263 = vector.shape_cast %swap3A_262 : vector<1x16xf32> to vector<16xf32>
        %swap3A_264 = vector.shape_cast %add3A_259 : vector<16xf32> to vector<1x16xf32>
        tpu.vector_store %arg7[%swap3A_260, %swap3A_261], %swap3A_264 {strides = array<i32>} : memref<8x64xf32, #tpu.memory_space<vmem>>, vector<1x16xf32>,
        %get3A_265 = arith.index_cast %sub3A : i32 to index
        %get3A_266 = arith.constant 48 : index
        %get3A_267 = tpu.vector_load %arg7[%get3A_265, %get3A_266] {strides = array<i32>} : memref<8x64xf32, #tpu.memory_space<vmem>>, vector<1x16xf32>,
        %get3A_268 = vector.shape_cast %get3A_267 : vector<1x16xf32> to vector<16xf32>
        %get3A_269 = arith.index_cast %sub3A_207 : i32 to index
        %get3A_270 = arith.constant 48 : index
        %get3A_271 = tpu.vector_load %arg8[%get3A_269, %get3A_270] {strides = array<i32>} : memref<8x64xf32, #tpu.memory_space<vmem>>, vector<1x16xf32>,
        %get3A_272 = vector.shape_cast %get3A_271 : vector<1x16xf32> to vector<16xf32>
        %add3A_273 = arith.addf %get3A_268, %get3A_272 : vector<16xf32>
        %swap3A_274 = arith.index_cast %sub3A : i32 to index
        %swap3A_275 = arith.constant 48 : index
        %swap3A_276 = tpu.vector_load %arg7[%swap3A_274, %swap3A_275] {strides = array<i32>} : memref<8x64xf32, #tpu.memory_space<vmem>>, vector<1x16xf32>,
        %swap3A_277 = vector.shape_cast %swap3A_276 : vector<1x16xf32> to vector<16xf32>
        %swap3A_278 = vector.shape_cast %add3A_273 : vector<16xf32> to vector<1x16xf32>
        tpu.vector_store %arg7[%swap3A_274, %swap3A_275], %swap3A_278 {strides = array<i32>} : memref<8x64xf32, #tpu.memory_space<vmem>>, vector<1x16xf32>,
        %dma_start3A_279 = arith.constant 0 : i32
        %dma_start3A_280 = tpu.memref_slice %arg5[%shift_left3A_198, %dma_start3A_279] : memref<1000000x64xf32, #tpu.memory_space<hbm>> -> memref<8x64xf32, #tpu.memory_space<hbm>>
        %dma_start3A_281 = arith.constant 0 : i32
        %dma_start3A_282 = tpu.memref_slice %arg5[%shift_left3A_198, %dma_start3A_281] : memref<1000000x64xf32, #tpu.memory_space<hbm>> -> memref<8x64xf32, #tpu.memory_space<hbm>>
        tpu.enqueue_dma source(%arg7 : memref<8x64xf32, #tpu.memory_space<vmem>>) target(%dma_start3A_282 : memref<8x64xf32, #tpu.memory_space<hbm>>) target_semaphore(%arg9 : memref<!tpu.dma_semaphore, #tpu.memory_space<semaphore_mem>>)
        %dma_wait3A_283 = arith.constant 0 : i32
        %dma_wait3A_284 = tpu.memref_slice %arg5[%shift_left3A_198, %dma_wait3A_283] : memref<1000000x64xf32, #tpu.memory_space<hbm>> -> memref<8x64xf32, #tpu.memory_space<hbm>>
        %dma_wait3A_285 = arith.constant 0 : i32
        %dma_wait3A_286 = tpu.memref_slice %arg5[%shift_left3A_198, %dma_wait3A_285] : memref<1000000x64xf32, #tpu.memory_space<hbm>> -> memref<8x64xf32, #tpu.memory_space<hbm>>
        tpu.wait_dma2 semaphore(%arg9 : memref<!tpu.dma_semaphore, #tpu.memory_space<semaphore_mem>>) src(%arg7 : memref<8x64xf32, #tpu.memory_space<vmem>>) dst(%dma_wait3A_286 : memref<8x64xf32, #tpu.memory_space<hbm>>)
      } else {
      }
      %slice3A_109 = vector.extract_strided_slice %get3A_73 {offsets = [5], sizes = [1], strides = [1]} : vector<16xi32> to vector<1xi32>
      %squeeze3A_110 = vector.extract %slice3A_109[0] : i32 from vector<1xi32>
      %ge3A_111 = arith.cmpi sge, %squeeze3A_110, %mul3A_2 : i32
      %lt3A_112 = arith.cmpi slt, %squeeze3A_110, %add3A_8 : i32
      %and3A_113 = arith.andi %ge3A_111, %lt3A_112 : i1
      %convert_element_type3A_114 = arith.extui %and3A_113 : i1 to i32
      %cond3A_115 = arith.constant 0 : i32
      %cond3A_116 = arith.cmpi ne, %convert_element_type3A_114, %cond3A_115 : i32
      scf.if %cond3A_116 {
        %shift_right_arithmetic3A = arith.constant 3 : i32
        %shift_right_arithmetic3A_197 = arith.shrsi %squeeze3A_110, %shift_right_arithmetic3A : i32
        %shift_left3A = arith.constant 3 : i32
        %shift_left3A_198 = arith.shli %shift_right_arithmetic3A_197, %shift_left3A : i32
        %sub3A = arith.subi %squeeze3A_110, %shift_left3A_198 : i32
        %mul3A_199 = arith.constant 16 : i32
        %mul3A_200 = arith.muli %scan3A_69, %mul3A_199 : i32
        %add3A_201 = arith.constant 5 : i32
        %add3A_202 = arith.addi %mul3A_200, %add3A_201 : i32
        %shift_right_arithmetic3A_203 = arith.constant 3 : i32
        %shift_right_arithmetic3A_204 = arith.shrsi %add3A_202, %shift_right_arithmetic3A_203 : i32
        %shift_left3A_205 = arith.constant 3 : i32
        %shift_left3A_206 = arith.shli %shift_right_arithmetic3A_204, %shift_left3A_205 : i32
        %sub3A_207 = arith.subi %add3A_202, %shift_left3A_206 : i32
        %dma_start3A_208 = arith.constant 0 : i32
        %dma_start3A_209 = tpu.memref_slice %arg5[%shift_left3A_198, %dma_start3A_208] : memref<1000000x64xf32, #tpu.memory_space<hbm>> -> memref<8x64xf32, #tpu.memory_space<hbm>>
        %dma_start3A_210 = arith.constant 0 : i32
        %dma_start3A_211 = tpu.memref_slice %arg5[%shift_left3A_198, %dma_start3A_210] : memref<1000000x64xf32, #tpu.memory_space<hbm>> -> memref<8x64xf32, #tpu.memory_space<hbm>>
        tpu.enqueue_dma source(%dma_start3A_211 : memref<8x64xf32, #tpu.memory_space<hbm>>) target(%arg7 : memref<8x64xf32, #tpu.memory_space<vmem>>) target_semaphore(%arg9 : memref<!tpu.dma_semaphore, #tpu.memory_space<semaphore_mem>>)
        %dma_start3A_212 = arith.constant 0 : i32
        %dma_start3A_213 = tpu.memref_slice %arg4[%shift_left3A_206, %dma_start3A_212] : memref<16384x64xf32, #tpu.memory_space<hbm>> -> memref<8x64xf32, #tpu.memory_space<hbm>>
        %dma_start3A_214 = arith.constant 0 : i32
        %dma_start3A_215 = tpu.memref_slice %arg4[%shift_left3A_206, %dma_start3A_214] : memref<16384x64xf32, #tpu.memory_space<hbm>> -> memref<8x64xf32, #tpu.memory_space<hbm>>
        tpu.enqueue_dma source(%dma_start3A_215 : memref<8x64xf32, #tpu.memory_space<hbm>>) target(%arg8 : memref<8x64xf32, #tpu.memory_space<vmem>>) target_semaphore(%arg9 : memref<!tpu.dma_semaphore, #tpu.memory_space<semaphore_mem>>)
        %dma_wait3A_216 = arith.constant 0 : i32
        %dma_wait3A_217 = tpu.memref_slice %arg5[%shift_left3A_198, %dma_wait3A_216] : memref<1000000x64xf32, #tpu.memory_space<hbm>> -> memref<8x64xf32, #tpu.memory_space<hbm>>
        %dma_wait3A_218 = arith.constant 0 : i32
        %dma_wait3A_219 = tpu.memref_slice %arg5[%shift_left3A_198, %dma_wait3A_218] : memref<1000000x64xf32, #tpu.memory_space<hbm>> -> memref<8x64xf32, #tpu.memory_space<hbm>>
        tpu.wait_dma2 semaphore(%arg9 : memref<!tpu.dma_semaphore, #tpu.memory_space<semaphore_mem>>) src(%dma_wait3A_219 : memref<8x64xf32, #tpu.memory_space<hbm>>) dst(%arg7 : memref<8x64xf32, #tpu.memory_space<vmem>>)
        %dma_wait3A_220 = arith.constant 0 : i32
        %dma_wait3A_221 = tpu.memref_slice %arg4[%shift_left3A_206, %dma_wait3A_220] : memref<16384x64xf32, #tpu.memory_space<hbm>> -> memref<8x64xf32, #tpu.memory_space<hbm>>
        %dma_wait3A_222 = arith.constant 0 : i32
        %dma_wait3A_223 = tpu.memref_slice %arg4[%shift_left3A_206, %dma_wait3A_222] : memref<16384x64xf32, #tpu.memory_space<hbm>> -> memref<8x64xf32, #tpu.memory_space<hbm>>
        tpu.wait_dma2 semaphore(%arg9 : memref<!tpu.dma_semaphore, #tpu.memory_space<semaphore_mem>>) src(%dma_wait3A_223 : memref<8x64xf32, #tpu.memory_space<hbm>>) dst(%arg8 : memref<8x64xf32, #tpu.memory_space<vmem>>)
        %get3A_224 = arith.index_cast %sub3A : i32 to index
        %get3A_225 = arith.constant 0 : index
        %get3A_226 = tpu.vector_load %arg7[%get3A_224, %get3A_225] {strides = array<i32>} : memref<8x64xf32, #tpu.memory_space<vmem>>, vector<1x16xf32>,
        %get3A_227 = vector.shape_cast %get3A_226 : vector<1x16xf32> to vector<16xf32>
        %get3A_228 = arith.index_cast %sub3A_207 : i32 to index
        %get3A_229 = arith.constant 0 : index
        %get3A_230 = tpu.vector_load %arg8[%get3A_228, %get3A_229] {strides = array<i32>} : memref<8x64xf32, #tpu.memory_space<vmem>>, vector<1x16xf32>,
        %get3A_231 = vector.shape_cast %get3A_230 : vector<1x16xf32> to vector<16xf32>
        %add3A_232 = arith.addf %get3A_227, %get3A_231 : vector<16xf32>
        %swap3A = arith.index_cast %sub3A : i32 to index
        %swap3A_233 = arith.constant 0 : index
        %swap3A_234 = tpu.vector_load %arg7[%swap3A, %swap3A_233] {strides = array<i32>} : memref<8x64xf32, #tpu.memory_space<vmem>>, vector<1x16xf32>,
        %swap3A_235 = vector.shape_cast %swap3A_234 : vector<1x16xf32> to vector<16xf32>
        %swap3A_236 = vector.shape_cast %add3A_232 : vector<16xf32> to vector<1x16xf32>
        tpu.vector_store %arg7[%swap3A, %swap3A_233], %swap3A_236 {strides = array<i32>} : memref<8x64xf32, #tpu.memory_space<vmem>>, vector<1x16xf32>,
        %get3A_237 = arith.index_cast %sub3A : i32 to index
        %get3A_238 = arith.constant 16 : index
        %get3A_239 = tpu.vector_load %arg7[%get3A_237, %get3A_238] {strides = array<i32>} : memref<8x64xf32, #tpu.memory_space<vmem>>, vector<1x16xf32>,
        %get3A_240 = vector.shape_cast %get3A_239 : vector<1x16xf32> to vector<16xf32>
        %get3A_241 = arith.index_cast %sub3A_207 : i32 to index
        %get3A_242 = arith.constant 16 : index
        %get3A_243 = tpu.vector_load %arg8[%get3A_241, %get3A_242] {strides = array<i32>} : memref<8x64xf32, #tpu.memory_space<vmem>>, vector<1x16xf32>,
        %get3A_244 = vector.shape_cast %get3A_243 : vector<1x16xf32> to vector<16xf32>
        %add3A_245 = arith.addf %get3A_240, %get3A_244 : vector<16xf32>
        %swap3A_246 = arith.index_cast %sub3A : i32 to index
        %swap3A_247 = arith.constant 16 : index
        %swap3A_248 = tpu.vector_load %arg7[%swap3A_246, %swap3A_247] {strides = array<i32>} : memref<8x64xf32, #tpu.memory_space<vmem>>, vector<1x16xf32>,
        %swap3A_249 = vector.shape_cast %swap3A_248 : vector<1x16xf32> to vector<16xf32>
        %swap3A_250 = vector.shape_cast %add3A_245 : vector<16xf32> to vector<1x16xf32>
        tpu.vector_store %arg7[%swap3A_246, %swap3A_247], %swap3A_250 {strides = array<i32>} : memref<8x64xf32, #tpu.memory_space<vmem>>, vector<1x16xf32>,
        %get3A_251 = arith.index_cast %sub3A : i32 to index
        %get3A_252 = arith.constant 32 : index
        %get3A_253 = tpu.vector_load %arg7[%get3A_251, %get3A_252] {strides = array<i32>} : memref<8x64xf32, #tpu.memory_space<vmem>>, vector<1x16xf32>,
        %get3A_254 = vector.shape_cast %get3A_253 : vector<1x16xf32> to vector<16xf32>
        %get3A_255 = arith.index_cast %sub3A_207 : i32 to index
        %get3A_256 = arith.constant 32 : index
        %get3A_257 = tpu.vector_load %arg8[%get3A_255, %get3A_256] {strides = array<i32>} : memref<8x64xf32, #tpu.memory_space<vmem>>, vector<1x16xf32>,
        %get3A_258 = vector.shape_cast %get3A_257 : vector<1x16xf32> to vector<16xf32>
        %add3A_259 = arith.addf %get3A_254, %get3A_258 : vector<16xf32>
        %swap3A_260 = arith.index_cast %sub3A : i32 to index
        %swap3A_261 = arith.constant 32 : index
        %swap3A_262 = tpu.vector_load %arg7[%swap3A_260, %swap3A_261] {strides = array<i32>} : memref<8x64xf32, #tpu.memory_space<vmem>>, vector<1x16xf32>,
        %swap3A_263 = vector.shape_cast %swap3A_262 : vector<1x16xf32> to vector<16xf32>
        %swap3A_264 = vector.shape_cast %add3A_259 : vector<16xf32> to vector<1x16xf32>
        tpu.vector_store %arg7[%swap3A_260, %swap3A_261], %swap3A_264 {strides = array<i32>} : memref<8x64xf32, #tpu.memory_space<vmem>>, vector<1x16xf32>,
        %get3A_265 = arith.index_cast %sub3A : i32 to index
        %get3A_266 = arith.constant 48 : index
        %get3A_267 = tpu.vector_load %arg7[%get3A_265, %get3A_266] {strides = array<i32>} : memref<8x64xf32, #tpu.memory_space<vmem>>, vector<1x16xf32>,
        %get3A_268 = vector.shape_cast %get3A_267 : vector<1x16xf32> to vector<16xf32>
        %get3A_269 = arith.index_cast %sub3A_207 : i32 to index
        %get3A_270 = arith.constant 48 : index
        %get3A_271 = tpu.vector_load %arg8[%get3A_269, %get3A_270] {strides = array<i32>} : memref<8x64xf32, #tpu.memory_space<vmem>>, vector<1x16xf32>,
        %get3A_272 = vector.shape_cast %get3A_271 : vector<1x16xf32> to vector<16xf32>
        %add3A_273 = arith.addf %get3A_268, %get3A_272 : vector<16xf32>
        %swap3A_274 = arith.index_cast %sub3A : i32 to index
        %swap3A_275 = arith.constant 48 : index
        %swap3A_276 = tpu.vector_load %arg7[%swap3A_274, %swap3A_275] {strides = array<i32>} : memref<8x64xf32, #tpu.memory_space<vmem>>, vector<1x16xf32>,
        %swap3A_277 = vector.shape_cast %swap3A_276 : vector<1x16xf32> to vector<16xf32>
        %swap3A_278 = vector.shape_cast %add3A_273 : vector<16xf32> to vector<1x16xf32>
        tpu.vector_store %arg7[%swap3A_274, %swap3A_275], %swap3A_278 {strides = array<i32>} : memref<8x64xf32, #tpu.memory_space<vmem>>, vector<1x16xf32>,
        %dma_start3A_279 = arith.constant 0 : i32
        %dma_start3A_280 = tpu.memref_slice %arg5[%shift_left3A_198, %dma_start3A_279] : memref<1000000x64xf32, #tpu.memory_space<hbm>> -> memref<8x64xf32, #tpu.memory_space<hbm>>
        %dma_start3A_281 = arith.constant 0 : i32
        %dma_start3A_282 = tpu.memref_slice %arg5[%shift_left3A_198, %dma_start3A_281] : memref<1000000x64xf32, #tpu.memory_space<hbm>> -> memref<8x64xf32, #tpu.memory_space<hbm>>
        tpu.enqueue_dma source(%arg7 : memref<8x64xf32, #tpu.memory_space<vmem>>) target(%dma_start3A_282 : memref<8x64xf32, #tpu.memory_space<hbm>>) target_semaphore(%arg9 : memref<!tpu.dma_semaphore, #tpu.memory_space<semaphore_mem>>)
        %dma_wait3A_283 = arith.constant 0 : i32
        %dma_wait3A_284 = tpu.memref_slice %arg5[%shift_left3A_198, %dma_wait3A_283] : memref<1000000x64xf32, #tpu.memory_space<hbm>> -> memref<8x64xf32, #tpu.memory_space<hbm>>
        %dma_wait3A_285 = arith.constant 0 : i32
        %dma_wait3A_286 = tpu.memref_slice %arg5[%shift_left3A_198, %dma_wait3A_285] : memref<1000000x64xf32, #tpu.memory_space<hbm>> -> memref<8x64xf32, #tpu.memory_space<hbm>>
        tpu.wait_dma2 semaphore(%arg9 : memref<!tpu.dma_semaphore, #tpu.memory_space<semaphore_mem>>) src(%arg7 : memref<8x64xf32, #tpu.memory_space<vmem>>) dst(%dma_wait3A_286 : memref<8x64xf32, #tpu.memory_space<hbm>>)
      } else {
      }
      %slice3A_117 = vector.extract_strided_slice %get3A_73 {offsets = [6], sizes = [1], strides = [1]} : vector<16xi32> to vector<1xi32>
      %squeeze3A_118 = vector.extract %slice3A_117[0] : i32 from vector<1xi32>
      %ge3A_119 = arith.cmpi sge, %squeeze3A_118, %mul3A_2 : i32
      %lt3A_120 = arith.cmpi slt, %squeeze3A_118, %add3A_8 : i32
      %and3A_121 = arith.andi %ge3A_119, %lt3A_120 : i1
      %convert_element_type3A_122 = arith.extui %and3A_121 : i1 to i32
      %cond3A_123 = arith.constant 0 : i32
      %cond3A_124 = arith.cmpi ne, %convert_element_type3A_122, %cond3A_123 : i32
      scf.if %cond3A_124 {
        %shift_right_arithmetic3A = arith.constant 3 : i32
        %shift_right_arithmetic3A_197 = arith.shrsi %squeeze3A_118, %shift_right_arithmetic3A : i32
        %shift_left3A = arith.constant 3 : i32
        %shift_left3A_198 = arith.shli %shift_right_arithmetic3A_197, %shift_left3A : i32
        %sub3A = arith.subi %squeeze3A_118, %shift_left3A_198 : i32
        %mul3A_199 = arith.constant 16 : i32
        %mul3A_200 = arith.muli %scan3A_69, %mul3A_199 : i32
        %add3A_201 = arith.constant 6 : i32
        %add3A_202 = arith.addi %mul3A_200, %add3A_201 : i32
        %shift_right_arithmetic3A_203 = arith.constant 3 : i32
        %shift_right_arithmetic3A_204 = arith.shrsi %add3A_202, %shift_right_arithmetic3A_203 : i32
        %shift_left3A_205 = arith.constant 3 : i32
        %shift_left3A_206 = arith.shli %shift_right_arithmetic3A_204, %shift_left3A_205 : i32
        %sub3A_207 = arith.subi %add3A_202, %shift_left3A_206 : i32
        %dma_start3A_208 = arith.constant 0 : i32
        %dma_start3A_209 = tpu.memref_slice %arg5[%shift_left3A_198, %dma_start3A_208] : memref<1000000x64xf32, #tpu.memory_space<hbm>> -> memref<8x64xf32, #tpu.memory_space<hbm>>
        %dma_start3A_210 = arith.constant 0 : i32
        %dma_start3A_211 = tpu.memref_slice %arg5[%shift_left3A_198, %dma_start3A_210] : memref<1000000x64xf32, #tpu.memory_space<hbm>> -> memref<8x64xf32, #tpu.memory_space<hbm>>
        tpu.enqueue_dma source(%dma_start3A_211 : memref<8x64xf32, #tpu.memory_space<hbm>>) target(%arg7 : memref<8x64xf32, #tpu.memory_space<vmem>>) target_semaphore(%arg9 : memref<!tpu.dma_semaphore, #tpu.memory_space<semaphore_mem>>)
        %dma_start3A_212 = arith.constant 0 : i32
        %dma_start3A_213 = tpu.memref_slice %arg4[%shift_left3A_206, %dma_start3A_212] : memref<16384x64xf32, #tpu.memory_space<hbm>> -> memref<8x64xf32, #tpu.memory_space<hbm>>
        %dma_start3A_214 = arith.constant 0 : i32
        %dma_start3A_215 = tpu.memref_slice %arg4[%shift_left3A_206, %dma_start3A_214] : memref<16384x64xf32, #tpu.memory_space<hbm>> -> memref<8x64xf32, #tpu.memory_space<hbm>>
        tpu.enqueue_dma source(%dma_start3A_215 : memref<8x64xf32, #tpu.memory_space<hbm>>) target(%arg8 : memref<8x64xf32, #tpu.memory_space<vmem>>) target_semaphore(%arg9 : memref<!tpu.dma_semaphore, #tpu.memory_space<semaphore_mem>>)
        %dma_wait3A_216 = arith.constant 0 : i32
        %dma_wait3A_217 = tpu.memref_slice %arg5[%shift_left3A_198, %dma_wait3A_216] : memref<1000000x64xf32, #tpu.memory_space<hbm>> -> memref<8x64xf32, #tpu.memory_space<hbm>>
        %dma_wait3A_218 = arith.constant 0 : i32
        %dma_wait3A_219 = tpu.memref_slice %arg5[%shift_left3A_198, %dma_wait3A_218] : memref<1000000x64xf32, #tpu.memory_space<hbm>> -> memref<8x64xf32, #tpu.memory_space<hbm>>
        tpu.wait_dma2 semaphore(%arg9 : memref<!tpu.dma_semaphore, #tpu.memory_space<semaphore_mem>>) src(%dma_wait3A_219 : memref<8x64xf32, #tpu.memory_space<hbm>>) dst(%arg7 : memref<8x64xf32, #tpu.memory_space<vmem>>)
        %dma_wait3A_220 = arith.constant 0 : i32
        %dma_wait3A_221 = tpu.memref_slice %arg4[%shift_left3A_206, %dma_wait3A_220] : memref<16384x64xf32, #tpu.memory_space<hbm>> -> memref<8x64xf32, #tpu.memory_space<hbm>>
        %dma_wait3A_222 = arith.constant 0 : i32
        %dma_wait3A_223 = tpu.memref_slice %arg4[%shift_left3A_206, %dma_wait3A_222] : memref<16384x64xf32, #tpu.memory_space<hbm>> -> memref<8x64xf32, #tpu.memory_space<hbm>>
        tpu.wait_dma2 semaphore(%arg9 : memref<!tpu.dma_semaphore, #tpu.memory_space<semaphore_mem>>) src(%dma_wait3A_223 : memref<8x64xf32, #tpu.memory_space<hbm>>) dst(%arg8 : memref<8x64xf32, #tpu.memory_space<vmem>>)
        %get3A_224 = arith.index_cast %sub3A : i32 to index
        %get3A_225 = arith.constant 0 : index
        %get3A_226 = tpu.vector_load %arg7[%get3A_224, %get3A_225] {strides = array<i32>} : memref<8x64xf32, #tpu.memory_space<vmem>>, vector<1x16xf32>,
        %get3A_227 = vector.shape_cast %get3A_226 : vector<1x16xf32> to vector<16xf32>
        %get3A_228 = arith.index_cast %sub3A_207 : i32 to index
        %get3A_229 = arith.constant 0 : index
        %get3A_230 = tpu.vector_load %arg8[%get3A_228, %get3A_229] {strides = array<i32>} : memref<8x64xf32, #tpu.memory_space<vmem>>, vector<1x16xf32>,
        %get3A_231 = vector.shape_cast %get3A_230 : vector<1x16xf32> to vector<16xf32>
        %add3A_232 = arith.addf %get3A_227, %get3A_231 : vector<16xf32>
        %swap3A = arith.index_cast %sub3A : i32 to index
        %swap3A_233 = arith.constant 0 : index
        %swap3A_234 = tpu.vector_load %arg7[%swap3A, %swap3A_233] {strides = array<i32>} : memref<8x64xf32, #tpu.memory_space<vmem>>, vector<1x16xf32>,
        %swap3A_235 = vector.shape_cast %swap3A_234 : vector<1x16xf32> to vector<16xf32>
        %swap3A_236 = vector.shape_cast %add3A_232 : vector<16xf32> to vector<1x16xf32>
        tpu.vector_store %arg7[%swap3A, %swap3A_233], %swap3A_236 {strides = array<i32>} : memref<8x64xf32, #tpu.memory_space<vmem>>, vector<1x16xf32>,
        %get3A_237 = arith.index_cast %sub3A : i32 to index
        %get3A_238 = arith.constant 16 : index
        %get3A_239 = tpu.vector_load %arg7[%get3A_237, %get3A_238] {strides = array<i32>} : memref<8x64xf32, #tpu.memory_space<vmem>>, vector<1x16xf32>,
        %get3A_240 = vector.shape_cast %get3A_239 : vector<1x16xf32> to vector<16xf32>
        %get3A_241 = arith.index_cast %sub3A_207 : i32 to index
        %get3A_242 = arith.constant 16 : index
        %get3A_243 = tpu.vector_load %arg8[%get3A_241, %get3A_242] {strides = array<i32>} : memref<8x64xf32, #tpu.memory_space<vmem>>, vector<1x16xf32>,
        %get3A_244 = vector.shape_cast %get3A_243 : vector<1x16xf32> to vector<16xf32>
        %add3A_245 = arith.addf %get3A_240, %get3A_244 : vector<16xf32>
        %swap3A_246 = arith.index_cast %sub3A : i32 to index
        %swap3A_247 = arith.constant 16 : index
        %swap3A_248 = tpu.vector_load %arg7[%swap3A_246, %swap3A_247] {strides = array<i32>} : memref<8x64xf32, #tpu.memory_space<vmem>>, vector<1x16xf32>,
        %swap3A_249 = vector.shape_cast %swap3A_248 : vector<1x16xf32> to vector<16xf32>
        %swap3A_250 = vector.shape_cast %add3A_245 : vector<16xf32> to vector<1x16xf32>
        tpu.vector_store %arg7[%swap3A_246, %swap3A_247], %swap3A_250 {strides = array<i32>} : memref<8x64xf32, #tpu.memory_space<vmem>>, vector<1x16xf32>,
        %get3A_251 = arith.index_cast %sub3A : i32 to index
        %get3A_252 = arith.constant 32 : index
        %get3A_253 = tpu.vector_load %arg7[%get3A_251, %get3A_252] {strides = array<i32>} : memref<8x64xf32, #tpu.memory_space<vmem>>, vector<1x16xf32>,
        %get3A_254 = vector.shape_cast %get3A_253 : vector<1x16xf32> to vector<16xf32>
        %get3A_255 = arith.index_cast %sub3A_207 : i32 to index
        %get3A_256 = arith.constant 32 : index
        %get3A_257 = tpu.vector_load %arg8[%get3A_255, %get3A_256] {strides = array<i32>} : memref<8x64xf32, #tpu.memory_space<vmem>>, vector<1x16xf32>,
        %get3A_258 = vector.shape_cast %get3A_257 : vector<1x16xf32> to vector<16xf32>
        %add3A_259 = arith.addf %get3A_254, %get3A_258 : vector<16xf32>
        %swap3A_260 = arith.index_cast %sub3A : i32 to index
        %swap3A_261 = arith.constant 32 : index
        %swap3A_262 = tpu.vector_load %arg7[%swap3A_260, %swap3A_261] {strides = array<i32>} : memref<8x64xf32, #tpu.memory_space<vmem>>, vector<1x16xf32>,
        %swap3A_263 = vector.shape_cast %swap3A_262 : vector<1x16xf32> to vector<16xf32>
        %swap3A_264 = vector.shape_cast %add3A_259 : vector<16xf32> to vector<1x16xf32>
        tpu.vector_store %arg7[%swap3A_260, %swap3A_261], %swap3A_264 {strides = array<i32>} : memref<8x64xf32, #tpu.memory_space<vmem>>, vector<1x16xf32>,
        %get3A_265 = arith.index_cast %sub3A : i32 to index
        %get3A_266 = arith.constant 48 : index
        %get3A_267 = tpu.vector_load %arg7[%get3A_265, %get3A_266] {strides = array<i32>} : memref<8x64xf32, #tpu.memory_space<vmem>>, vector<1x16xf32>,
        %get3A_268 = vector.shape_cast %get3A_267 : vector<1x16xf32> to vector<16xf32>
        %get3A_269 = arith.index_cast %sub3A_207 : i32 to index
        %get3A_270 = arith.constant 48 : index
        %get3A_271 = tpu.vector_load %arg8[%get3A_269, %get3A_270] {strides = array<i32>} : memref<8x64xf32, #tpu.memory_space<vmem>>, vector<1x16xf32>,
        %get3A_272 = vector.shape_cast %get3A_271 : vector<1x16xf32> to vector<16xf32>
        %add3A_273 = arith.addf %get3A_268, %get3A_272 : vector<16xf32>
        %swap3A_274 = arith.index_cast %sub3A : i32 to index
        %swap3A_275 = arith.constant 48 : index
        %swap3A_276 = tpu.vector_load %arg7[%swap3A_274, %swap3A_275] {strides = array<i32>} : memref<8x64xf32, #tpu.memory_space<vmem>>, vector<1x16xf32>,
        %swap3A_277 = vector.shape_cast %swap3A_276 : vector<1x16xf32> to vector<16xf32>
        %swap3A_278 = vector.shape_cast %add3A_273 : vector<16xf32> to vector<1x16xf32>
        tpu.vector_store %arg7[%swap3A_274, %swap3A_275], %swap3A_278 {strides = array<i32>} : memref<8x64xf32, #tpu.memory_space<vmem>>, vector<1x16xf32>,
        %dma_start3A_279 = arith.constant 0 : i32
        %dma_start3A_280 = tpu.memref_slice %arg5[%shift_left3A_198, %dma_start3A_279] : memref<1000000x64xf32, #tpu.memory_space<hbm>> -> memref<8x64xf32, #tpu.memory_space<hbm>>
        %dma_start3A_281 = arith.constant 0 : i32
        %dma_start3A_282 = tpu.memref_slice %arg5[%shift_left3A_198, %dma_start3A_281] : memref<1000000x64xf32, #tpu.memory_space<hbm>> -> memref<8x64xf32, #tpu.memory_space<hbm>>
        tpu.enqueue_dma source(%arg7 : memref<8x64xf32, #tpu.memory_space<vmem>>) target(%dma_start3A_282 : memref<8x64xf32, #tpu.memory_space<hbm>>) target_semaphore(%arg9 : memref<!tpu.dma_semaphore, #tpu.memory_space<semaphore_mem>>)
        %dma_wait3A_283 = arith.constant 0 : i32
        %dma_wait3A_284 = tpu.memref_slice %arg5[%shift_left3A_198, %dma_wait3A_283] : memref<1000000x64xf32, #tpu.memory_space<hbm>> -> memref<8x64xf32, #tpu.memory_space<hbm>>
        %dma_wait3A_285 = arith.constant 0 : i32
        %dma_wait3A_286 = tpu.memref_slice %arg5[%shift_left3A_198, %dma_wait3A_285] : memref<1000000x64xf32, #tpu.memory_space<hbm>> -> memref<8x64xf32, #tpu.memory_space<hbm>>
        tpu.wait_dma2 semaphore(%arg9 : memref<!tpu.dma_semaphore, #tpu.memory_space<semaphore_mem>>) src(%arg7 : memref<8x64xf32, #tpu.memory_space<vmem>>) dst(%dma_wait3A_286 : memref<8x64xf32, #tpu.memory_space<hbm>>)
      } else {
      }
      %slice3A_125 = vector.extract_strided_slice %get3A_73 {offsets = [7], sizes = [1], strides = [1]} : vector<16xi32> to vector<1xi32>
      %squeeze3A_126 = vector.extract %slice3A_125[0] : i32 from vector<1xi32>
      %ge3A_127 = arith.cmpi sge, %squeeze3A_126, %mul3A_2 : i32
      %lt3A_128 = arith.cmpi slt, %squeeze3A_126, %add3A_8 : i32
      %and3A_129 = arith.andi %ge3A_127, %lt3A_128 : i1
      %convert_element_type3A_130 = arith.extui %and3A_129 : i1 to i32
      %cond3A_131 = arith.constant 0 : i32
      %cond3A_132 = arith.cmpi ne, %convert_element_type3A_130, %cond3A_131 : i32
      scf.if %cond3A_132 {
        %shift_right_arithmetic3A = arith.constant 3 : i32
        %shift_right_arithmetic3A_197 = arith.shrsi %squeeze3A_126, %shift_right_arithmetic3A : i32
        %shift_left3A = arith.constant 3 : i32
        %shift_left3A_198 = arith.shli %shift_right_arithmetic3A_197, %shift_left3A : i32
        %sub3A = arith.subi %squeeze3A_126, %shift_left3A_198 : i32
        %mul3A_199 = arith.constant 16 : i32
        %mul3A_200 = arith.muli %scan3A_69, %mul3A_199 : i32
        %add3A_201 = arith.constant 7 : i32
        %add3A_202 = arith.addi %mul3A_200, %add3A_201 : i32
        %shift_right_arithmetic3A_203 = arith.constant 3 : i32
        %shift_right_arithmetic3A_204 = arith.shrsi %add3A_202, %shift_right_arithmetic3A_203 : i32
        %shift_left3A_205 = arith.constant 3 : i32
        %shift_left3A_206 = arith.shli %shift_right_arithmetic3A_204, %shift_left3A_205 : i32
        %sub3A_207 = arith.subi %add3A_202, %shift_left3A_206 : i32
        %dma_start3A_208 = arith.constant 0 : i32
        %dma_start3A_209 = tpu.memref_slice %arg5[%shift_left3A_198, %dma_start3A_208] : memref<1000000x64xf32, #tpu.memory_space<hbm>> -> memref<8x64xf32, #tpu.memory_space<hbm>>
        %dma_start3A_210 = arith.constant 0 : i32
        %dma_start3A_211 = tpu.memref_slice %arg5[%shift_left3A_198, %dma_start3A_210] : memref<1000000x64xf32, #tpu.memory_space<hbm>> -> memref<8x64xf32, #tpu.memory_space<hbm>>
        tpu.enqueue_dma source(%dma_start3A_211 : memref<8x64xf32, #tpu.memory_space<hbm>>) target(%arg7 : memref<8x64xf32, #tpu.memory_space<vmem>>) target_semaphore(%arg9 : memref<!tpu.dma_semaphore, #tpu.memory_space<semaphore_mem>>)
        %dma_start3A_212 = arith.constant 0 : i32
        %dma_start3A_213 = tpu.memref_slice %arg4[%shift_left3A_206, %dma_start3A_212] : memref<16384x64xf32, #tpu.memory_space<hbm>> -> memref<8x64xf32, #tpu.memory_space<hbm>>
        %dma_start3A_214 = arith.constant 0 : i32
        %dma_start3A_215 = tpu.memref_slice %arg4[%shift_left3A_206, %dma_start3A_214] : memref<16384x64xf32, #tpu.memory_space<hbm>> -> memref<8x64xf32, #tpu.memory_space<hbm>>
        tpu.enqueue_dma source(%dma_start3A_215 : memref<8x64xf32, #tpu.memory_space<hbm>>) target(%arg8 : memref<8x64xf32, #tpu.memory_space<vmem>>) target_semaphore(%arg9 : memref<!tpu.dma_semaphore, #tpu.memory_space<semaphore_mem>>)
        %dma_wait3A_216 = arith.constant 0 : i32
        %dma_wait3A_217 = tpu.memref_slice %arg5[%shift_left3A_198, %dma_wait3A_216] : memref<1000000x64xf32, #tpu.memory_space<hbm>> -> memref<8x64xf32, #tpu.memory_space<hbm>>
        %dma_wait3A_218 = arith.constant 0 : i32
        %dma_wait3A_219 = tpu.memref_slice %arg5[%shift_left3A_198, %dma_wait3A_218] : memref<1000000x64xf32, #tpu.memory_space<hbm>> -> memref<8x64xf32, #tpu.memory_space<hbm>>
        tpu.wait_dma2 semaphore(%arg9 : memref<!tpu.dma_semaphore, #tpu.memory_space<semaphore_mem>>) src(%dma_wait3A_219 : memref<8x64xf32, #tpu.memory_space<hbm>>) dst(%arg7 : memref<8x64xf32, #tpu.memory_space<vmem>>)
        %dma_wait3A_220 = arith.constant 0 : i32
        %dma_wait3A_221 = tpu.memref_slice %arg4[%shift_left3A_206, %dma_wait3A_220] : memref<16384x64xf32, #tpu.memory_space<hbm>> -> memref<8x64xf32, #tpu.memory_space<hbm>>
        %dma_wait3A_222 = arith.constant 0 : i32
        %dma_wait3A_223 = tpu.memref_slice %arg4[%shift_left3A_206, %dma_wait3A_222] : memref<16384x64xf32, #tpu.memory_space<hbm>> -> memref<8x64xf32, #tpu.memory_space<hbm>>
        tpu.wait_dma2 semaphore(%arg9 : memref<!tpu.dma_semaphore, #tpu.memory_space<semaphore_mem>>) src(%dma_wait3A_223 : memref<8x64xf32, #tpu.memory_space<hbm>>) dst(%arg8 : memref<8x64xf32, #tpu.memory_space<vmem>>)
        %get3A_224 = arith.index_cast %sub3A : i32 to index
        %get3A_225 = arith.constant 0 : index
        %get3A_226 = tpu.vector_load %arg7[%get3A_224, %get3A_225] {strides = array<i32>} : memref<8x64xf32, #tpu.memory_space<vmem>>, vector<1x16xf32>,
        %get3A_227 = vector.shape_cast %get3A_226 : vector<1x16xf32> to vector<16xf32>
        %get3A_228 = arith.index_cast %sub3A_207 : i32 to index
        %get3A_229 = arith.constant 0 : index
        %get3A_230 = tpu.vector_load %arg8[%get3A_228, %get3A_229] {strides = array<i32>} : memref<8x64xf32, #tpu.memory_space<vmem>>, vector<1x16xf32>,
        %get3A_231 = vector.shape_cast %get3A_230 : vector<1x16xf32> to vector<16xf32>
        %add3A_232 = arith.addf %get3A_227, %get3A_231 : vector<16xf32>
        %swap3A = arith.index_cast %sub3A : i32 to index
        %swap3A_233 = arith.constant 0 : index
        %swap3A_234 = tpu.vector_load %arg7[%swap3A, %swap3A_233] {strides = array<i32>} : memref<8x64xf32, #tpu.memory_space<vmem>>, vector<1x16xf32>,
        %swap3A_235 = vector.shape_cast %swap3A_234 : vector<1x16xf32> to vector<16xf32>
        %swap3A_236 = vector.shape_cast %add3A_232 : vector<16xf32> to vector<1x16xf32>
        tpu.vector_store %arg7[%swap3A, %swap3A_233], %swap3A_236 {strides = array<i32>} : memref<8x64xf32, #tpu.memory_space<vmem>>, vector<1x16xf32>,
        %get3A_237 = arith.index_cast %sub3A : i32 to index
        %get3A_238 = arith.constant 16 : index
        %get3A_239 = tpu.vector_load %arg7[%get3A_237, %get3A_238] {strides = array<i32>} : memref<8x64xf32, #tpu.memory_space<vmem>>, vector<1x16xf32>,
        %get3A_240 = vector.shape_cast %get3A_239 : vector<1x16xf32> to vector<16xf32>
        %get3A_241 = arith.index_cast %sub3A_207 : i32 to index
        %get3A_242 = arith.constant 16 : index
        %get3A_243 = tpu.vector_load %arg8[%get3A_241, %get3A_242] {strides = array<i32>} : memref<8x64xf32, #tpu.memory_space<vmem>>, vector<1x16xf32>,
        %get3A_244 = vector.shape_cast %get3A_243 : vector<1x16xf32> to vector<16xf32>
        %add3A_245 = arith.addf %get3A_240, %get3A_244 : vector<16xf32>
        %swap3A_246 = arith.index_cast %sub3A : i32 to index
        %swap3A_247 = arith.constant 16 : index
        %swap3A_248 = tpu.vector_load %arg7[%swap3A_246, %swap3A_247] {strides = array<i32>} : memref<8x64xf32, #tpu.memory_space<vmem>>, vector<1x16xf32>,
        %swap3A_249 = vector.shape_cast %swap3A_248 : vector<1x16xf32> to vector<16xf32>
        %swap3A_250 = vector.shape_cast %add3A_245 : vector<16xf32> to vector<1x16xf32>
        tpu.vector_store %arg7[%swap3A_246, %swap3A_247], %swap3A_250 {strides = array<i32>} : memref<8x64xf32, #tpu.memory_space<vmem>>, vector<1x16xf32>,
        %get3A_251 = arith.index_cast %sub3A : i32 to index
        %get3A_252 = arith.constant 32 : index
        %get3A_253 = tpu.vector_load %arg7[%get3A_251, %get3A_252] {strides = array<i32>} : memref<8x64xf32, #tpu.memory_space<vmem>>, vector<1x16xf32>,
        %get3A_254 = vector.shape_cast %get3A_253 : vector<1x16xf32> to vector<16xf32>
        %get3A_255 = arith.index_cast %sub3A_207 : i32 to index
        %get3A_256 = arith.constant 32 : index
        %get3A_257 = tpu.vector_load %arg8[%get3A_255, %get3A_256] {strides = array<i32>} : memref<8x64xf32, #tpu.memory_space<vmem>>, vector<1x16xf32>,
        %get3A_258 = vector.shape_cast %get3A_257 : vector<1x16xf32> to vector<16xf32>
        %add3A_259 = arith.addf %get3A_254, %get3A_258 : vector<16xf32>
        %swap3A_260 = arith.index_cast %sub3A : i32 to index
        %swap3A_261 = arith.constant 32 : index
        %swap3A_262 = tpu.vector_load %arg7[%swap3A_260, %swap3A_261] {strides = array<i32>} : memref<8x64xf32, #tpu.memory_space<vmem>>, vector<1x16xf32>,
        %swap3A_263 = vector.shape_cast %swap3A_262 : vector<1x16xf32> to vector<16xf32>
        %swap3A_264 = vector.shape_cast %add3A_259 : vector<16xf32> to vector<1x16xf32>
        tpu.vector_store %arg7[%swap3A_260, %swap3A_261], %swap3A_264 {strides = array<i32>} : memref<8x64xf32, #tpu.memory_space<vmem>>, vector<1x16xf32>,
        %get3A_265 = arith.index_cast %sub3A : i32 to index
        %get3A_266 = arith.constant 48 : index
        %get3A_267 = tpu.vector_load %arg7[%get3A_265, %get3A_266] {strides = array<i32>} : memref<8x64xf32, #tpu.memory_space<vmem>>, vector<1x16xf32>,
        %get3A_268 = vector.shape_cast %get3A_267 : vector<1x16xf32> to vector<16xf32>
        %get3A_269 = arith.index_cast %sub3A_207 : i32 to index
        %get3A_270 = arith.constant 48 : index
        %get3A_271 = tpu.vector_load %arg8[%get3A_269, %get3A_270] {strides = array<i32>} : memref<8x64xf32, #tpu.memory_space<vmem>>, vector<1x16xf32>,
        %get3A_272 = vector.shape_cast %get3A_271 : vector<1x16xf32> to vector<16xf32>
        %add3A_273 = arith.addf %get3A_268, %get3A_272 : vector<16xf32>
        %swap3A_274 = arith.index_cast %sub3A : i32 to index
        %swap3A_275 = arith.constant 48 : index
        %swap3A_276 = tpu.vector_load %arg7[%swap3A_274, %swap3A_275] {strides = array<i32>} : memref<8x64xf32, #tpu.memory_space<vmem>>, vector<1x16xf32>,
        %swap3A_277 = vector.shape_cast %swap3A_276 : vector<1x16xf32> to vector<16xf32>
        %swap3A_278 = vector.shape_cast %add3A_273 : vector<16xf32> to vector<1x16xf32>
        tpu.vector_store %arg7[%swap3A_274, %swap3A_275], %swap3A_278 {strides = array<i32>} : memref<8x64xf32, #tpu.memory_space<vmem>>, vector<1x16xf32>,
        %dma_start3A_279 = arith.constant 0 : i32
        %dma_start3A_280 = tpu.memref_slice %arg5[%shift_left3A_198, %dma_start3A_279] : memref<1000000x64xf32, #tpu.memory_space<hbm>> -> memref<8x64xf32, #tpu.memory_space<hbm>>
        %dma_start3A_281 = arith.constant 0 : i32
        %dma_start3A_282 = tpu.memref_slice %arg5[%shift_left3A_198, %dma_start3A_281] : memref<1000000x64xf32, #tpu.memory_space<hbm>> -> memref<8x64xf32, #tpu.memory_space<hbm>>
        tpu.enqueue_dma source(%arg7 : memref<8x64xf32, #tpu.memory_space<vmem>>) target(%dma_start3A_282 : memref<8x64xf32, #tpu.memory_space<hbm>>) target_semaphore(%arg9 : memref<!tpu.dma_semaphore, #tpu.memory_space<semaphore_mem>>)
        %dma_wait3A_283 = arith.constant 0 : i32
        %dma_wait3A_284 = tpu.memref_slice %arg5[%shift_left3A_198, %dma_wait3A_283] : memref<1000000x64xf32, #tpu.memory_space<hbm>> -> memref<8x64xf32, #tpu.memory_space<hbm>>
        %dma_wait3A_285 = arith.constant 0 : i32
        %dma_wait3A_286 = tpu.memref_slice %arg5[%shift_left3A_198, %dma_wait3A_285] : memref<1000000x64xf32, #tpu.memory_space<hbm>> -> memref<8x64xf32, #tpu.memory_space<hbm>>
        tpu.wait_dma2 semaphore(%arg9 : memref<!tpu.dma_semaphore, #tpu.memory_space<semaphore_mem>>) src(%arg7 : memref<8x64xf32, #tpu.memory_space<vmem>>) dst(%dma_wait3A_286 : memref<8x64xf32, #tpu.memory_space<hbm>>)
      } else {
      }
      %slice3A_133 = vector.extract_strided_slice %get3A_73 {offsets = [8], sizes = [1], strides = [1]} : vector<16xi32> to vector<1xi32>
      %squeeze3A_134 = vector.extract %slice3A_133[0] : i32 from vector<1xi32>
      %ge3A_135 = arith.cmpi sge, %squeeze3A_134, %mul3A_2 : i32
      %lt3A_136 = arith.cmpi slt, %squeeze3A_134, %add3A_8 : i32
      %and3A_137 = arith.andi %ge3A_135, %lt3A_136 : i1
      %convert_element_type3A_138 = arith.extui %and3A_137 : i1 to i32
      %cond3A_139 = arith.constant 0 : i32
      %cond3A_140 = arith.cmpi ne, %convert_element_type3A_138, %cond3A_139 : i32
      scf.if %cond3A_140 {
        %shift_right_arithmetic3A = arith.constant 3 : i32
        %shift_right_arithmetic3A_197 = arith.shrsi %squeeze3A_134, %shift_right_arithmetic3A : i32
        %shift_left3A = arith.constant 3 : i32
        %shift_left3A_198 = arith.shli %shift_right_arithmetic3A_197, %shift_left3A : i32
        %sub3A = arith.subi %squeeze3A_134, %shift_left3A_198 : i32
        %mul3A_199 = arith.constant 16 : i32
        %mul3A_200 = arith.muli %scan3A_69, %mul3A_199 : i32
        %add3A_201 = arith.constant 8 : i32
        %add3A_202 = arith.addi %mul3A_200, %add3A_201 : i32
        %shift_right_arithmetic3A_203 = arith.constant 3 : i32
        %shift_right_arithmetic3A_204 = arith.shrsi %add3A_202, %shift_right_arithmetic3A_203 : i32
        %shift_left3A_205 = arith.constant 3 : i32
        %shift_left3A_206 = arith.shli %shift_right_arithmetic3A_204, %shift_left3A_205 : i32
        %sub3A_207 = arith.subi %add3A_202, %shift_left3A_206 : i32
        %dma_start3A_208 = arith.constant 0 : i32
        %dma_start3A_209 = tpu.memref_slice %arg5[%shift_left3A_198, %dma_start3A_208] : memref<1000000x64xf32, #tpu.memory_space<hbm>> -> memref<8x64xf32, #tpu.memory_space<hbm>>
        %dma_start3A_210 = arith.constant 0 : i32
        %dma_start3A_211 = tpu.memref_slice %arg5[%shift_left3A_198, %dma_start3A_210] : memref<1000000x64xf32, #tpu.memory_space<hbm>> -> memref<8x64xf32, #tpu.memory_space<hbm>>
        tpu.enqueue_dma source(%dma_start3A_211 : memref<8x64xf32, #tpu.memory_space<hbm>>) target(%arg7 : memref<8x64xf32, #tpu.memory_space<vmem>>) target_semaphore(%arg9 : memref<!tpu.dma_semaphore, #tpu.memory_space<semaphore_mem>>)
        %dma_start3A_212 = arith.constant 0 : i32
        %dma_start3A_213 = tpu.memref_slice %arg4[%shift_left3A_206, %dma_start3A_212] : memref<16384x64xf32, #tpu.memory_space<hbm>> -> memref<8x64xf32, #tpu.memory_space<hbm>>
        %dma_start3A_214 = arith.constant 0 : i32
        %dma_start3A_215 = tpu.memref_slice %arg4[%shift_left3A_206, %dma_start3A_214] : memref<16384x64xf32, #tpu.memory_space<hbm>> -> memref<8x64xf32, #tpu.memory_space<hbm>>
        tpu.enqueue_dma source(%dma_start3A_215 : memref<8x64xf32, #tpu.memory_space<hbm>>) target(%arg8 : memref<8x64xf32, #tpu.memory_space<vmem>>) target_semaphore(%arg9 : memref<!tpu.dma_semaphore, #tpu.memory_space<semaphore_mem>>)
        %dma_wait3A_216 = arith.constant 0 : i32
        %dma_wait3A_217 = tpu.memref_slice %arg5[%shift_left3A_198, %dma_wait3A_216] : memref<1000000x64xf32, #tpu.memory_space<hbm>> -> memref<8x64xf32, #tpu.memory_space<hbm>>
        %dma_wait3A_218 = arith.constant 0 : i32
        %dma_wait3A_219 = tpu.memref_slice %arg5[%shift_left3A_198, %dma_wait3A_218] : memref<1000000x64xf32, #tpu.memory_space<hbm>> -> memref<8x64xf32, #tpu.memory_space<hbm>>
        tpu.wait_dma2 semaphore(%arg9 : memref<!tpu.dma_semaphore, #tpu.memory_space<semaphore_mem>>) src(%dma_wait3A_219 : memref<8x64xf32, #tpu.memory_space<hbm>>) dst(%arg7 : memref<8x64xf32, #tpu.memory_space<vmem>>)
        %dma_wait3A_220 = arith.constant 0 : i32
        %dma_wait3A_221 = tpu.memref_slice %arg4[%shift_left3A_206, %dma_wait3A_220] : memref<16384x64xf32, #tpu.memory_space<hbm>> -> memref<8x64xf32, #tpu.memory_space<hbm>>
        %dma_wait3A_222 = arith.constant 0 : i32
        %dma_wait3A_223 = tpu.memref_slice %arg4[%shift_left3A_206, %dma_wait3A_222] : memref<16384x64xf32, #tpu.memory_space<hbm>> -> memref<8x64xf32, #tpu.memory_space<hbm>>
        tpu.wait_dma2 semaphore(%arg9 : memref<!tpu.dma_semaphore, #tpu.memory_space<semaphore_mem>>) src(%dma_wait3A_223 : memref<8x64xf32, #tpu.memory_space<hbm>>) dst(%arg8 : memref<8x64xf32, #tpu.memory_space<vmem>>)
        %get3A_224 = arith.index_cast %sub3A : i32 to index
        %get3A_225 = arith.constant 0 : index
        %get3A_226 = tpu.vector_load %arg7[%get3A_224, %get3A_225] {strides = array<i32>} : memref<8x64xf32, #tpu.memory_space<vmem>>, vector<1x16xf32>,
        %get3A_227 = vector.shape_cast %get3A_226 : vector<1x16xf32> to vector<16xf32>
        %get3A_228 = arith.index_cast %sub3A_207 : i32 to index
        %get3A_229 = arith.constant 0 : index
        %get3A_230 = tpu.vector_load %arg8[%get3A_228, %get3A_229] {strides = array<i32>} : memref<8x64xf32, #tpu.memory_space<vmem>>, vector<1x16xf32>,
        %get3A_231 = vector.shape_cast %get3A_230 : vector<1x16xf32> to vector<16xf32>
        %add3A_232 = arith.addf %get3A_227, %get3A_231 : vector<16xf32>
        %swap3A = arith.index_cast %sub3A : i32 to index
        %swap3A_233 = arith.constant 0 : index
        %swap3A_234 = tpu.vector_load %arg7[%swap3A, %swap3A_233] {strides = array<i32>} : memref<8x64xf32, #tpu.memory_space<vmem>>, vector<1x16xf32>,
        %swap3A_235 = vector.shape_cast %swap3A_234 : vector<1x16xf32> to vector<16xf32>
        %swap3A_236 = vector.shape_cast %add3A_232 : vector<16xf32> to vector<1x16xf32>
        tpu.vector_store %arg7[%swap3A, %swap3A_233], %swap3A_236 {strides = array<i32>} : memref<8x64xf32, #tpu.memory_space<vmem>>, vector<1x16xf32>,
        %get3A_237 = arith.index_cast %sub3A : i32 to index
        %get3A_238 = arith.constant 16 : index
        %get3A_239 = tpu.vector_load %arg7[%get3A_237, %get3A_238] {strides = array<i32>} : memref<8x64xf32, #tpu.memory_space<vmem>>, vector<1x16xf32>,
        %get3A_240 = vector.shape_cast %get3A_239 : vector<1x16xf32> to vector<16xf32>
        %get3A_241 = arith.index_cast %sub3A_207 : i32 to index
        %get3A_242 = arith.constant 16 : index
        %get3A_243 = tpu.vector_load %arg8[%get3A_241, %get3A_242] {strides = array<i32>} : memref<8x64xf32, #tpu.memory_space<vmem>>, vector<1x16xf32>,
        %get3A_244 = vector.shape_cast %get3A_243 : vector<1x16xf32> to vector<16xf32>
        %add3A_245 = arith.addf %get3A_240, %get3A_244 : vector<16xf32>
        %swap3A_246 = arith.index_cast %sub3A : i32 to index
        %swap3A_247 = arith.constant 16 : index
        %swap3A_248 = tpu.vector_load %arg7[%swap3A_246, %swap3A_247] {strides = array<i32>} : memref<8x64xf32, #tpu.memory_space<vmem>>, vector<1x16xf32>,
        %swap3A_249 = vector.shape_cast %swap3A_248 : vector<1x16xf32> to vector<16xf32>
        %swap3A_250 = vector.shape_cast %add3A_245 : vector<16xf32> to vector<1x16xf32>
        tpu.vector_store %arg7[%swap3A_246, %swap3A_247], %swap3A_250 {strides = array<i32>} : memref<8x64xf32, #tpu.memory_space<vmem>>, vector<1x16xf32>,
        %get3A_251 = arith.index_cast %sub3A : i32 to index
        %get3A_252 = arith.constant 32 : index
        %get3A_253 = tpu.vector_load %arg7[%get3A_251, %get3A_252] {strides = array<i32>} : memref<8x64xf32, #tpu.memory_space<vmem>>, vector<1x16xf32>,
        %get3A_254 = vector.shape_cast %get3A_253 : vector<1x16xf32> to vector<16xf32>
        %get3A_255 = arith.index_cast %sub3A_207 : i32 to index
        %get3A_256 = arith.constant 32 : index
        %get3A_257 = tpu.vector_load %arg8[%get3A_255, %get3A_256] {strides = array<i32>} : memref<8x64xf32, #tpu.memory_space<vmem>>, vector<1x16xf32>,
        %get3A_258 = vector.shape_cast %get3A_257 : vector<1x16xf32> to vector<16xf32>
        %add3A_259 = arith.addf %get3A_254, %get3A_258 : vector<16xf32>
        %swap3A_260 = arith.index_cast %sub3A : i32 to index
        %swap3A_261 = arith.constant 32 : index
        %swap3A_262 = tpu.vector_load %arg7[%swap3A_260, %swap3A_261] {strides = array<i32>} : memref<8x64xf32, #tpu.memory_space<vmem>>, vector<1x16xf32>,
        %swap3A_263 = vector.shape_cast %swap3A_262 : vector<1x16xf32> to vector<16xf32>
        %swap3A_264 = vector.shape_cast %add3A_259 : vector<16xf32> to vector<1x16xf32>
        tpu.vector_store %arg7[%swap3A_260, %swap3A_261], %swap3A_264 {strides = array<i32>} : memref<8x64xf32, #tpu.memory_space<vmem>>, vector<1x16xf32>,
        %get3A_265 = arith.index_cast %sub3A : i32 to index
        %get3A_266 = arith.constant 48 : index
        %get3A_267 = tpu.vector_load %arg7[%get3A_265, %get3A_266] {strides = array<i32>} : memref<8x64xf32, #tpu.memory_space<vmem>>, vector<1x16xf32>,
        %get3A_268 = vector.shape_cast %get3A_267 : vector<1x16xf32> to vector<16xf32>
        %get3A_269 = arith.index_cast %sub3A_207 : i32 to index
        %get3A_270 = arith.constant 48 : index
        %get3A_271 = tpu.vector_load %arg8[%get3A_269, %get3A_270] {strides = array<i32>} : memref<8x64xf32, #tpu.memory_space<vmem>>, vector<1x16xf32>,
        %get3A_272 = vector.shape_cast %get3A_271 : vector<1x16xf32> to vector<16xf32>
        %add3A_273 = arith.addf %get3A_268, %get3A_272 : vector<16xf32>
        %swap3A_274 = arith.index_cast %sub3A : i32 to index
        %swap3A_275 = arith.constant 48 : index
        %swap3A_276 = tpu.vector_load %arg7[%swap3A_274, %swap3A_275] {strides = array<i32>} : memref<8x64xf32, #tpu.memory_space<vmem>>, vector<1x16xf32>,
        %swap3A_277 = vector.shape_cast %swap3A_276 : vector<1x16xf32> to vector<16xf32>
        %swap3A_278 = vector.shape_cast %add3A_273 : vector<16xf32> to vector<1x16xf32>
        tpu.vector_store %arg7[%swap3A_274, %swap3A_275], %swap3A_278 {strides = array<i32>} : memref<8x64xf32, #tpu.memory_space<vmem>>, vector<1x16xf32>,
        %dma_start3A_279 = arith.constant 0 : i32
        %dma_start3A_280 = tpu.memref_slice %arg5[%shift_left3A_198, %dma_start3A_279] : memref<1000000x64xf32, #tpu.memory_space<hbm>> -> memref<8x64xf32, #tpu.memory_space<hbm>>
        %dma_start3A_281 = arith.constant 0 : i32
        %dma_start3A_282 = tpu.memref_slice %arg5[%shift_left3A_198, %dma_start3A_281] : memref<1000000x64xf32, #tpu.memory_space<hbm>> -> memref<8x64xf32, #tpu.memory_space<hbm>>
        tpu.enqueue_dma source(%arg7 : memref<8x64xf32, #tpu.memory_space<vmem>>) target(%dma_start3A_282 : memref<8x64xf32, #tpu.memory_space<hbm>>) target_semaphore(%arg9 : memref<!tpu.dma_semaphore, #tpu.memory_space<semaphore_mem>>)
        %dma_wait3A_283 = arith.constant 0 : i32
        %dma_wait3A_284 = tpu.memref_slice %arg5[%shift_left3A_198, %dma_wait3A_283] : memref<1000000x64xf32, #tpu.memory_space<hbm>> -> memref<8x64xf32, #tpu.memory_space<hbm>>
        %dma_wait3A_285 = arith.constant 0 : i32
        %dma_wait3A_286 = tpu.memref_slice %arg5[%shift_left3A_198, %dma_wait3A_285] : memref<1000000x64xf32, #tpu.memory_space<hbm>> -> memref<8x64xf32, #tpu.memory_space<hbm>>
        tpu.wait_dma2 semaphore(%arg9 : memref<!tpu.dma_semaphore, #tpu.memory_space<semaphore_mem>>) src(%arg7 : memref<8x64xf32, #tpu.memory_space<vmem>>) dst(%dma_wait3A_286 : memref<8x64xf32, #tpu.memory_space<hbm>>)
      } else {
      }
      %slice3A_141 = vector.extract_strided_slice %get3A_73 {offsets = [9], sizes = [1], strides = [1]} : vector<16xi32> to vector<1xi32>
      %squeeze3A_142 = vector.extract %slice3A_141[0] : i32 from vector<1xi32>
      %ge3A_143 = arith.cmpi sge, %squeeze3A_142, %mul3A_2 : i32
      %lt3A_144 = arith.cmpi slt, %squeeze3A_142, %add3A_8 : i32
      %and3A_145 = arith.andi %ge3A_143, %lt3A_144 : i1
      %convert_element_type3A_146 = arith.extui %and3A_145 : i1 to i32
      %cond3A_147 = arith.constant 0 : i32
      %cond3A_148 = arith.cmpi ne, %convert_element_type3A_146, %cond3A_147 : i32
      scf.if %cond3A_148 {
        %shift_right_arithmetic3A = arith.constant 3 : i32
        %shift_right_arithmetic3A_197 = arith.shrsi %squeeze3A_142, %shift_right_arithmetic3A : i32
        %shift_left3A = arith.constant 3 : i32
        %shift_left3A_198 = arith.shli %shift_right_arithmetic3A_197, %shift_left3A : i32
        %sub3A = arith.subi %squeeze3A_142, %shift_left3A_198 : i32
        %mul3A_199 = arith.constant 16 : i32
        %mul3A_200 = arith.muli %scan3A_69, %mul3A_199 : i32
        %add3A_201 = arith.constant 9 : i32
        %add3A_202 = arith.addi %mul3A_200, %add3A_201 : i32
        %shift_right_arithmetic3A_203 = arith.constant 3 : i32
        %shift_right_arithmetic3A_204 = arith.shrsi %add3A_202, %shift_right_arithmetic3A_203 : i32
        %shift_left3A_205 = arith.constant 3 : i32
        %shift_left3A_206 = arith.shli %shift_right_arithmetic3A_204, %shift_left3A_205 : i32
        %sub3A_207 = arith.subi %add3A_202, %shift_left3A_206 : i32
        %dma_start3A_208 = arith.constant 0 : i32
        %dma_start3A_209 = tpu.memref_slice %arg5[%shift_left3A_198, %dma_start3A_208] : memref<1000000x64xf32, #tpu.memory_space<hbm>> -> memref<8x64xf32, #tpu.memory_space<hbm>>
        %dma_start3A_210 = arith.constant 0 : i32
        %dma_start3A_211 = tpu.memref_slice %arg5[%shift_left3A_198, %dma_start3A_210] : memref<1000000x64xf32, #tpu.memory_space<hbm>> -> memref<8x64xf32, #tpu.memory_space<hbm>>
        tpu.enqueue_dma source(%dma_start3A_211 : memref<8x64xf32, #tpu.memory_space<hbm>>) target(%arg7 : memref<8x64xf32, #tpu.memory_space<vmem>>) target_semaphore(%arg9 : memref<!tpu.dma_semaphore, #tpu.memory_space<semaphore_mem>>)
        %dma_start3A_212 = arith.constant 0 : i32
        %dma_start3A_213 = tpu.memref_slice %arg4[%shift_left3A_206, %dma_start3A_212] : memref<16384x64xf32, #tpu.memory_space<hbm>> -> memref<8x64xf32, #tpu.memory_space<hbm>>
        %dma_start3A_214 = arith.constant 0 : i32
        %dma_start3A_215 = tpu.memref_slice %arg4[%shift_left3A_206, %dma_start3A_214] : memref<16384x64xf32, #tpu.memory_space<hbm>> -> memref<8x64xf32, #tpu.memory_space<hbm>>
        tpu.enqueue_dma source(%dma_start3A_215 : memref<8x64xf32, #tpu.memory_space<hbm>>) target(%arg8 : memref<8x64xf32, #tpu.memory_space<vmem>>) target_semaphore(%arg9 : memref<!tpu.dma_semaphore, #tpu.memory_space<semaphore_mem>>)
        %dma_wait3A_216 = arith.constant 0 : i32
        %dma_wait3A_217 = tpu.memref_slice %arg5[%shift_left3A_198, %dma_wait3A_216] : memref<1000000x64xf32, #tpu.memory_space<hbm>> -> memref<8x64xf32, #tpu.memory_space<hbm>>
        %dma_wait3A_218 = arith.constant 0 : i32
        %dma_wait3A_219 = tpu.memref_slice %arg5[%shift_left3A_198, %dma_wait3A_218] : memref<1000000x64xf32, #tpu.memory_space<hbm>> -> memref<8x64xf32, #tpu.memory_space<hbm>>
        tpu.wait_dma2 semaphore(%arg9 : memref<!tpu.dma_semaphore, #tpu.memory_space<semaphore_mem>>) src(%dma_wait3A_219 : memref<8x64xf32, #tpu.memory_space<hbm>>) dst(%arg7 : memref<8x64xf32, #tpu.memory_space<vmem>>)
        %dma_wait3A_220 = arith.constant 0 : i32
        %dma_wait3A_221 = tpu.memref_slice %arg4[%shift_left3A_206, %dma_wait3A_220] : memref<16384x64xf32, #tpu.memory_space<hbm>> -> memref<8x64xf32, #tpu.memory_space<hbm>>
        %dma_wait3A_222 = arith.constant 0 : i32
        %dma_wait3A_223 = tpu.memref_slice %arg4[%shift_left3A_206, %dma_wait3A_222] : memref<16384x64xf32, #tpu.memory_space<hbm>> -> memref<8x64xf32, #tpu.memory_space<hbm>>
        tpu.wait_dma2 semaphore(%arg9 : memref<!tpu.dma_semaphore, #tpu.memory_space<semaphore_mem>>) src(%dma_wait3A_223 : memref<8x64xf32, #tpu.memory_space<hbm>>) dst(%arg8 : memref<8x64xf32, #tpu.memory_space<vmem>>)
        %get3A_224 = arith.index_cast %sub3A : i32 to index
        %get3A_225 = arith.constant 0 : index
        %get3A_226 = tpu.vector_load %arg7[%get3A_224, %get3A_225] {strides = array<i32>} : memref<8x64xf32, #tpu.memory_space<vmem>>, vector<1x16xf32>,
        %get3A_227 = vector.shape_cast %get3A_226 : vector<1x16xf32> to vector<16xf32>
        %get3A_228 = arith.index_cast %sub3A_207 : i32 to index
        %get3A_229 = arith.constant 0 : index
        %get3A_230 = tpu.vector_load %arg8[%get3A_228, %get3A_229] {strides = array<i32>} : memref<8x64xf32, #tpu.memory_space<vmem>>, vector<1x16xf32>,
        %get3A_231 = vector.shape_cast %get3A_230 : vector<1x16xf32> to vector<16xf32>
        %add3A_232 = arith.addf %get3A_227, %get3A_231 : vector<16xf32>
        %swap3A = arith.index_cast %sub3A : i32 to index
        %swap3A_233 = arith.constant 0 : index
        %swap3A_234 = tpu.vector_load %arg7[%swap3A, %swap3A_233] {strides = array<i32>} : memref<8x64xf32, #tpu.memory_space<vmem>>, vector<1x16xf32>,
        %swap3A_235 = vector.shape_cast %swap3A_234 : vector<1x16xf32> to vector<16xf32>
        %swap3A_236 = vector.shape_cast %add3A_232 : vector<16xf32> to vector<1x16xf32>
        tpu.vector_store %arg7[%swap3A, %swap3A_233], %swap3A_236 {strides = array<i32>} : memref<8x64xf32, #tpu.memory_space<vmem>>, vector<1x16xf32>,
        %get3A_237 = arith.index_cast %sub3A : i32 to index
        %get3A_238 = arith.constant 16 : index
        %get3A_239 = tpu.vector_load %arg7[%get3A_237, %get3A_238] {strides = array<i32>} : memref<8x64xf32, #tpu.memory_space<vmem>>, vector<1x16xf32>,
        %get3A_240 = vector.shape_cast %get3A_239 : vector<1x16xf32> to vector<16xf32>
        %get3A_241 = arith.index_cast %sub3A_207 : i32 to index
        %get3A_242 = arith.constant 16 : index
        %get3A_243 = tpu.vector_load %arg8[%get3A_241, %get3A_242] {strides = array<i32>} : memref<8x64xf32, #tpu.memory_space<vmem>>, vector<1x16xf32>,
        %get3A_244 = vector.shape_cast %get3A_243 : vector<1x16xf32> to vector<16xf32>
        %add3A_245 = arith.addf %get3A_240, %get3A_244 : vector<16xf32>
        %swap3A_246 = arith.index_cast %sub3A : i32 to index
        %swap3A_247 = arith.constant 16 : index
        %swap3A_248 = tpu.vector_load %arg7[%swap3A_246, %swap3A_247] {strides = array<i32>} : memref<8x64xf32, #tpu.memory_space<vmem>>, vector<1x16xf32>,
        %swap3A_249 = vector.shape_cast %swap3A_248 : vector<1x16xf32> to vector<16xf32>
        %swap3A_250 = vector.shape_cast %add3A_245 : vector<16xf32> to vector<1x16xf32>
        tpu.vector_store %arg7[%swap3A_246, %swap3A_247], %swap3A_250 {strides = array<i32>} : memref<8x64xf32, #tpu.memory_space<vmem>>, vector<1x16xf32>,
        %get3A_251 = arith.index_cast %sub3A : i32 to index
        %get3A_252 = arith.constant 32 : index
        %get3A_253 = tpu.vector_load %arg7[%get3A_251, %get3A_252] {strides = array<i32>} : memref<8x64xf32, #tpu.memory_space<vmem>>, vector<1x16xf32>,
        %get3A_254 = vector.shape_cast %get3A_253 : vector<1x16xf32> to vector<16xf32>
        %get3A_255 = arith.index_cast %sub3A_207 : i32 to index
        %get3A_256 = arith.constant 32 : index
        %get3A_257 = tpu.vector_load %arg8[%get3A_255, %get3A_256] {strides = array<i32>} : memref<8x64xf32, #tpu.memory_space<vmem>>, vector<1x16xf32>,
        %get3A_258 = vector.shape_cast %get3A_257 : vector<1x16xf32> to vector<16xf32>
        %add3A_259 = arith.addf %get3A_254, %get3A_258 : vector<16xf32>
        %swap3A_260 = arith.index_cast %sub3A : i32 to index
        %swap3A_261 = arith.constant 32 : index
        %swap3A_262 = tpu.vector_load %arg7[%swap3A_260, %swap3A_261] {strides = array<i32>} : memref<8x64xf32, #tpu.memory_space<vmem>>, vector<1x16xf32>,
        %swap3A_263 = vector.shape_cast %swap3A_262 : vector<1x16xf32> to vector<16xf32>
        %swap3A_264 = vector.shape_cast %add3A_259 : vector<16xf32> to vector<1x16xf32>
        tpu.vector_store %arg7[%swap3A_260, %swap3A_261], %swap3A_264 {strides = array<i32>} : memref<8x64xf32, #tpu.memory_space<vmem>>, vector<1x16xf32>,
        %get3A_265 = arith.index_cast %sub3A : i32 to index
        %get3A_266 = arith.constant 48 : index
        %get3A_267 = tpu.vector_load %arg7[%get3A_265, %get3A_266] {strides = array<i32>} : memref<8x64xf32, #tpu.memory_space<vmem>>, vector<1x16xf32>,
        %get3A_268 = vector.shape_cast %get3A_267 : vector<1x16xf32> to vector<16xf32>
        %get3A_269 = arith.index_cast %sub3A_207 : i32 to index
        %get3A_270 = arith.constant 48 : index
        %get3A_271 = tpu.vector_load %arg8[%get3A_269, %get3A_270] {strides = array<i32>} : memref<8x64xf32, #tpu.memory_space<vmem>>, vector<1x16xf32>,
        %get3A_272 = vector.shape_cast %get3A_271 : vector<1x16xf32> to vector<16xf32>
        %add3A_273 = arith.addf %get3A_268, %get3A_272 : vector<16xf32>
        %swap3A_274 = arith.index_cast %sub3A : i32 to index
        %swap3A_275 = arith.constant 48 : index
        %swap3A_276 = tpu.vector_load %arg7[%swap3A_274, %swap3A_275] {strides = array<i32>} : memref<8x64xf32, #tpu.memory_space<vmem>>, vector<1x16xf32>,
        %swap3A_277 = vector.shape_cast %swap3A_276 : vector<1x16xf32> to vector<16xf32>
        %swap3A_278 = vector.shape_cast %add3A_273 : vector<16xf32> to vector<1x16xf32>
        tpu.vector_store %arg7[%swap3A_274, %swap3A_275], %swap3A_278 {strides = array<i32>} : memref<8x64xf32, #tpu.memory_space<vmem>>, vector<1x16xf32>,
        %dma_start3A_279 = arith.constant 0 : i32
        %dma_start3A_280 = tpu.memref_slice %arg5[%shift_left3A_198, %dma_start3A_279] : memref<1000000x64xf32, #tpu.memory_space<hbm>> -> memref<8x64xf32, #tpu.memory_space<hbm>>
        %dma_start3A_281 = arith.constant 0 : i32
        %dma_start3A_282 = tpu.memref_slice %arg5[%shift_left3A_198, %dma_start3A_281] : memref<1000000x64xf32, #tpu.memory_space<hbm>> -> memref<8x64xf32, #tpu.memory_space<hbm>>
        tpu.enqueue_dma source(%arg7 : memref<8x64xf32, #tpu.memory_space<vmem>>) target(%dma_start3A_282 : memref<8x64xf32, #tpu.memory_space<hbm>>) target_semaphore(%arg9 : memref<!tpu.dma_semaphore, #tpu.memory_space<semaphore_mem>>)
        %dma_wait3A_283 = arith.constant 0 : i32
        %dma_wait3A_284 = tpu.memref_slice %arg5[%shift_left3A_198, %dma_wait3A_283] : memref<1000000x64xf32, #tpu.memory_space<hbm>> -> memref<8x64xf32, #tpu.memory_space<hbm>>
        %dma_wait3A_285 = arith.constant 0 : i32
        %dma_wait3A_286 = tpu.memref_slice %arg5[%shift_left3A_198, %dma_wait3A_285] : memref<1000000x64xf32, #tpu.memory_space<hbm>> -> memref<8x64xf32, #tpu.memory_space<hbm>>
        tpu.wait_dma2 semaphore(%arg9 : memref<!tpu.dma_semaphore, #tpu.memory_space<semaphore_mem>>) src(%arg7 : memref<8x64xf32, #tpu.memory_space<vmem>>) dst(%dma_wait3A_286 : memref<8x64xf32, #tpu.memory_space<hbm>>)
      } else {
      }
      %slice3A_149 = vector.extract_strided_slice %get3A_73 {offsets = [10], sizes = [1], strides = [1]} : vector<16xi32> to vector<1xi32>
      %squeeze3A_150 = vector.extract %slice3A_149[0] : i32 from vector<1xi32>
      %ge3A_151 = arith.cmpi sge, %squeeze3A_150, %mul3A_2 : i32
      %lt3A_152 = arith.cmpi slt, %squeeze3A_150, %add3A_8 : i32
      %and3A_153 = arith.andi %ge3A_151, %lt3A_152 : i1
      %convert_element_type3A_154 = arith.extui %and3A_153 : i1 to i32
      %cond3A_155 = arith.constant 0 : i32
      %cond3A_156 = arith.cmpi ne, %convert_element_type3A_154, %cond3A_155 : i32
      scf.if %cond3A_156 {
        %shift_right_arithmetic3A = arith.constant 3 : i32
        %shift_right_arithmetic3A_197 = arith.shrsi %squeeze3A_150, %shift_right_arithmetic3A : i32
        %shift_left3A = arith.constant 3 : i32
        %shift_left3A_198 = arith.shli %shift_right_arithmetic3A_197, %shift_left3A : i32
        %sub3A = arith.subi %squeeze3A_150, %shift_left3A_198 : i32
        %mul3A_199 = arith.constant 16 : i32
        %mul3A_200 = arith.muli %scan3A_69, %mul3A_199 : i32
        %add3A_201 = arith.constant 10 : i32
        %add3A_202 = arith.addi %mul3A_200, %add3A_201 : i32
        %shift_right_arithmetic3A_203 = arith.constant 3 : i32
        %shift_right_arithmetic3A_204 = arith.shrsi %add3A_202, %shift_right_arithmetic3A_203 : i32
        %shift_left3A_205 = arith.constant 3 : i32
        %shift_left3A_206 = arith.shli %shift_right_arithmetic3A_204, %shift_left3A_205 : i32
        %sub3A_207 = arith.subi %add3A_202, %shift_left3A_206 : i32
        %dma_start3A_208 = arith.constant 0 : i32
        %dma_start3A_209 = tpu.memref_slice %arg5[%shift_left3A_198, %dma_start3A_208] : memref<1000000x64xf32, #tpu.memory_space<hbm>> -> memref<8x64xf32, #tpu.memory_space<hbm>>
        %dma_start3A_210 = arith.constant 0 : i32
        %dma_start3A_211 = tpu.memref_slice %arg5[%shift_left3A_198, %dma_start3A_210] : memref<1000000x64xf32, #tpu.memory_space<hbm>> -> memref<8x64xf32, #tpu.memory_space<hbm>>
        tpu.enqueue_dma source(%dma_start3A_211 : memref<8x64xf32, #tpu.memory_space<hbm>>) target(%arg7 : memref<8x64xf32, #tpu.memory_space<vmem>>) target_semaphore(%arg9 : memref<!tpu.dma_semaphore, #tpu.memory_space<semaphore_mem>>)
        %dma_start3A_212 = arith.constant 0 : i32
        %dma_start3A_213 = tpu.memref_slice %arg4[%shift_left3A_206, %dma_start3A_212] : memref<16384x64xf32, #tpu.memory_space<hbm>> -> memref<8x64xf32, #tpu.memory_space<hbm>>
        %dma_start3A_214 = arith.constant 0 : i32
        %dma_start3A_215 = tpu.memref_slice %arg4[%shift_left3A_206, %dma_start3A_214] : memref<16384x64xf32, #tpu.memory_space<hbm>> -> memref<8x64xf32, #tpu.memory_space<hbm>>
        tpu.enqueue_dma source(%dma_start3A_215 : memref<8x64xf32, #tpu.memory_space<hbm>>) target(%arg8 : memref<8x64xf32, #tpu.memory_space<vmem>>) target_semaphore(%arg9 : memref<!tpu.dma_semaphore, #tpu.memory_space<semaphore_mem>>)
        %dma_wait3A_216 = arith.constant 0 : i32
        %dma_wait3A_217 = tpu.memref_slice %arg5[%shift_left3A_198, %dma_wait3A_216] : memref<1000000x64xf32, #tpu.memory_space<hbm>> -> memref<8x64xf32, #tpu.memory_space<hbm>>
        %dma_wait3A_218 = arith.constant 0 : i32
        %dma_wait3A_219 = tpu.memref_slice %arg5[%shift_left3A_198, %dma_wait3A_218] : memref<1000000x64xf32, #tpu.memory_space<hbm>> -> memref<8x64xf32, #tpu.memory_space<hbm>>
        tpu.wait_dma2 semaphore(%arg9 : memref<!tpu.dma_semaphore, #tpu.memory_space<semaphore_mem>>) src(%dma_wait3A_219 : memref<8x64xf32, #tpu.memory_space<hbm>>) dst(%arg7 : memref<8x64xf32, #tpu.memory_space<vmem>>)
        %dma_wait3A_220 = arith.constant 0 : i32
        %dma_wait3A_221 = tpu.memref_slice %arg4[%shift_left3A_206, %dma_wait3A_220] : memref<16384x64xf32, #tpu.memory_space<hbm>> -> memref<8x64xf32, #tpu.memory_space<hbm>>
        %dma_wait3A_222 = arith.constant 0 : i32
        %dma_wait3A_223 = tpu.memref_slice %arg4[%shift_left3A_206, %dma_wait3A_222] : memref<16384x64xf32, #tpu.memory_space<hbm>> -> memref<8x64xf32, #tpu.memory_space<hbm>>
        tpu.wait_dma2 semaphore(%arg9 : memref<!tpu.dma_semaphore, #tpu.memory_space<semaphore_mem>>) src(%dma_wait3A_223 : memref<8x64xf32, #tpu.memory_space<hbm>>) dst(%arg8 : memref<8x64xf32, #tpu.memory_space<vmem>>)
        %get3A_224 = arith.index_cast %sub3A : i32 to index
        %get3A_225 = arith.constant 0 : index
        %get3A_226 = tpu.vector_load %arg7[%get3A_224, %get3A_225] {strides = array<i32>} : memref<8x64xf32, #tpu.memory_space<vmem>>, vector<1x16xf32>,
        %get3A_227 = vector.shape_cast %get3A_226 : vector<1x16xf32> to vector<16xf32>
        %get3A_228 = arith.index_cast %sub3A_207 : i32 to index
        %get3A_229 = arith.constant 0 : index
        %get3A_230 = tpu.vector_load %arg8[%get3A_228, %get3A_229] {strides = array<i32>} : memref<8x64xf32, #tpu.memory_space<vmem>>, vector<1x16xf32>,
        %get3A_231 = vector.shape_cast %get3A_230 : vector<1x16xf32> to vector<16xf32>
        %add3A_232 = arith.addf %get3A_227, %get3A_231 : vector<16xf32>
        %swap3A = arith.index_cast %sub3A : i32 to index
        %swap3A_233 = arith.constant 0 : index
        %swap3A_234 = tpu.vector_load %arg7[%swap3A, %swap3A_233] {strides = array<i32>} : memref<8x64xf32, #tpu.memory_space<vmem>>, vector<1x16xf32>,
        %swap3A_235 = vector.shape_cast %swap3A_234 : vector<1x16xf32> to vector<16xf32>
        %swap3A_236 = vector.shape_cast %add3A_232 : vector<16xf32> to vector<1x16xf32>
        tpu.vector_store %arg7[%swap3A, %swap3A_233], %swap3A_236 {strides = array<i32>} : memref<8x64xf32, #tpu.memory_space<vmem>>, vector<1x16xf32>,
        %get3A_237 = arith.index_cast %sub3A : i32 to index
        %get3A_238 = arith.constant 16 : index
        %get3A_239 = tpu.vector_load %arg7[%get3A_237, %get3A_238] {strides = array<i32>} : memref<8x64xf32, #tpu.memory_space<vmem>>, vector<1x16xf32>,
        %get3A_240 = vector.shape_cast %get3A_239 : vector<1x16xf32> to vector<16xf32>
        %get3A_241 = arith.index_cast %sub3A_207 : i32 to index
        %get3A_242 = arith.constant 16 : index
        %get3A_243 = tpu.vector_load %arg8[%get3A_241, %get3A_242] {strides = array<i32>} : memref<8x64xf32, #tpu.memory_space<vmem>>, vector<1x16xf32>,
        %get3A_244 = vector.shape_cast %get3A_243 : vector<1x16xf32> to vector<16xf32>
        %add3A_245 = arith.addf %get3A_240, %get3A_244 : vector<16xf32>
        %swap3A_246 = arith.index_cast %sub3A : i32 to index
        %swap3A_247 = arith.constant 16 : index
        %swap3A_248 = tpu.vector_load %arg7[%swap3A_246, %swap3A_247] {strides = array<i32>} : memref<8x64xf32, #tpu.memory_space<vmem>>, vector<1x16xf32>,
        %swap3A_249 = vector.shape_cast %swap3A_248 : vector<1x16xf32> to vector<16xf32>
        %swap3A_250 = vector.shape_cast %add3A_245 : vector<16xf32> to vector<1x16xf32>
        tpu.vector_store %arg7[%swap3A_246, %swap3A_247], %swap3A_250 {strides = array<i32>} : memref<8x64xf32, #tpu.memory_space<vmem>>, vector<1x16xf32>,
        %get3A_251 = arith.index_cast %sub3A : i32 to index
        %get3A_252 = arith.constant 32 : index
        %get3A_253 = tpu.vector_load %arg7[%get3A_251, %get3A_252] {strides = array<i32>} : memref<8x64xf32, #tpu.memory_space<vmem>>, vector<1x16xf32>,
        %get3A_254 = vector.shape_cast %get3A_253 : vector<1x16xf32> to vector<16xf32>
        %get3A_255 = arith.index_cast %sub3A_207 : i32 to index
        %get3A_256 = arith.constant 32 : index
        %get3A_257 = tpu.vector_load %arg8[%get3A_255, %get3A_256] {strides = array<i32>} : memref<8x64xf32, #tpu.memory_space<vmem>>, vector<1x16xf32>,
        %get3A_258 = vector.shape_cast %get3A_257 : vector<1x16xf32> to vector<16xf32>
        %add3A_259 = arith.addf %get3A_254, %get3A_258 : vector<16xf32>
        %swap3A_260 = arith.index_cast %sub3A : i32 to index
        %swap3A_261 = arith.constant 32 : index
        %swap3A_262 = tpu.vector_load %arg7[%swap3A_260, %swap3A_261] {strides = array<i32>} : memref<8x64xf32, #tpu.memory_space<vmem>>, vector<1x16xf32>,
        %swap3A_263 = vector.shape_cast %swap3A_262 : vector<1x16xf32> to vector<16xf32>
        %swap3A_264 = vector.shape_cast %add3A_259 : vector<16xf32> to vector<1x16xf32>
        tpu.vector_store %arg7[%swap3A_260, %swap3A_261], %swap3A_264 {strides = array<i32>} : memref<8x64xf32, #tpu.memory_space<vmem>>, vector<1x16xf32>,
        %get3A_265 = arith.index_cast %sub3A : i32 to index
        %get3A_266 = arith.constant 48 : index
        %get3A_267 = tpu.vector_load %arg7[%get3A_265, %get3A_266] {strides = array<i32>} : memref<8x64xf32, #tpu.memory_space<vmem>>, vector<1x16xf32>,
        %get3A_268 = vector.shape_cast %get3A_267 : vector<1x16xf32> to vector<16xf32>
        %get3A_269 = arith.index_cast %sub3A_207 : i32 to index
        %get3A_270 = arith.constant 48 : index
        %get3A_271 = tpu.vector_load %arg8[%get3A_269, %get3A_270] {strides = array<i32>} : memref<8x64xf32, #tpu.memory_space<vmem>>, vector<1x16xf32>,
        %get3A_272 = vector.shape_cast %get3A_271 : vector<1x16xf32> to vector<16xf32>
        %add3A_273 = arith.addf %get3A_268, %get3A_272 : vector<16xf32>
        %swap3A_274 = arith.index_cast %sub3A : i32 to index
        %swap3A_275 = arith.constant 48 : index
        %swap3A_276 = tpu.vector_load %arg7[%swap3A_274, %swap3A_275] {strides = array<i32>} : memref<8x64xf32, #tpu.memory_space<vmem>>, vector<1x16xf32>,
        %swap3A_277 = vector.shape_cast %swap3A_276 : vector<1x16xf32> to vector<16xf32>
        %swap3A_278 = vector.shape_cast %add3A_273 : vector<16xf32> to vector<1x16xf32>
        tpu.vector_store %arg7[%swap3A_274, %swap3A_275], %swap3A_278 {strides = array<i32>} : memref<8x64xf32, #tpu.memory_space<vmem>>, vector<1x16xf32>,
        %dma_start3A_279 = arith.constant 0 : i32
        %dma_start3A_280 = tpu.memref_slice %arg5[%shift_left3A_198, %dma_start3A_279] : memref<1000000x64xf32, #tpu.memory_space<hbm>> -> memref<8x64xf32, #tpu.memory_space<hbm>>
        %dma_start3A_281 = arith.constant 0 : i32
        %dma_start3A_282 = tpu.memref_slice %arg5[%shift_left3A_198, %dma_start3A_281] : memref<1000000x64xf32, #tpu.memory_space<hbm>> -> memref<8x64xf32, #tpu.memory_space<hbm>>
        tpu.enqueue_dma source(%arg7 : memref<8x64xf32, #tpu.memory_space<vmem>>) target(%dma_start3A_282 : memref<8x64xf32, #tpu.memory_space<hbm>>) target_semaphore(%arg9 : memref<!tpu.dma_semaphore, #tpu.memory_space<semaphore_mem>>)
        %dma_wait3A_283 = arith.constant 0 : i32
        %dma_wait3A_284 = tpu.memref_slice %arg5[%shift_left3A_198, %dma_wait3A_283] : memref<1000000x64xf32, #tpu.memory_space<hbm>> -> memref<8x64xf32, #tpu.memory_space<hbm>>
        %dma_wait3A_285 = arith.constant 0 : i32
        %dma_wait3A_286 = tpu.memref_slice %arg5[%shift_left3A_198, %dma_wait3A_285] : memref<1000000x64xf32, #tpu.memory_space<hbm>> -> memref<8x64xf32, #tpu.memory_space<hbm>>
        tpu.wait_dma2 semaphore(%arg9 : memref<!tpu.dma_semaphore, #tpu.memory_space<semaphore_mem>>) src(%arg7 : memref<8x64xf32, #tpu.memory_space<vmem>>) dst(%dma_wait3A_286 : memref<8x64xf32, #tpu.memory_space<hbm>>)
      } else {
      }
      %slice3A_157 = vector.extract_strided_slice %get3A_73 {offsets = [11], sizes = [1], strides = [1]} : vector<16xi32> to vector<1xi32>
      %squeeze3A_158 = vector.extract %slice3A_157[0] : i32 from vector<1xi32>
      %ge3A_159 = arith.cmpi sge, %squeeze3A_158, %mul3A_2 : i32
      %lt3A_160 = arith.cmpi slt, %squeeze3A_158, %add3A_8 : i32
      %and3A_161 = arith.andi %ge3A_159, %lt3A_160 : i1
      %convert_element_type3A_162 = arith.extui %and3A_161 : i1 to i32
      %cond3A_163 = arith.constant 0 : i32
      %cond3A_164 = arith.cmpi ne, %convert_element_type3A_162, %cond3A_163 : i32
      scf.if %cond3A_164 {
        %shift_right_arithmetic3A = arith.constant 3 : i32
        %shift_right_arithmetic3A_197 = arith.shrsi %squeeze3A_158, %shift_right_arithmetic3A : i32
        %shift_left3A = arith.constant 3 : i32
        %shift_left3A_198 = arith.shli %shift_right_arithmetic3A_197, %shift_left3A : i32
        %sub3A = arith.subi %squeeze3A_158, %shift_left3A_198 : i32
        %mul3A_199 = arith.constant 16 : i32
        %mul3A_200 = arith.muli %scan3A_69, %mul3A_199 : i32
        %add3A_201 = arith.constant 11 : i32
        %add3A_202 = arith.addi %mul3A_200, %add3A_201 : i32
        %shift_right_arithmetic3A_203 = arith.constant 3 : i32
        %shift_right_arithmetic3A_204 = arith.shrsi %add3A_202, %shift_right_arithmetic3A_203 : i32
        %shift_left3A_205 = arith.constant 3 : i32
        %shift_left3A_206 = arith.shli %shift_right_arithmetic3A_204, %shift_left3A_205 : i32
        %sub3A_207 = arith.subi %add3A_202, %shift_left3A_206 : i32
        %dma_start3A_208 = arith.constant 0 : i32
        %dma_start3A_209 = tpu.memref_slice %arg5[%shift_left3A_198, %dma_start3A_208] : memref<1000000x64xf32, #tpu.memory_space<hbm>> -> memref<8x64xf32, #tpu.memory_space<hbm>>
        %dma_start3A_210 = arith.constant 0 : i32
        %dma_start3A_211 = tpu.memref_slice %arg5[%shift_left3A_198, %dma_start3A_210] : memref<1000000x64xf32, #tpu.memory_space<hbm>> -> memref<8x64xf32, #tpu.memory_space<hbm>>
        tpu.enqueue_dma source(%dma_start3A_211 : memref<8x64xf32, #tpu.memory_space<hbm>>) target(%arg7 : memref<8x64xf32, #tpu.memory_space<vmem>>) target_semaphore(%arg9 : memref<!tpu.dma_semaphore, #tpu.memory_space<semaphore_mem>>)
        %dma_start3A_212 = arith.constant 0 : i32
        %dma_start3A_213 = tpu.memref_slice %arg4[%shift_left3A_206, %dma_start3A_212] : memref<16384x64xf32, #tpu.memory_space<hbm>> -> memref<8x64xf32, #tpu.memory_space<hbm>>
        %dma_start3A_214 = arith.constant 0 : i32
        %dma_start3A_215 = tpu.memref_slice %arg4[%shift_left3A_206, %dma_start3A_214] : memref<16384x64xf32, #tpu.memory_space<hbm>> -> memref<8x64xf32, #tpu.memory_space<hbm>>
        tpu.enqueue_dma source(%dma_start3A_215 : memref<8x64xf32, #tpu.memory_space<hbm>>) target(%arg8 : memref<8x64xf32, #tpu.memory_space<vmem>>) target_semaphore(%arg9 : memref<!tpu.dma_semaphore, #tpu.memory_space<semaphore_mem>>)
        %dma_wait3A_216 = arith.constant 0 : i32
        %dma_wait3A_217 = tpu.memref_slice %arg5[%shift_left3A_198, %dma_wait3A_216] : memref<1000000x64xf32, #tpu.memory_space<hbm>> -> memref<8x64xf32, #tpu.memory_space<hbm>>
        %dma_wait3A_218 = arith.constant 0 : i32
        %dma_wait3A_219 = tpu.memref_slice %arg5[%shift_left3A_198, %dma_wait3A_218] : memref<1000000x64xf32, #tpu.memory_space<hbm>> -> memref<8x64xf32, #tpu.memory_space<hbm>>
        tpu.wait_dma2 semaphore(%arg9 : memref<!tpu.dma_semaphore, #tpu.memory_space<semaphore_mem>>) src(%dma_wait3A_219 : memref<8x64xf32, #tpu.memory_space<hbm>>) dst(%arg7 : memref<8x64xf32, #tpu.memory_space<vmem>>)
        %dma_wait3A_220 = arith.constant 0 : i32
        %dma_wait3A_221 = tpu.memref_slice %arg4[%shift_left3A_206, %dma_wait3A_220] : memref<16384x64xf32, #tpu.memory_space<hbm>> -> memref<8x64xf32, #tpu.memory_space<hbm>>
        %dma_wait3A_222 = arith.constant 0 : i32
        %dma_wait3A_223 = tpu.memref_slice %arg4[%shift_left3A_206, %dma_wait3A_222] : memref<16384x64xf32, #tpu.memory_space<hbm>> -> memref<8x64xf32, #tpu.memory_space<hbm>>
        tpu.wait_dma2 semaphore(%arg9 : memref<!tpu.dma_semaphore, #tpu.memory_space<semaphore_mem>>) src(%dma_wait3A_223 : memref<8x64xf32, #tpu.memory_space<hbm>>) dst(%arg8 : memref<8x64xf32, #tpu.memory_space<vmem>>)
        %get3A_224 = arith.index_cast %sub3A : i32 to index
        %get3A_225 = arith.constant 0 : index
        %get3A_226 = tpu.vector_load %arg7[%get3A_224, %get3A_225] {strides = array<i32>} : memref<8x64xf32, #tpu.memory_space<vmem>>, vector<1x16xf32>,
        %get3A_227 = vector.shape_cast %get3A_226 : vector<1x16xf32> to vector<16xf32>
        %get3A_228 = arith.index_cast %sub3A_207 : i32 to index
        %get3A_229 = arith.constant 0 : index
        %get3A_230 = tpu.vector_load %arg8[%get3A_228, %get3A_229] {strides = array<i32>} : memref<8x64xf32, #tpu.memory_space<vmem>>, vector<1x16xf32>,
        %get3A_231 = vector.shape_cast %get3A_230 : vector<1x16xf32> to vector<16xf32>
        %add3A_232 = arith.addf %get3A_227, %get3A_231 : vector<16xf32>
        %swap3A = arith.index_cast %sub3A : i32 to index
        %swap3A_233 = arith.constant 0 : index
        %swap3A_234 = tpu.vector_load %arg7[%swap3A, %swap3A_233] {strides = array<i32>} : memref<8x64xf32, #tpu.memory_space<vmem>>, vector<1x16xf32>,
        %swap3A_235 = vector.shape_cast %swap3A_234 : vector<1x16xf32> to vector<16xf32>
        %swap3A_236 = vector.shape_cast %add3A_232 : vector<16xf32> to vector<1x16xf32>
        tpu.vector_store %arg7[%swap3A, %swap3A_233], %swap3A_236 {strides = array<i32>} : memref<8x64xf32, #tpu.memory_space<vmem>>, vector<1x16xf32>,
        %get3A_237 = arith.index_cast %sub3A : i32 to index
        %get3A_238 = arith.constant 16 : index
        %get3A_239 = tpu.vector_load %arg7[%get3A_237, %get3A_238] {strides = array<i32>} : memref<8x64xf32, #tpu.memory_space<vmem>>, vector<1x16xf32>,
        %get3A_240 = vector.shape_cast %get3A_239 : vector<1x16xf32> to vector<16xf32>
        %get3A_241 = arith.index_cast %sub3A_207 : i32 to index
        %get3A_242 = arith.constant 16 : index
        %get3A_243 = tpu.vector_load %arg8[%get3A_241, %get3A_242] {strides = array<i32>} : memref<8x64xf32, #tpu.memory_space<vmem>>, vector<1x16xf32>,
        %get3A_244 = vector.shape_cast %get3A_243 : vector<1x16xf32> to vector<16xf32>
        %add3A_245 = arith.addf %get3A_240, %get3A_244 : vector<16xf32>
        %swap3A_246 = arith.index_cast %sub3A : i32 to index
        %swap3A_247 = arith.constant 16 : index
        %swap3A_248 = tpu.vector_load %arg7[%swap3A_246, %swap3A_247] {strides = array<i32>} : memref<8x64xf32, #tpu.memory_space<vmem>>, vector<1x16xf32>,
        %swap3A_249 = vector.shape_cast %swap3A_248 : vector<1x16xf32> to vector<16xf32>
        %swap3A_250 = vector.shape_cast %add3A_245 : vector<16xf32> to vector<1x16xf32>
        tpu.vector_store %arg7[%swap3A_246, %swap3A_247], %swap3A_250 {strides = array<i32>} : memref<8x64xf32, #tpu.memory_space<vmem>>, vector<1x16xf32>,
        %get3A_251 = arith.index_cast %sub3A : i32 to index
        %get3A_252 = arith.constant 32 : index
        %get3A_253 = tpu.vector_load %arg7[%get3A_251, %get3A_252] {strides = array<i32>} : memref<8x64xf32, #tpu.memory_space<vmem>>, vector<1x16xf32>,
        %get3A_254 = vector.shape_cast %get3A_253 : vector<1x16xf32> to vector<16xf32>
        %get3A_255 = arith.index_cast %sub3A_207 : i32 to index
        %get3A_256 = arith.constant 32 : index
        %get3A_257 = tpu.vector_load %arg8[%get3A_255, %get3A_256] {strides = array<i32>} : memref<8x64xf32, #tpu.memory_space<vmem>>, vector<1x16xf32>,
        %get3A_258 = vector.shape_cast %get3A_257 : vector<1x16xf32> to vector<16xf32>
        %add3A_259 = arith.addf %get3A_254, %get3A_258 : vector<16xf32>
        %swap3A_260 = arith.index_cast %sub3A : i32 to index
        %swap3A_261 = arith.constant 32 : index
        %swap3A_262 = tpu.vector_load %arg7[%swap3A_260, %swap3A_261] {strides = array<i32>} : memref<8x64xf32, #tpu.memory_space<vmem>>, vector<1x16xf32>,
        %swap3A_263 = vector.shape_cast %swap3A_262 : vector<1x16xf32> to vector<16xf32>
        %swap3A_264 = vector.shape_cast %add3A_259 : vector<16xf32> to vector<1x16xf32>
        tpu.vector_store %arg7[%swap3A_260, %swap3A_261], %swap3A_264 {strides = array<i32>} : memref<8x64xf32, #tpu.memory_space<vmem>>, vector<1x16xf32>,
        %get3A_265 = arith.index_cast %sub3A : i32 to index
        %get3A_266 = arith.constant 48 : index
        %get3A_267 = tpu.vector_load %arg7[%get3A_265, %get3A_266] {strides = array<i32>} : memref<8x64xf32, #tpu.memory_space<vmem>>, vector<1x16xf32>,
        %get3A_268 = vector.shape_cast %get3A_267 : vector<1x16xf32> to vector<16xf32>
        %get3A_269 = arith.index_cast %sub3A_207 : i32 to index
        %get3A_270 = arith.constant 48 : index
        %get3A_271 = tpu.vector_load %arg8[%get3A_269, %get3A_270] {strides = array<i32>} : memref<8x64xf32, #tpu.memory_space<vmem>>, vector<1x16xf32>,
        %get3A_272 = vector.shape_cast %get3A_271 : vector<1x16xf32> to vector<16xf32>
        %add3A_273 = arith.addf %get3A_268, %get3A_272 : vector<16xf32>
        %swap3A_274 = arith.index_cast %sub3A : i32 to index
        %swap3A_275 = arith.constant 48 : index
        %swap3A_276 = tpu.vector_load %arg7[%swap3A_274, %swap3A_275] {strides = array<i32>} : memref<8x64xf32, #tpu.memory_space<vmem>>, vector<1x16xf32>,
        %swap3A_277 = vector.shape_cast %swap3A_276 : vector<1x16xf32> to vector<16xf32>
        %swap3A_278 = vector.shape_cast %add3A_273 : vector<16xf32> to vector<1x16xf32>
        tpu.vector_store %arg7[%swap3A_274, %swap3A_275], %swap3A_278 {strides = array<i32>} : memref<8x64xf32, #tpu.memory_space<vmem>>, vector<1x16xf32>,
        %dma_start3A_279 = arith.constant 0 : i32
        %dma_start3A_280 = tpu.memref_slice %arg5[%shift_left3A_198, %dma_start3A_279] : memref<1000000x64xf32, #tpu.memory_space<hbm>> -> memref<8x64xf32, #tpu.memory_space<hbm>>
        %dma_start3A_281 = arith.constant 0 : i32
        %dma_start3A_282 = tpu.memref_slice %arg5[%shift_left3A_198, %dma_start3A_281] : memref<1000000x64xf32, #tpu.memory_space<hbm>> -> memref<8x64xf32, #tpu.memory_space<hbm>>
        tpu.enqueue_dma source(%arg7 : memref<8x64xf32, #tpu.memory_space<vmem>>) target(%dma_start3A_282 : memref<8x64xf32, #tpu.memory_space<hbm>>) target_semaphore(%arg9 : memref<!tpu.dma_semaphore, #tpu.memory_space<semaphore_mem>>)
        %dma_wait3A_283 = arith.constant 0 : i32
        %dma_wait3A_284 = tpu.memref_slice %arg5[%shift_left3A_198, %dma_wait3A_283] : memref<1000000x64xf32, #tpu.memory_space<hbm>> -> memref<8x64xf32, #tpu.memory_space<hbm>>
        %dma_wait3A_285 = arith.constant 0 : i32
        %dma_wait3A_286 = tpu.memref_slice %arg5[%shift_left3A_198, %dma_wait3A_285] : memref<1000000x64xf32, #tpu.memory_space<hbm>> -> memref<8x64xf32, #tpu.memory_space<hbm>>
        tpu.wait_dma2 semaphore(%arg9 : memref<!tpu.dma_semaphore, #tpu.memory_space<semaphore_mem>>) src(%arg7 : memref<8x64xf32, #tpu.memory_space<vmem>>) dst(%dma_wait3A_286 : memref<8x64xf32, #tpu.memory_space<hbm>>)
      } else {
      }
      %slice3A_165 = vector.extract_strided_slice %get3A_73 {offsets = [12], sizes = [1], strides = [1]} : vector<16xi32> to vector<1xi32>
      %squeeze3A_166 = vector.extract %slice3A_165[0] : i32 from vector<1xi32>
      %ge3A_167 = arith.cmpi sge, %squeeze3A_166, %mul3A_2 : i32
      %lt3A_168 = arith.cmpi slt, %squeeze3A_166, %add3A_8 : i32
      %and3A_169 = arith.andi %ge3A_167, %lt3A_168 : i1
      %convert_element_type3A_170 = arith.extui %and3A_169 : i1 to i32
      %cond3A_171 = arith.constant 0 : i32
      %cond3A_172 = arith.cmpi ne, %convert_element_type3A_170, %cond3A_171 : i32
      scf.if %cond3A_172 {
        %shift_right_arithmetic3A = arith.constant 3 : i32
        %shift_right_arithmetic3A_197 = arith.shrsi %squeeze3A_166, %shift_right_arithmetic3A : i32
        %shift_left3A = arith.constant 3 : i32
        %shift_left3A_198 = arith.shli %shift_right_arithmetic3A_197, %shift_left3A : i32
        %sub3A = arith.subi %squeeze3A_166, %shift_left3A_198 : i32
        %mul3A_199 = arith.constant 16 : i32
        %mul3A_200 = arith.muli %scan3A_69, %mul3A_199 : i32
        %add3A_201 = arith.constant 12 : i32
        %add3A_202 = arith.addi %mul3A_200, %add3A_201 : i32
        %shift_right_arithmetic3A_203 = arith.constant 3 : i32
        %shift_right_arithmetic3A_204 = arith.shrsi %add3A_202, %shift_right_arithmetic3A_203 : i32
        %shift_left3A_205 = arith.constant 3 : i32
        %shift_left3A_206 = arith.shli %shift_right_arithmetic3A_204, %shift_left3A_205 : i32
        %sub3A_207 = arith.subi %add3A_202, %shift_left3A_206 : i32
        %dma_start3A_208 = arith.constant 0 : i32
        %dma_start3A_209 = tpu.memref_slice %arg5[%shift_left3A_198, %dma_start3A_208] : memref<1000000x64xf32, #tpu.memory_space<hbm>> -> memref<8x64xf32, #tpu.memory_space<hbm>>
        %dma_start3A_210 = arith.constant 0 : i32
        %dma_start3A_211 = tpu.memref_slice %arg5[%shift_left3A_198, %dma_start3A_210] : memref<1000000x64xf32, #tpu.memory_space<hbm>> -> memref<8x64xf32, #tpu.memory_space<hbm>>
        tpu.enqueue_dma source(%dma_start3A_211 : memref<8x64xf32, #tpu.memory_space<hbm>>) target(%arg7 : memref<8x64xf32, #tpu.memory_space<vmem>>) target_semaphore(%arg9 : memref<!tpu.dma_semaphore, #tpu.memory_space<semaphore_mem>>)
        %dma_start3A_212 = arith.constant 0 : i32
        %dma_start3A_213 = tpu.memref_slice %arg4[%shift_left3A_206, %dma_start3A_212] : memref<16384x64xf32, #tpu.memory_space<hbm>> -> memref<8x64xf32, #tpu.memory_space<hbm>>
        %dma_start3A_214 = arith.constant 0 : i32
        %dma_start3A_215 = tpu.memref_slice %arg4[%shift_left3A_206, %dma_start3A_214] : memref<16384x64xf32, #tpu.memory_space<hbm>> -> memref<8x64xf32, #tpu.memory_space<hbm>>
        tpu.enqueue_dma source(%dma_start3A_215 : memref<8x64xf32, #tpu.memory_space<hbm>>) target(%arg8 : memref<8x64xf32, #tpu.memory_space<vmem>>) target_semaphore(%arg9 : memref<!tpu.dma_semaphore, #tpu.memory_space<semaphore_mem>>)
        %dma_wait3A_216 = arith.constant 0 : i32
        %dma_wait3A_217 = tpu.memref_slice %arg5[%shift_left3A_198, %dma_wait3A_216] : memref<1000000x64xf32, #tpu.memory_space<hbm>> -> memref<8x64xf32, #tpu.memory_space<hbm>>
        %dma_wait3A_218 = arith.constant 0 : i32
        %dma_wait3A_219 = tpu.memref_slice %arg5[%shift_left3A_198, %dma_wait3A_218] : memref<1000000x64xf32, #tpu.memory_space<hbm>> -> memref<8x64xf32, #tpu.memory_space<hbm>>
        tpu.wait_dma2 semaphore(%arg9 : memref<!tpu.dma_semaphore, #tpu.memory_space<semaphore_mem>>) src(%dma_wait3A_219 : memref<8x64xf32, #tpu.memory_space<hbm>>) dst(%arg7 : memref<8x64xf32, #tpu.memory_space<vmem>>)
        %dma_wait3A_220 = arith.constant 0 : i32
        %dma_wait3A_221 = tpu.memref_slice %arg4[%shift_left3A_206, %dma_wait3A_220] : memref<16384x64xf32, #tpu.memory_space<hbm>> -> memref<8x64xf32, #tpu.memory_space<hbm>>
        %dma_wait3A_222 = arith.constant 0 : i32
        %dma_wait3A_223 = tpu.memref_slice %arg4[%shift_left3A_206, %dma_wait3A_222] : memref<16384x64xf32, #tpu.memory_space<hbm>> -> memref<8x64xf32, #tpu.memory_space<hbm>>
        tpu.wait_dma2 semaphore(%arg9 : memref<!tpu.dma_semaphore, #tpu.memory_space<semaphore_mem>>) src(%dma_wait3A_223 : memref<8x64xf32, #tpu.memory_space<hbm>>) dst(%arg8 : memref<8x64xf32, #tpu.memory_space<vmem>>)
        %get3A_224 = arith.index_cast %sub3A : i32 to index
        %get3A_225 = arith.constant 0 : index
        %get3A_226 = tpu.vector_load %arg7[%get3A_224, %get3A_225] {strides = array<i32>} : memref<8x64xf32, #tpu.memory_space<vmem>>, vector<1x16xf32>,
        %get3A_227 = vector.shape_cast %get3A_226 : vector<1x16xf32> to vector<16xf32>
        %get3A_228 = arith.index_cast %sub3A_207 : i32 to index
        %get3A_229 = arith.constant 0 : index
        %get3A_230 = tpu.vector_load %arg8[%get3A_228, %get3A_229] {strides = array<i32>} : memref<8x64xf32, #tpu.memory_space<vmem>>, vector<1x16xf32>,
        %get3A_231 = vector.shape_cast %get3A_230 : vector<1x16xf32> to vector<16xf32>
        %add3A_232 = arith.addf %get3A_227, %get3A_231 : vector<16xf32>
        %swap3A = arith.index_cast %sub3A : i32 to index
        %swap3A_233 = arith.constant 0 : index
        %swap3A_234 = tpu.vector_load %arg7[%swap3A, %swap3A_233] {strides = array<i32>} : memref<8x64xf32, #tpu.memory_space<vmem>>, vector<1x16xf32>,
        %swap3A_235 = vector.shape_cast %swap3A_234 : vector<1x16xf32> to vector<16xf32>
        %swap3A_236 = vector.shape_cast %add3A_232 : vector<16xf32> to vector<1x16xf32>
        tpu.vector_store %arg7[%swap3A, %swap3A_233], %swap3A_236 {strides = array<i32>} : memref<8x64xf32, #tpu.memory_space<vmem>>, vector<1x16xf32>,
        %get3A_237 = arith.index_cast %sub3A : i32 to index
        %get3A_238 = arith.constant 16 : index
        %get3A_239 = tpu.vector_load %arg7[%get3A_237, %get3A_238] {strides = array<i32>} : memref<8x64xf32, #tpu.memory_space<vmem>>, vector<1x16xf32>,
        %get3A_240 = vector.shape_cast %get3A_239 : vector<1x16xf32> to vector<16xf32>
        %get3A_241 = arith.index_cast %sub3A_207 : i32 to index
        %get3A_242 = arith.constant 16 : index
        %get3A_243 = tpu.vector_load %arg8[%get3A_241, %get3A_242] {strides = array<i32>} : memref<8x64xf32, #tpu.memory_space<vmem>>, vector<1x16xf32>,
        %get3A_244 = vector.shape_cast %get3A_243 : vector<1x16xf32> to vector<16xf32>
        %add3A_245 = arith.addf %get3A_240, %get3A_244 : vector<16xf32>
        %swap3A_246 = arith.index_cast %sub3A : i32 to index
        %swap3A_247 = arith.constant 16 : index
        %swap3A_248 = tpu.vector_load %arg7[%swap3A_246, %swap3A_247] {strides = array<i32>} : memref<8x64xf32, #tpu.memory_space<vmem>>, vector<1x16xf32>,
        %swap3A_249 = vector.shape_cast %swap3A_248 : vector<1x16xf32> to vector<16xf32>
        %swap3A_250 = vector.shape_cast %add3A_245 : vector<16xf32> to vector<1x16xf32>
        tpu.vector_store %arg7[%swap3A_246, %swap3A_247], %swap3A_250 {strides = array<i32>} : memref<8x64xf32, #tpu.memory_space<vmem>>, vector<1x16xf32>,
        %get3A_251 = arith.index_cast %sub3A : i32 to index
        %get3A_252 = arith.constant 32 : index
        %get3A_253 = tpu.vector_load %arg7[%get3A_251, %get3A_252] {strides = array<i32>} : memref<8x64xf32, #tpu.memory_space<vmem>>, vector<1x16xf32>,
        %get3A_254 = vector.shape_cast %get3A_253 : vector<1x16xf32> to vector<16xf32>
        %get3A_255 = arith.index_cast %sub3A_207 : i32 to index
        %get3A_256 = arith.constant 32 : index
        %get3A_257 = tpu.vector_load %arg8[%get3A_255, %get3A_256] {strides = array<i32>} : memref<8x64xf32, #tpu.memory_space<vmem>>, vector<1x16xf32>,
        %get3A_258 = vector.shape_cast %get3A_257 : vector<1x16xf32> to vector<16xf32>
        %add3A_259 = arith.addf %get3A_254, %get3A_258 : vector<16xf32>
        %swap3A_260 = arith.index_cast %sub3A : i32 to index
        %swap3A_261 = arith.constant 32 : index
        %swap3A_262 = tpu.vector_load %arg7[%swap3A_260, %swap3A_261] {strides = array<i32>} : memref<8x64xf32, #tpu.memory_space<vmem>>, vector<1x16xf32>,
        %swap3A_263 = vector.shape_cast %swap3A_262 : vector<1x16xf32> to vector<16xf32>
        %swap3A_264 = vector.shape_cast %add3A_259 : vector<16xf32> to vector<1x16xf32>
        tpu.vector_store %arg7[%swap3A_260, %swap3A_261], %swap3A_264 {strides = array<i32>} : memref<8x64xf32, #tpu.memory_space<vmem>>, vector<1x16xf32>,
        %get3A_265 = arith.index_cast %sub3A : i32 to index
        %get3A_266 = arith.constant 48 : index
        %get3A_267 = tpu.vector_load %arg7[%get3A_265, %get3A_266] {strides = array<i32>} : memref<8x64xf32, #tpu.memory_space<vmem>>, vector<1x16xf32>,
        %get3A_268 = vector.shape_cast %get3A_267 : vector<1x16xf32> to vector<16xf32>
        %get3A_269 = arith.index_cast %sub3A_207 : i32 to index
        %get3A_270 = arith.constant 48 : index
        %get3A_271 = tpu.vector_load %arg8[%get3A_269, %get3A_270] {strides = array<i32>} : memref<8x64xf32, #tpu.memory_space<vmem>>, vector<1x16xf32>,
        %get3A_272 = vector.shape_cast %get3A_271 : vector<1x16xf32> to vector<16xf32>
        %add3A_273 = arith.addf %get3A_268, %get3A_272 : vector<16xf32>
        %swap3A_274 = arith.index_cast %sub3A : i32 to index
        %swap3A_275 = arith.constant 48 : index
        %swap3A_276 = tpu.vector_load %arg7[%swap3A_274, %swap3A_275] {strides = array<i32>} : memref<8x64xf32, #tpu.memory_space<vmem>>, vector<1x16xf32>,
        %swap3A_277 = vector.shape_cast %swap3A_276 : vector<1x16xf32> to vector<16xf32>
        %swap3A_278 = vector.shape_cast %add3A_273 : vector<16xf32> to vector<1x16xf32>
        tpu.vector_store %arg7[%swap3A_274, %swap3A_275], %swap3A_278 {strides = array<i32>} : memref<8x64xf32, #tpu.memory_space<vmem>>, vector<1x16xf32>,
        %dma_start3A_279 = arith.constant 0 : i32
        %dma_start3A_280 = tpu.memref_slice %arg5[%shift_left3A_198, %dma_start3A_279] : memref<1000000x64xf32, #tpu.memory_space<hbm>> -> memref<8x64xf32, #tpu.memory_space<hbm>>
        %dma_start3A_281 = arith.constant 0 : i32
        %dma_start3A_282 = tpu.memref_slice %arg5[%shift_left3A_198, %dma_start3A_281] : memref<1000000x64xf32, #tpu.memory_space<hbm>> -> memref<8x64xf32, #tpu.memory_space<hbm>>
        tpu.enqueue_dma source(%arg7 : memref<8x64xf32, #tpu.memory_space<vmem>>) target(%dma_start3A_282 : memref<8x64xf32, #tpu.memory_space<hbm>>) target_semaphore(%arg9 : memref<!tpu.dma_semaphore, #tpu.memory_space<semaphore_mem>>)
        %dma_wait3A_283 = arith.constant 0 : i32
        %dma_wait3A_284 = tpu.memref_slice %arg5[%shift_left3A_198, %dma_wait3A_283] : memref<1000000x64xf32, #tpu.memory_space<hbm>> -> memref<8x64xf32, #tpu.memory_space<hbm>>
        %dma_wait3A_285 = arith.constant 0 : i32
        %dma_wait3A_286 = tpu.memref_slice %arg5[%shift_left3A_198, %dma_wait3A_285] : memref<1000000x64xf32, #tpu.memory_space<hbm>> -> memref<8x64xf32, #tpu.memory_space<hbm>>
        tpu.wait_dma2 semaphore(%arg9 : memref<!tpu.dma_semaphore, #tpu.memory_space<semaphore_mem>>) src(%arg7 : memref<8x64xf32, #tpu.memory_space<vmem>>) dst(%dma_wait3A_286 : memref<8x64xf32, #tpu.memory_space<hbm>>)
      } else {
      }
      %slice3A_173 = vector.extract_strided_slice %get3A_73 {offsets = [13], sizes = [1], strides = [1]} : vector<16xi32> to vector<1xi32>
      %squeeze3A_174 = vector.extract %slice3A_173[0] : i32 from vector<1xi32>
      %ge3A_175 = arith.cmpi sge, %squeeze3A_174, %mul3A_2 : i32
      %lt3A_176 = arith.cmpi slt, %squeeze3A_174, %add3A_8 : i32
      %and3A_177 = arith.andi %ge3A_175, %lt3A_176 : i1
      %convert_element_type3A_178 = arith.extui %and3A_177 : i1 to i32
      %cond3A_179 = arith.constant 0 : i32
      %cond3A_180 = arith.cmpi ne, %convert_element_type3A_178, %cond3A_179 : i32
      scf.if %cond3A_180 {
        %shift_right_arithmetic3A = arith.constant 3 : i32
        %shift_right_arithmetic3A_197 = arith.shrsi %squeeze3A_174, %shift_right_arithmetic3A : i32
        %shift_left3A = arith.constant 3 : i32
        %shift_left3A_198 = arith.shli %shift_right_arithmetic3A_197, %shift_left3A : i32
        %sub3A = arith.subi %squeeze3A_174, %shift_left3A_198 : i32
        %mul3A_199 = arith.constant 16 : i32
        %mul3A_200 = arith.muli %scan3A_69, %mul3A_199 : i32
        %add3A_201 = arith.constant 13 : i32
        %add3A_202 = arith.addi %mul3A_200, %add3A_201 : i32
        %shift_right_arithmetic3A_203 = arith.constant 3 : i32
        %shift_right_arithmetic3A_204 = arith.shrsi %add3A_202, %shift_right_arithmetic3A_203 : i32
        %shift_left3A_205 = arith.constant 3 : i32
        %shift_left3A_206 = arith.shli %shift_right_arithmetic3A_204, %shift_left3A_205 : i32
        %sub3A_207 = arith.subi %add3A_202, %shift_left3A_206 : i32
        %dma_start3A_208 = arith.constant 0 : i32
        %dma_start3A_209 = tpu.memref_slice %arg5[%shift_left3A_198, %dma_start3A_208] : memref<1000000x64xf32, #tpu.memory_space<hbm>> -> memref<8x64xf32, #tpu.memory_space<hbm>>
        %dma_start3A_210 = arith.constant 0 : i32
        %dma_start3A_211 = tpu.memref_slice %arg5[%shift_left3A_198, %dma_start3A_210] : memref<1000000x64xf32, #tpu.memory_space<hbm>> -> memref<8x64xf32, #tpu.memory_space<hbm>>
        tpu.enqueue_dma source(%dma_start3A_211 : memref<8x64xf32, #tpu.memory_space<hbm>>) target(%arg7 : memref<8x64xf32, #tpu.memory_space<vmem>>) target_semaphore(%arg9 : memref<!tpu.dma_semaphore, #tpu.memory_space<semaphore_mem>>)
        %dma_start3A_212 = arith.constant 0 : i32
        %dma_start3A_213 = tpu.memref_slice %arg4[%shift_left3A_206, %dma_start3A_212] : memref<16384x64xf32, #tpu.memory_space<hbm>> -> memref<8x64xf32, #tpu.memory_space<hbm>>
        %dma_start3A_214 = arith.constant 0 : i32
        %dma_start3A_215 = tpu.memref_slice %arg4[%shift_left3A_206, %dma_start3A_214] : memref<16384x64xf32, #tpu.memory_space<hbm>> -> memref<8x64xf32, #tpu.memory_space<hbm>>
        tpu.enqueue_dma source(%dma_start3A_215 : memref<8x64xf32, #tpu.memory_space<hbm>>) target(%arg8 : memref<8x64xf32, #tpu.memory_space<vmem>>) target_semaphore(%arg9 : memref<!tpu.dma_semaphore, #tpu.memory_space<semaphore_mem>>)
        %dma_wait3A_216 = arith.constant 0 : i32
        %dma_wait3A_217 = tpu.memref_slice %arg5[%shift_left3A_198, %dma_wait3A_216] : memref<1000000x64xf32, #tpu.memory_space<hbm>> -> memref<8x64xf32, #tpu.memory_space<hbm>>
        %dma_wait3A_218 = arith.constant 0 : i32
        %dma_wait3A_219 = tpu.memref_slice %arg5[%shift_left3A_198, %dma_wait3A_218] : memref<1000000x64xf32, #tpu.memory_space<hbm>> -> memref<8x64xf32, #tpu.memory_space<hbm>>
        tpu.wait_dma2 semaphore(%arg9 : memref<!tpu.dma_semaphore, #tpu.memory_space<semaphore_mem>>) src(%dma_wait3A_219 : memref<8x64xf32, #tpu.memory_space<hbm>>) dst(%arg7 : memref<8x64xf32, #tpu.memory_space<vmem>>)
        %dma_wait3A_220 = arith.constant 0 : i32
        %dma_wait3A_221 = tpu.memref_slice %arg4[%shift_left3A_206, %dma_wait3A_220] : memref<16384x64xf32, #tpu.memory_space<hbm>> -> memref<8x64xf32, #tpu.memory_space<hbm>>
        %dma_wait3A_222 = arith.constant 0 : i32
        %dma_wait3A_223 = tpu.memref_slice %arg4[%shift_left3A_206, %dma_wait3A_222] : memref<16384x64xf32, #tpu.memory_space<hbm>> -> memref<8x64xf32, #tpu.memory_space<hbm>>
        tpu.wait_dma2 semaphore(%arg9 : memref<!tpu.dma_semaphore, #tpu.memory_space<semaphore_mem>>) src(%dma_wait3A_223 : memref<8x64xf32, #tpu.memory_space<hbm>>) dst(%arg8 : memref<8x64xf32, #tpu.memory_space<vmem>>)
        %get3A_224 = arith.index_cast %sub3A : i32 to index
        %get3A_225 = arith.constant 0 : index
        %get3A_226 = tpu.vector_load %arg7[%get3A_224, %get3A_225] {strides = array<i32>} : memref<8x64xf32, #tpu.memory_space<vmem>>, vector<1x16xf32>,
        %get3A_227 = vector.shape_cast %get3A_226 : vector<1x16xf32> to vector<16xf32>
        %get3A_228 = arith.index_cast %sub3A_207 : i32 to index
        %get3A_229 = arith.constant 0 : index
        %get3A_230 = tpu.vector_load %arg8[%get3A_228, %get3A_229] {strides = array<i32>} : memref<8x64xf32, #tpu.memory_space<vmem>>, vector<1x16xf32>,
        %get3A_231 = vector.shape_cast %get3A_230 : vector<1x16xf32> to vector<16xf32>
        %add3A_232 = arith.addf %get3A_227, %get3A_231 : vector<16xf32>
        %swap3A = arith.index_cast %sub3A : i32 to index
        %swap3A_233 = arith.constant 0 : index
        %swap3A_234 = tpu.vector_load %arg7[%swap3A, %swap3A_233] {strides = array<i32>} : memref<8x64xf32, #tpu.memory_space<vmem>>, vector<1x16xf32>,
        %swap3A_235 = vector.shape_cast %swap3A_234 : vector<1x16xf32> to vector<16xf32>
        %swap3A_236 = vector.shape_cast %add3A_232 : vector<16xf32> to vector<1x16xf32>
        tpu.vector_store %arg7[%swap3A, %swap3A_233], %swap3A_236 {strides = array<i32>} : memref<8x64xf32, #tpu.memory_space<vmem>>, vector<1x16xf32>,
        %get3A_237 = arith.index_cast %sub3A : i32 to index
        %get3A_238 = arith.constant 16 : index
        %get3A_239 = tpu.vector_load %arg7[%get3A_237, %get3A_238] {strides = array<i32>} : memref<8x64xf32, #tpu.memory_space<vmem>>, vector<1x16xf32>,
        %get3A_240 = vector.shape_cast %get3A_239 : vector<1x16xf32> to vector<16xf32>
        %get3A_241 = arith.index_cast %sub3A_207 : i32 to index
        %get3A_242 = arith.constant 16 : index
        %get3A_243 = tpu.vector_load %arg8[%get3A_241, %get3A_242] {strides = array<i32>} : memref<8x64xf32, #tpu.memory_space<vmem>>, vector<1x16xf32>,
        %get3A_244 = vector.shape_cast %get3A_243 : vector<1x16xf32> to vector<16xf32>
        %add3A_245 = arith.addf %get3A_240, %get3A_244 : vector<16xf32>
        %swap3A_246 = arith.index_cast %sub3A : i32 to index
        %swap3A_247 = arith.constant 16 : index
        %swap3A_248 = tpu.vector_load %arg7[%swap3A_246, %swap3A_247] {strides = array<i32>} : memref<8x64xf32, #tpu.memory_space<vmem>>, vector<1x16xf32>,
        %swap3A_249 = vector.shape_cast %swap3A_248 : vector<1x16xf32> to vector<16xf32>
        %swap3A_250 = vector.shape_cast %add3A_245 : vector<16xf32> to vector<1x16xf32>
        tpu.vector_store %arg7[%swap3A_246, %swap3A_247], %swap3A_250 {strides = array<i32>} : memref<8x64xf32, #tpu.memory_space<vmem>>, vector<1x16xf32>,
        %get3A_251 = arith.index_cast %sub3A : i32 to index
        %get3A_252 = arith.constant 32 : index
        %get3A_253 = tpu.vector_load %arg7[%get3A_251, %get3A_252] {strides = array<i32>} : memref<8x64xf32, #tpu.memory_space<vmem>>, vector<1x16xf32>,
        %get3A_254 = vector.shape_cast %get3A_253 : vector<1x16xf32> to vector<16xf32>
        %get3A_255 = arith.index_cast %sub3A_207 : i32 to index
        %get3A_256 = arith.constant 32 : index
        %get3A_257 = tpu.vector_load %arg8[%get3A_255, %get3A_256] {strides = array<i32>} : memref<8x64xf32, #tpu.memory_space<vmem>>, vector<1x16xf32>,
        %get3A_258 = vector.shape_cast %get3A_257 : vector<1x16xf32> to vector<16xf32>
        %add3A_259 = arith.addf %get3A_254, %get3A_258 : vector<16xf32>
        %swap3A_260 = arith.index_cast %sub3A : i32 to index
        %swap3A_261 = arith.constant 32 : index
        %swap3A_262 = tpu.vector_load %arg7[%swap3A_260, %swap3A_261] {strides = array<i32>} : memref<8x64xf32, #tpu.memory_space<vmem>>, vector<1x16xf32>,
        %swap3A_263 = vector.shape_cast %swap3A_262 : vector<1x16xf32> to vector<16xf32>
        %swap3A_264 = vector.shape_cast %add3A_259 : vector<16xf32> to vector<1x16xf32>
        tpu.vector_store %arg7[%swap3A_260, %swap3A_261], %swap3A_264 {strides = array<i32>} : memref<8x64xf32, #tpu.memory_space<vmem>>, vector<1x16xf32>,
        %get3A_265 = arith.index_cast %sub3A : i32 to index
        %get3A_266 = arith.constant 48 : index
        %get3A_267 = tpu.vector_load %arg7[%get3A_265, %get3A_266] {strides = array<i32>} : memref<8x64xf32, #tpu.memory_space<vmem>>, vector<1x16xf32>,
        %get3A_268 = vector.shape_cast %get3A_267 : vector<1x16xf32> to vector<16xf32>
        %get3A_269 = arith.index_cast %sub3A_207 : i32 to index
        %get3A_270 = arith.constant 48 : index
        %get3A_271 = tpu.vector_load %arg8[%get3A_269, %get3A_270] {strides = array<i32>} : memref<8x64xf32, #tpu.memory_space<vmem>>, vector<1x16xf32>,
        %get3A_272 = vector.shape_cast %get3A_271 : vector<1x16xf32> to vector<16xf32>
        %add3A_273 = arith.addf %get3A_268, %get3A_272 : vector<16xf32>
        %swap3A_274 = arith.index_cast %sub3A : i32 to index
        %swap3A_275 = arith.constant 48 : index
        %swap3A_276 = tpu.vector_load %arg7[%swap3A_274, %swap3A_275] {strides = array<i32>} : memref<8x64xf32, #tpu.memory_space<vmem>>, vector<1x16xf32>,
        %swap3A_277 = vector.shape_cast %swap3A_276 : vector<1x16xf32> to vector<16xf32>
        %swap3A_278 = vector.shape_cast %add3A_273 : vector<16xf32> to vector<1x16xf32>
        tpu.vector_store %arg7[%swap3A_274, %swap3A_275], %swap3A_278 {strides = array<i32>} : memref<8x64xf32, #tpu.memory_space<vmem>>, vector<1x16xf32>,
        %dma_start3A_279 = arith.constant 0 : i32
        %dma_start3A_280 = tpu.memref_slice %arg5[%shift_left3A_198, %dma_start3A_279] : memref<1000000x64xf32, #tpu.memory_space<hbm>> -> memref<8x64xf32, #tpu.memory_space<hbm>>
        %dma_start3A_281 = arith.constant 0 : i32
        %dma_start3A_282 = tpu.memref_slice %arg5[%shift_left3A_198, %dma_start3A_281] : memref<1000000x64xf32, #tpu.memory_space<hbm>> -> memref<8x64xf32, #tpu.memory_space<hbm>>
        tpu.enqueue_dma source(%arg7 : memref<8x64xf32, #tpu.memory_space<vmem>>) target(%dma_start3A_282 : memref<8x64xf32, #tpu.memory_space<hbm>>) target_semaphore(%arg9 : memref<!tpu.dma_semaphore, #tpu.memory_space<semaphore_mem>>)
        %dma_wait3A_283 = arith.constant 0 : i32
        %dma_wait3A_284 = tpu.memref_slice %arg5[%shift_left3A_198, %dma_wait3A_283] : memref<1000000x64xf32, #tpu.memory_space<hbm>> -> memref<8x64xf32, #tpu.memory_space<hbm>>
        %dma_wait3A_285 = arith.constant 0 : i32
        %dma_wait3A_286 = tpu.memref_slice %arg5[%shift_left3A_198, %dma_wait3A_285] : memref<1000000x64xf32, #tpu.memory_space<hbm>> -> memref<8x64xf32, #tpu.memory_space<hbm>>
        tpu.wait_dma2 semaphore(%arg9 : memref<!tpu.dma_semaphore, #tpu.memory_space<semaphore_mem>>) src(%arg7 : memref<8x64xf32, #tpu.memory_space<vmem>>) dst(%dma_wait3A_286 : memref<8x64xf32, #tpu.memory_space<hbm>>)
      } else {
      }
      %slice3A_181 = vector.extract_strided_slice %get3A_73 {offsets = [14], sizes = [1], strides = [1]} : vector<16xi32> to vector<1xi32>
      %squeeze3A_182 = vector.extract %slice3A_181[0] : i32 from vector<1xi32>
      %ge3A_183 = arith.cmpi sge, %squeeze3A_182, %mul3A_2 : i32
      %lt3A_184 = arith.cmpi slt, %squeeze3A_182, %add3A_8 : i32
      %and3A_185 = arith.andi %ge3A_183, %lt3A_184 : i1
      %convert_element_type3A_186 = arith.extui %and3A_185 : i1 to i32
      %cond3A_187 = arith.constant 0 : i32
      %cond3A_188 = arith.cmpi ne, %convert_element_type3A_186, %cond3A_187 : i32
      scf.if %cond3A_188 {
        %shift_right_arithmetic3A = arith.constant 3 : i32
        %shift_right_arithmetic3A_197 = arith.shrsi %squeeze3A_182, %shift_right_arithmetic3A : i32
        %shift_left3A = arith.constant 3 : i32
        %shift_left3A_198 = arith.shli %shift_right_arithmetic3A_197, %shift_left3A : i32
        %sub3A = arith.subi %squeeze3A_182, %shift_left3A_198 : i32
        %mul3A_199 = arith.constant 16 : i32
        %mul3A_200 = arith.muli %scan3A_69, %mul3A_199 : i32
        %add3A_201 = arith.constant 14 : i32
        %add3A_202 = arith.addi %mul3A_200, %add3A_201 : i32
        %shift_right_arithmetic3A_203 = arith.constant 3 : i32
        %shift_right_arithmetic3A_204 = arith.shrsi %add3A_202, %shift_right_arithmetic3A_203 : i32
        %shift_left3A_205 = arith.constant 3 : i32
        %shift_left3A_206 = arith.shli %shift_right_arithmetic3A_204, %shift_left3A_205 : i32
        %sub3A_207 = arith.subi %add3A_202, %shift_left3A_206 : i32
        %dma_start3A_208 = arith.constant 0 : i32
        %dma_start3A_209 = tpu.memref_slice %arg5[%shift_left3A_198, %dma_start3A_208] : memref<1000000x64xf32, #tpu.memory_space<hbm>> -> memref<8x64xf32, #tpu.memory_space<hbm>>
        %dma_start3A_210 = arith.constant 0 : i32
        %dma_start3A_211 = tpu.memref_slice %arg5[%shift_left3A_198, %dma_start3A_210] : memref<1000000x64xf32, #tpu.memory_space<hbm>> -> memref<8x64xf32, #tpu.memory_space<hbm>>
        tpu.enqueue_dma source(%dma_start3A_211 : memref<8x64xf32, #tpu.memory_space<hbm>>) target(%arg7 : memref<8x64xf32, #tpu.memory_space<vmem>>) target_semaphore(%arg9 : memref<!tpu.dma_semaphore, #tpu.memory_space<semaphore_mem>>)
        %dma_start3A_212 = arith.constant 0 : i32
        %dma_start3A_213 = tpu.memref_slice %arg4[%shift_left3A_206, %dma_start3A_212] : memref<16384x64xf32, #tpu.memory_space<hbm>> -> memref<8x64xf32, #tpu.memory_space<hbm>>
        %dma_start3A_214 = arith.constant 0 : i32
        %dma_start3A_215 = tpu.memref_slice %arg4[%shift_left3A_206, %dma_start3A_214] : memref<16384x64xf32, #tpu.memory_space<hbm>> -> memref<8x64xf32, #tpu.memory_space<hbm>>
        tpu.enqueue_dma source(%dma_start3A_215 : memref<8x64xf32, #tpu.memory_space<hbm>>) target(%arg8 : memref<8x64xf32, #tpu.memory_space<vmem>>) target_semaphore(%arg9 : memref<!tpu.dma_semaphore, #tpu.memory_space<semaphore_mem>>)
        %dma_wait3A_216 = arith.constant 0 : i32
        %dma_wait3A_217 = tpu.memref_slice %arg5[%shift_left3A_198, %dma_wait3A_216] : memref<1000000x64xf32, #tpu.memory_space<hbm>> -> memref<8x64xf32, #tpu.memory_space<hbm>>
        %dma_wait3A_218 = arith.constant 0 : i32
        %dma_wait3A_219 = tpu.memref_slice %arg5[%shift_left3A_198, %dma_wait3A_218] : memref<1000000x64xf32, #tpu.memory_space<hbm>> -> memref<8x64xf32, #tpu.memory_space<hbm>>
        tpu.wait_dma2 semaphore(%arg9 : memref<!tpu.dma_semaphore, #tpu.memory_space<semaphore_mem>>) src(%dma_wait3A_219 : memref<8x64xf32, #tpu.memory_space<hbm>>) dst(%arg7 : memref<8x64xf32, #tpu.memory_space<vmem>>)
        %dma_wait3A_220 = arith.constant 0 : i32
        %dma_wait3A_221 = tpu.memref_slice %arg4[%shift_left3A_206, %dma_wait3A_220] : memref<16384x64xf32, #tpu.memory_space<hbm>> -> memref<8x64xf32, #tpu.memory_space<hbm>>
        %dma_wait3A_222 = arith.constant 0 : i32
        %dma_wait3A_223 = tpu.memref_slice %arg4[%shift_left3A_206, %dma_wait3A_222] : memref<16384x64xf32, #tpu.memory_space<hbm>> -> memref<8x64xf32, #tpu.memory_space<hbm>>
        tpu.wait_dma2 semaphore(%arg9 : memref<!tpu.dma_semaphore, #tpu.memory_space<semaphore_mem>>) src(%dma_wait3A_223 : memref<8x64xf32, #tpu.memory_space<hbm>>) dst(%arg8 : memref<8x64xf32, #tpu.memory_space<vmem>>)
        %get3A_224 = arith.index_cast %sub3A : i32 to index
        %get3A_225 = arith.constant 0 : index
        %get3A_226 = tpu.vector_load %arg7[%get3A_224, %get3A_225] {strides = array<i32>} : memref<8x64xf32, #tpu.memory_space<vmem>>, vector<1x16xf32>,
        %get3A_227 = vector.shape_cast %get3A_226 : vector<1x16xf32> to vector<16xf32>
        %get3A_228 = arith.index_cast %sub3A_207 : i32 to index
        %get3A_229 = arith.constant 0 : index
        %get3A_230 = tpu.vector_load %arg8[%get3A_228, %get3A_229] {strides = array<i32>} : memref<8x64xf32, #tpu.memory_space<vmem>>, vector<1x16xf32>,
        %get3A_231 = vector.shape_cast %get3A_230 : vector<1x16xf32> to vector<16xf32>
        %add3A_232 = arith.addf %get3A_227, %get3A_231 : vector<16xf32>
        %swap3A = arith.index_cast %sub3A : i32 to index
        %swap3A_233 = arith.constant 0 : index
        %swap3A_234 = tpu.vector_load %arg7[%swap3A, %swap3A_233] {strides = array<i32>} : memref<8x64xf32, #tpu.memory_space<vmem>>, vector<1x16xf32>,
        %swap3A_235 = vector.shape_cast %swap3A_234 : vector<1x16xf32> to vector<16xf32>
        %swap3A_236 = vector.shape_cast %add3A_232 : vector<16xf32> to vector<1x16xf32>
        tpu.vector_store %arg7[%swap3A, %swap3A_233], %swap3A_236 {strides = array<i32>} : memref<8x64xf32, #tpu.memory_space<vmem>>, vector<1x16xf32>,
        %get3A_237 = arith.index_cast %sub3A : i32 to index
        %get3A_238 = arith.constant 16 : index
        %get3A_239 = tpu.vector_load %arg7[%get3A_237, %get3A_238] {strides = array<i32>} : memref<8x64xf32, #tpu.memory_space<vmem>>, vector<1x16xf32>,
        %get3A_240 = vector.shape_cast %get3A_239 : vector<1x16xf32> to vector<16xf32>
        %get3A_241 = arith.index_cast %sub3A_207 : i32 to index
        %get3A_242 = arith.constant 16 : index
        %get3A_243 = tpu.vector_load %arg8[%get3A_241, %get3A_242] {strides = array<i32>} : memref<8x64xf32, #tpu.memory_space<vmem>>, vector<1x16xf32>,
        %get3A_244 = vector.shape_cast %get3A_243 : vector<1x16xf32> to vector<16xf32>
        %add3A_245 = arith.addf %get3A_240, %get3A_244 : vector<16xf32>
        %swap3A_246 = arith.index_cast %sub3A : i32 to index
        %swap3A_247 = arith.constant 16 : index
        %swap3A_248 = tpu.vector_load %arg7[%swap3A_246, %swap3A_247] {strides = array<i32>} : memref<8x64xf32, #tpu.memory_space<vmem>>, vector<1x16xf32>,
        %swap3A_249 = vector.shape_cast %swap3A_248 : vector<1x16xf32> to vector<16xf32>
        %swap3A_250 = vector.shape_cast %add3A_245 : vector<16xf32> to vector<1x16xf32>
        tpu.vector_store %arg7[%swap3A_246, %swap3A_247], %swap3A_250 {strides = array<i32>} : memref<8x64xf32, #tpu.memory_space<vmem>>, vector<1x16xf32>,
        %get3A_251 = arith.index_cast %sub3A : i32 to index
        %get3A_252 = arith.constant 32 : index
        %get3A_253 = tpu.vector_load %arg7[%get3A_251, %get3A_252] {strides = array<i32>} : memref<8x64xf32, #tpu.memory_space<vmem>>, vector<1x16xf32>,
        %get3A_254 = vector.shape_cast %get3A_253 : vector<1x16xf32> to vector<16xf32>
        %get3A_255 = arith.index_cast %sub3A_207 : i32 to index
        %get3A_256 = arith.constant 32 : index
        %get3A_257 = tpu.vector_load %arg8[%get3A_255, %get3A_256] {strides = array<i32>} : memref<8x64xf32, #tpu.memory_space<vmem>>, vector<1x16xf32>,
        %get3A_258 = vector.shape_cast %get3A_257 : vector<1x16xf32> to vector<16xf32>
        %add3A_259 = arith.addf %get3A_254, %get3A_258 : vector<16xf32>
        %swap3A_260 = arith.index_cast %sub3A : i32 to index
        %swap3A_261 = arith.constant 32 : index
        %swap3A_262 = tpu.vector_load %arg7[%swap3A_260, %swap3A_261] {strides = array<i32>} : memref<8x64xf32, #tpu.memory_space<vmem>>, vector<1x16xf32>,
        %swap3A_263 = vector.shape_cast %swap3A_262 : vector<1x16xf32> to vector<16xf32>
        %swap3A_264 = vector.shape_cast %add3A_259 : vector<16xf32> to vector<1x16xf32>
        tpu.vector_store %arg7[%swap3A_260, %swap3A_261], %swap3A_264 {strides = array<i32>} : memref<8x64xf32, #tpu.memory_space<vmem>>, vector<1x16xf32>,
        %get3A_265 = arith.index_cast %sub3A : i32 to index
        %get3A_266 = arith.constant 48 : index
        %get3A_267 = tpu.vector_load %arg7[%get3A_265, %get3A_266] {strides = array<i32>} : memref<8x64xf32, #tpu.memory_space<vmem>>, vector<1x16xf32>,
        %get3A_268 = vector.shape_cast %get3A_267 : vector<1x16xf32> to vector<16xf32>
        %get3A_269 = arith.index_cast %sub3A_207 : i32 to index
        %get3A_270 = arith.constant 48 : index
        %get3A_271 = tpu.vector_load %arg8[%get3A_269, %get3A_270] {strides = array<i32>} : memref<8x64xf32, #tpu.memory_space<vmem>>, vector<1x16xf32>,
        %get3A_272 = vector.shape_cast %get3A_271 : vector<1x16xf32> to vector<16xf32>
        %add3A_273 = arith.addf %get3A_268, %get3A_272 : vector<16xf32>
        %swap3A_274 = arith.index_cast %sub3A : i32 to index
        %swap3A_275 = arith.constant 48 : index
        %swap3A_276 = tpu.vector_load %arg7[%swap3A_274, %swap3A_275] {strides = array<i32>} : memref<8x64xf32, #tpu.memory_space<vmem>>, vector<1x16xf32>,
        %swap3A_277 = vector.shape_cast %swap3A_276 : vector<1x16xf32> to vector<16xf32>
        %swap3A_278 = vector.shape_cast %add3A_273 : vector<16xf32> to vector<1x16xf32>
        tpu.vector_store %arg7[%swap3A_274, %swap3A_275], %swap3A_278 {strides = array<i32>} : memref<8x64xf32, #tpu.memory_space<vmem>>, vector<1x16xf32>,
        %dma_start3A_279 = arith.constant 0 : i32
        %dma_start3A_280 = tpu.memref_slice %arg5[%shift_left3A_198, %dma_start3A_279] : memref<1000000x64xf32, #tpu.memory_space<hbm>> -> memref<8x64xf32, #tpu.memory_space<hbm>>
        %dma_start3A_281 = arith.constant 0 : i32
        %dma_start3A_282 = tpu.memref_slice %arg5[%shift_left3A_198, %dma_start3A_281] : memref<1000000x64xf32, #tpu.memory_space<hbm>> -> memref<8x64xf32, #tpu.memory_space<hbm>>
        tpu.enqueue_dma source(%arg7 : memref<8x64xf32, #tpu.memory_space<vmem>>) target(%dma_start3A_282 : memref<8x64xf32, #tpu.memory_space<hbm>>) target_semaphore(%arg9 : memref<!tpu.dma_semaphore, #tpu.memory_space<semaphore_mem>>)
        %dma_wait3A_283 = arith.constant 0 : i32
        %dma_wait3A_284 = tpu.memref_slice %arg5[%shift_left3A_198, %dma_wait3A_283] : memref<1000000x64xf32, #tpu.memory_space<hbm>> -> memref<8x64xf32, #tpu.memory_space<hbm>>
        %dma_wait3A_285 = arith.constant 0 : i32
        %dma_wait3A_286 = tpu.memref_slice %arg5[%shift_left3A_198, %dma_wait3A_285] : memref<1000000x64xf32, #tpu.memory_space<hbm>> -> memref<8x64xf32, #tpu.memory_space<hbm>>
        tpu.wait_dma2 semaphore(%arg9 : memref<!tpu.dma_semaphore, #tpu.memory_space<semaphore_mem>>) src(%arg7 : memref<8x64xf32, #tpu.memory_space<vmem>>) dst(%dma_wait3A_286 : memref<8x64xf32, #tpu.memory_space<hbm>>)
      } else {
      }
      %slice3A_189 = vector.extract_strided_slice %get3A_73 {offsets = [15], sizes = [1], strides = [1]} : vector<16xi32> to vector<1xi32>
      %squeeze3A_190 = vector.extract %slice3A_189[0] : i32 from vector<1xi32>
      %ge3A_191 = arith.cmpi sge, %squeeze3A_190, %mul3A_2 : i32
      %lt3A_192 = arith.cmpi slt, %squeeze3A_190, %add3A_8 : i32
      %and3A_193 = arith.andi %ge3A_191, %lt3A_192 : i1
      %convert_element_type3A_194 = arith.extui %and3A_193 : i1 to i32
      %cond3A_195 = arith.constant 0 : i32
      %cond3A_196 = arith.cmpi ne, %convert_element_type3A_194, %cond3A_195 : i32
      scf.if %cond3A_196 {
        %shift_right_arithmetic3A = arith.constant 3 : i32
        %shift_right_arithmetic3A_197 = arith.shrsi %squeeze3A_190, %shift_right_arithmetic3A : i32
        %shift_left3A = arith.constant 3 : i32
        %shift_left3A_198 = arith.shli %shift_right_arithmetic3A_197, %shift_left3A : i32
        %sub3A = arith.subi %squeeze3A_190, %shift_left3A_198 : i32
        %mul3A_199 = arith.constant 16 : i32
        %mul3A_200 = arith.muli %scan3A_69, %mul3A_199 : i32
        %add3A_201 = arith.constant 15 : i32
        %add3A_202 = arith.addi %mul3A_200, %add3A_201 : i32
        %shift_right_arithmetic3A_203 = arith.constant 3 : i32
        %shift_right_arithmetic3A_204 = arith.shrsi %add3A_202, %shift_right_arithmetic3A_203 : i32
        %shift_left3A_205 = arith.constant 3 : i32
        %shift_left3A_206 = arith.shli %shift_right_arithmetic3A_204, %shift_left3A_205 : i32
        %sub3A_207 = arith.subi %add3A_202, %shift_left3A_206 : i32
        %dma_start3A_208 = arith.constant 0 : i32
        %dma_start3A_209 = tpu.memref_slice %arg5[%shift_left3A_198, %dma_start3A_208] : memref<1000000x64xf32, #tpu.memory_space<hbm>> -> memref<8x64xf32, #tpu.memory_space<hbm>>
        %dma_start3A_210 = arith.constant 0 : i32
        %dma_start3A_211 = tpu.memref_slice %arg5[%shift_left3A_198, %dma_start3A_210] : memref<1000000x64xf32, #tpu.memory_space<hbm>> -> memref<8x64xf32, #tpu.memory_space<hbm>>
        tpu.enqueue_dma source(%dma_start3A_211 : memref<8x64xf32, #tpu.memory_space<hbm>>) target(%arg7 : memref<8x64xf32, #tpu.memory_space<vmem>>) target_semaphore(%arg9 : memref<!tpu.dma_semaphore, #tpu.memory_space<semaphore_mem>>)
        %dma_start3A_212 = arith.constant 0 : i32
        %dma_start3A_213 = tpu.memref_slice %arg4[%shift_left3A_206, %dma_start3A_212] : memref<16384x64xf32, #tpu.memory_space<hbm>> -> memref<8x64xf32, #tpu.memory_space<hbm>>
        %dma_start3A_214 = arith.constant 0 : i32
        %dma_start3A_215 = tpu.memref_slice %arg4[%shift_left3A_206, %dma_start3A_214] : memref<16384x64xf32, #tpu.memory_space<hbm>> -> memref<8x64xf32, #tpu.memory_space<hbm>>
        tpu.enqueue_dma source(%dma_start3A_215 : memref<8x64xf32, #tpu.memory_space<hbm>>) target(%arg8 : memref<8x64xf32, #tpu.memory_space<vmem>>) target_semaphore(%arg9 : memref<!tpu.dma_semaphore, #tpu.memory_space<semaphore_mem>>)
        %dma_wait3A_216 = arith.constant 0 : i32
        %dma_wait3A_217 = tpu.memref_slice %arg5[%shift_left3A_198, %dma_wait3A_216] : memref<1000000x64xf32, #tpu.memory_space<hbm>> -> memref<8x64xf32, #tpu.memory_space<hbm>>
        %dma_wait3A_218 = arith.constant 0 : i32
        %dma_wait3A_219 = tpu.memref_slice %arg5[%shift_left3A_198, %dma_wait3A_218] : memref<1000000x64xf32, #tpu.memory_space<hbm>> -> memref<8x64xf32, #tpu.memory_space<hbm>>
        tpu.wait_dma2 semaphore(%arg9 : memref<!tpu.dma_semaphore, #tpu.memory_space<semaphore_mem>>) src(%dma_wait3A_219 : memref<8x64xf32, #tpu.memory_space<hbm>>) dst(%arg7 : memref<8x64xf32, #tpu.memory_space<vmem>>)
        %dma_wait3A_220 = arith.constant 0 : i32
        %dma_wait3A_221 = tpu.memref_slice %arg4[%shift_left3A_206, %dma_wait3A_220] : memref<16384x64xf32, #tpu.memory_space<hbm>> -> memref<8x64xf32, #tpu.memory_space<hbm>>
        %dma_wait3A_222 = arith.constant 0 : i32
        %dma_wait3A_223 = tpu.memref_slice %arg4[%shift_left3A_206, %dma_wait3A_222] : memref<16384x64xf32, #tpu.memory_space<hbm>> -> memref<8x64xf32, #tpu.memory_space<hbm>>
        tpu.wait_dma2 semaphore(%arg9 : memref<!tpu.dma_semaphore, #tpu.memory_space<semaphore_mem>>) src(%dma_wait3A_223 : memref<8x64xf32, #tpu.memory_space<hbm>>) dst(%arg8 : memref<8x64xf32, #tpu.memory_space<vmem>>)
        %get3A_224 = arith.index_cast %sub3A : i32 to index
        %get3A_225 = arith.constant 0 : index
        %get3A_226 = tpu.vector_load %arg7[%get3A_224, %get3A_225] {strides = array<i32>} : memref<8x64xf32, #tpu.memory_space<vmem>>, vector<1x16xf32>,
        %get3A_227 = vector.shape_cast %get3A_226 : vector<1x16xf32> to vector<16xf32>
        %get3A_228 = arith.index_cast %sub3A_207 : i32 to index
        %get3A_229 = arith.constant 0 : index
        %get3A_230 = tpu.vector_load %arg8[%get3A_228, %get3A_229] {strides = array<i32>} : memref<8x64xf32, #tpu.memory_space<vmem>>, vector<1x16xf32>,
        %get3A_231 = vector.shape_cast %get3A_230 : vector<1x16xf32> to vector<16xf32>
        %add3A_232 = arith.addf %get3A_227, %get3A_231 : vector<16xf32>
        %swap3A = arith.index_cast %sub3A : i32 to index
        %swap3A_233 = arith.constant 0 : index
        %swap3A_234 = tpu.vector_load %arg7[%swap3A, %swap3A_233] {strides = array<i32>} : memref<8x64xf32, #tpu.memory_space<vmem>>, vector<1x16xf32>,
        %swap3A_235 = vector.shape_cast %swap3A_234 : vector<1x16xf32> to vector<16xf32>
        %swap3A_236 = vector.shape_cast %add3A_232 : vector<16xf32> to vector<1x16xf32>
        tpu.vector_store %arg7[%swap3A, %swap3A_233], %swap3A_236 {strides = array<i32>} : memref<8x64xf32, #tpu.memory_space<vmem>>, vector<1x16xf32>,
        %get3A_237 = arith.index_cast %sub3A : i32 to index
        %get3A_238 = arith.constant 16 : index
        %get3A_239 = tpu.vector_load %arg7[%get3A_237, %get3A_238] {strides = array<i32>} : memref<8x64xf32, #tpu.memory_space<vmem>>, vector<1x16xf32>,
        %get3A_240 = vector.shape_cast %get3A_239 : vector<1x16xf32> to vector<16xf32>
        %get3A_241 = arith.index_cast %sub3A_207 : i32 to index
        %get3A_242 = arith.constant 16 : index
        %get3A_243 = tpu.vector_load %arg8[%get3A_241, %get3A_242] {strides = array<i32>} : memref<8x64xf32, #tpu.memory_space<vmem>>, vector<1x16xf32>,
        %get3A_244 = vector.shape_cast %get3A_243 : vector<1x16xf32> to vector<16xf32>
        %add3A_245 = arith.addf %get3A_240, %get3A_244 : vector<16xf32>
        %swap3A_246 = arith.index_cast %sub3A : i32 to index
        %swap3A_247 = arith.constant 16 : index
        %swap3A_248 = tpu.vector_load %arg7[%swap3A_246, %swap3A_247] {strides = array<i32>} : memref<8x64xf32, #tpu.memory_space<vmem>>, vector<1x16xf32>,
        %swap3A_249 = vector.shape_cast %swap3A_248 : vector<1x16xf32> to vector<16xf32>
        %swap3A_250 = vector.shape_cast %add3A_245 : vector<16xf32> to vector<1x16xf32>
        tpu.vector_store %arg7[%swap3A_246, %swap3A_247], %swap3A_250 {strides = array<i32>} : memref<8x64xf32, #tpu.memory_space<vmem>>, vector<1x16xf32>,
        %get3A_251 = arith.index_cast %sub3A : i32 to index
        %get3A_252 = arith.constant 32 : index
        %get3A_253 = tpu.vector_load %arg7[%get3A_251, %get3A_252] {strides = array<i32>} : memref<8x64xf32, #tpu.memory_space<vmem>>, vector<1x16xf32>,
        %get3A_254 = vector.shape_cast %get3A_253 : vector<1x16xf32> to vector<16xf32>
        %get3A_255 = arith.index_cast %sub3A_207 : i32 to index
        %get3A_256 = arith.constant 32 : index
        %get3A_257 = tpu.vector_load %arg8[%get3A_255, %get3A_256] {strides = array<i32>} : memref<8x64xf32, #tpu.memory_space<vmem>>, vector<1x16xf32>,
        %get3A_258 = vector.shape_cast %get3A_257 : vector<1x16xf32> to vector<16xf32>
        %add3A_259 = arith.addf %get3A_254, %get3A_258 : vector<16xf32>
        %swap3A_260 = arith.index_cast %sub3A : i32 to index
        %swap3A_261 = arith.constant 32 : index
        %swap3A_262 = tpu.vector_load %arg7[%swap3A_260, %swap3A_261] {strides = array<i32>} : memref<8x64xf32, #tpu.memory_space<vmem>>, vector<1x16xf32>,
        %swap3A_263 = vector.shape_cast %swap3A_262 : vector<1x16xf32> to vector<16xf32>
        %swap3A_264 = vector.shape_cast %add3A_259 : vector<16xf32> to vector<1x16xf32>
        tpu.vector_store %arg7[%swap3A_260, %swap3A_261], %swap3A_264 {strides = array<i32>} : memref<8x64xf32, #tpu.memory_space<vmem>>, vector<1x16xf32>,
        %get3A_265 = arith.index_cast %sub3A : i32 to index
        %get3A_266 = arith.constant 48 : index
        %get3A_267 = tpu.vector_load %arg7[%get3A_265, %get3A_266] {strides = array<i32>} : memref<8x64xf32, #tpu.memory_space<vmem>>, vector<1x16xf32>,
        %get3A_268 = vector.shape_cast %get3A_267 : vector<1x16xf32> to vector<16xf32>
        %get3A_269 = arith.index_cast %sub3A_207 : i32 to index
        %get3A_270 = arith.constant 48 : index
        %get3A_271 = tpu.vector_load %arg8[%get3A_269, %get3A_270] {strides = array<i32>} : memref<8x64xf32, #tpu.memory_space<vmem>>, vector<1x16xf32>,
        %get3A_272 = vector.shape_cast %get3A_271 : vector<1x16xf32> to vector<16xf32>
        %add3A_273 = arith.addf %get3A_268, %get3A_272 : vector<16xf32>
        %swap3A_274 = arith.index_cast %sub3A : i32 to index
        %swap3A_275 = arith.constant 48 : index
        %swap3A_276 = tpu.vector_load %arg7[%swap3A_274, %swap3A_275] {strides = array<i32>} : memref<8x64xf32, #tpu.memory_space<vmem>>, vector<1x16xf32>,
        %swap3A_277 = vector.shape_cast %swap3A_276 : vector<1x16xf32> to vector<16xf32>
        %swap3A_278 = vector.shape_cast %add3A_273 : vector<16xf32> to vector<1x16xf32>
        tpu.vector_store %arg7[%swap3A_274, %swap3A_275], %swap3A_278 {strides = array<i32>} : memref<8x64xf32, #tpu.memory_space<vmem>>, vector<1x16xf32>,
        %dma_start3A_279 = arith.constant 0 : i32
        %dma_start3A_280 = tpu.memref_slice %arg5[%shift_left3A_198, %dma_start3A_279] : memref<1000000x64xf32, #tpu.memory_space<hbm>> -> memref<8x64xf32, #tpu.memory_space<hbm>>
        %dma_start3A_281 = arith.constant 0 : i32
        %dma_start3A_282 = tpu.memref_slice %arg5[%shift_left3A_198, %dma_start3A_281] : memref<1000000x64xf32, #tpu.memory_space<hbm>> -> memref<8x64xf32, #tpu.memory_space<hbm>>
        tpu.enqueue_dma source(%arg7 : memref<8x64xf32, #tpu.memory_space<vmem>>) target(%dma_start3A_282 : memref<8x64xf32, #tpu.memory_space<hbm>>) target_semaphore(%arg9 : memref<!tpu.dma_semaphore, #tpu.memory_space<semaphore_mem>>)
        %dma_wait3A_283 = arith.constant 0 : i32
        %dma_wait3A_284 = tpu.memref_slice %arg5[%shift_left3A_198, %dma_wait3A_283] : memref<1000000x64xf32, #tpu.memory_space<hbm>> -> memref<8x64xf32, #tpu.memory_space<hbm>>
        %dma_wait3A_285 = arith.constant 0 : i32
        %dma_wait3A_286 = tpu.memref_slice %arg5[%shift_left3A_198, %dma_wait3A_285] : memref<1000000x64xf32, #tpu.memory_space<hbm>> -> memref<8x64xf32, #tpu.memory_space<hbm>>
        tpu.wait_dma2 semaphore(%arg9 : memref<!tpu.dma_semaphore, #tpu.memory_space<semaphore_mem>>) src(%arg7 : memref<8x64xf32, #tpu.memory_space<vmem>>) dst(%dma_wait3A_286 : memref<8x64xf32, #tpu.memory_space<hbm>>)
      } else {
      }
    }
    %scan3A_68 = arith.constant 1024 : i32
    return
  }
}

</mosaic_0001>

<sc_bundles>
// kernel: kernel.3.cloned.1.call-start
scs
__scs_entry_jumppad:
0x0: {  	(pc) =	sbr.rel $0x88, $3  }
0x1: {  	(tag) =	ssettag $0x0;
	lr =	simm.s32 $0x1  }
0x2: {  	[smem:$0x3F9E] =	sst lr;
	_ =	strace $0xD0000000  }
0x3: {  	_ = 	snop  }
0x4: {  	_ = 	snop  }
0x5: {  	_ = 	snop  }
0x6: {  	_ = 	snop  }
0x7: {  	_ = 	snop  }
__scs_overlays_trampoline_lowered:
0x8: {  	[smem:$0x3FAD] =	sst s0  }
0x9: {  	[smem:$0x3FAE] =	sst s1  }
0xa: {  	[smem:$0x3FAF] =	sst s2  }
0xb: {  	[smem:$0x3FB0] =	sst s3  }
0xc: {  	[smem:$0x3FB1] =	sst s4  }
0xd: {  	[smem:$0x3FB2] =	sst s5  }
0xe: {  	[smem:$0x3FB3] =	sst s6  }
0xf: {  	[smem:$0x3FB4] =	sst s7  }
0x10: {  	[smem:$0x3FB5] =	sst s8  }
0x11: {  	[smem:$0x3FB6] =	sst s9;
	s0 =	simm.s32 @!p0 $0x0  }
0x12: {  	s1 =	sld [smem:$0x3F9C];
	s0 =	simm.s32 @p0 $0x1  }
0x13: {  	[smem:$0x3FB7] =	sst s0;
	s0 =	simm.s32 @!p1 $0x0  }
0x14: {  	s2 =	sld [smem:$0x3F9B];
	s0 =	simm.s32 @p1 $0x1  }
0x15: {  	[smem:$0x3FB8] =	sst s0;
	s0 =	simm.s32 @!p2 $0x0  }
0x16: {  	s3 =	sld [smem:$0x3FDB];
	s0 =	simm.s32 @p2 $0x1  }
0x17: {  	s4 =	simm.s32 $0x1BF5;
	[smem:$0x3FBA] =	sst s0  }
0x18: {  	s0 =	sld [smem:$0x3F9D];
	_ =	swait.ge [sflag:s4], $0x0  }
0x19: {  	s7 =	sld [smem:$0x3F9E]  }
0x1a: {  	s8 =	sadd.s32 $0xFFFFE003, lr  }
0x1b: {  	s9 =	sadd.s32 $0xFFFFFEF7, lr;
	s5 =	simm.s32 $0xFFFFFFFF;
	p2 =	slt.u32 s8, $0xFFFFF086  }
0x1c: {  	p1 =	slt.u32 s9, $0xF7A;
	s5 =	simm.s32 @!p2 $0x0  }
0x1d: {  	s5 =	simm.s32 @p1 $0x1;
	p0 =	seq.s32 s7, s2  }
0x1e: {  	s7 =	smul.u32 @!p0 $0xF7A, s2;
	p2 =	seq.s32 @!p0 s5, $0x0  }
0x1f: {  	s9 =	smul.u32 $0xF7A, s1;
	s8 =	simm.s32 @!p0 $0x1BF5;
	p2 =	por !p2, p0  }
0x20: {  	[sflag:s8] =	ssyncset.s32 @!p0 $0xFFFFF086;
	s6 =	sadd.s32 @!p0 s3, s7;
	s7 =	simm.s32 @!p0 $0x108  }
0x21: {  	s3 =	sadd.s32 s3, s9;
	s6 =	sadd.s32 @!p0 $0x88, s6;
	s7 =	simm.s32 @p2 $0x1082  }
0x22: {  	[simem:s7], [sflag:s8] =	dma.local @!p0 [hbm:s6], $0xF7A  }
0x23: {  	s9 =	sor.u32 $0xD0000000, s2;
	s6 =	simm.s32 $0x108;
	_ =	swait.ge @!p0 [sflag:s8], $0x0  }
0x24: {  	s3 =	sadd.s32 $0x88, s3;
	s6 =	simm.s32 @!p1 $0x1082;
	[sflag:s4] =	ssyncset.s32 $0xFFFFF086  }
0x25: {  	[simem:s6], [sflag:s4] =	dma.local [hbm:s3], $0xF7A  }
0x26: {  	[smem:$0x3F9E] =	sst s1;
	(tag) =	ssettag s2;
	_ =	strace s9  }
0x27: {  	s1 =	sld [smem:$0x3FAE]  }
0x28: {  	s2 =	sld [smem:$0x3FAF]  }
0x29: {  	s4 =	sld [smem:$0x3FB1]  }
0x2a: {  	p0 =	seq.s32 s5, $0x0;
	s5 =	sld [smem:$0x3FB2]  }
0x2b: {  	s6 =	sld [smem:$0x3FB3]  }
0x2c: {  	s7 =	sld [smem:$0x3FB4]  }
0x2d: {  	s3 =	simm.s32 $0x108;
	s8 =	sld [smem:$0x3FB5]  }
0x2e: {  	s3 =	simm.s32 @!p0 $0x1082;
	s9 =	sld [smem:$0x3FB6]  }
0x2f: {  	lr =	sadd.s32 s0, s3;
	s0 =	sld [smem:$0x3FAD]  }
0x30: {  	s3 =	sld [smem:$0x3FB0]  }
0x31: {  	[smem:$0x3FB9] =	sst s10  }
0x32: {  	s10 =	sld [smem:$0x3FB7];
	_ =	sdelay $0x3  }
0x33: {  	p0 =	seq.s32 s10, $0x1;
	s10 =	sld [smem:$0x3FB9];
	_ =	sdelay $0x3  }
0x34: {  	[smem:$0x3FB9] =	sst s10  }
0x35: {  	s10 =	sld [smem:$0x3FB8];
	_ =	sdelay $0x3  }
0x36: {  	p1 =	seq.s32 s10, $0x1;
	s10 =	sld [smem:$0x3FB9];
	_ =	sdelay $0x3  }
0x37: {  	[smem:$0x3FB9] =	sst s10  }
0x38: {  	s10 =	sld [smem:$0x3FBA]  }
0x39: {  	_ = 	snop;
	(pc) =	sbr.ind lr, $3  }
0x3a: {  	_ = 	snop  }
0x3b: {  	_ = 	snop  }
0x3c: {  	p2 =	seq.s32 s10, $0x1;
	s10 =	sld [smem:$0x3FB9]  }
0x3d: {  	_ =	shalt  }
0x3e: {  	_ =	shalt  }
0x3f: {  	_ =	shalt  }
0x40: {  	_ =	shalt  }
0x41: {  	_ =	shalt  }
0x42: {  	_ =	shalt  }
0x43: {  	_ =	shalt  }
0x44: {  	_ =	shalt  }
0x45: {  	_ =	shalt  }
0x46: {  	_ =	shalt  }
0x47: {  	_ =	shalt  }
0x48: {  	_ =	shalt  }
0x49: {  	_ =	shalt  }
0x4a: {  	_ =	shalt  }
0x4b: {  	_ =	shalt  }
0x4c: {  	_ =	shalt  }
0x4d: {  	_ =	shalt  }
0x4e: {  	_ =	shalt  }
0x4f: {  	_ =	shalt  }
0x50: {  	_ =	shalt  }
0x51: {  	_ =	shalt  }
0x52: {  	_ =	shalt  }
0x53: {  	_ =	shalt  }
0x54: {  	_ =	shalt  }
0x55: {  	_ =	shalt  }
0x56: {  	_ =	shalt  }
0x57: {  	_ =	shalt  }
0x58: {  	_ =	shalt  }
0x59: {  	_ =	shalt  }
0x5a: {  	_ =	shalt  }
0x5b: {  	_ =	shalt  }
0x5c: {  	_ =	shalt  }
0x5d: {  	_ =	shalt  }
0x5e: {  	_ =	shalt  }
0x5f: {  	_ =	shalt  }
0x60: {  	_ =	shalt  }
0x61: {  	_ =	shalt  }
0x62: {  	_ =	shalt  }
0x63: {  	_ =	shalt  }
0x64: {  	_ =	shalt  }
0x65: {  	_ =	shalt  }
0x66: {  	_ =	shalt  }
0x67: {  	_ =	shalt  }
0x68: {  	_ =	shalt  }
0x69: {  	_ =	shalt  }
0x6a: {  	_ =	shalt  }
0x6b: {  	_ =	shalt  }
0x6c: {  	_ =	shalt  }
0x6d: {  	_ =	shalt  }
0x6e: {  	_ =	shalt  }
0x6f: {  	_ =	shalt  }
0x70: {  	_ =	shalt  }
0x71: {  	_ =	shalt  }
0x72: {  	_ =	shalt  }
0x73: {  	_ =	shalt  }
0x74: {  	_ =	shalt  }
0x75: {  	_ =	shalt  }
0x76: {  	_ =	shalt  }
0x77: {  	_ =	shalt  }
0x78: {  	_ =	shalt  }
0x79: {  	_ =	shalt  }
0x7a: {  	_ =	shalt  }
0x7b: {  	_ =	shalt  }
0x7c: {  	_ =	shalt  }
0x7d: {  	_ =	shalt  }
0x7e: {  	_ =	shalt  }
0x7f: {  	_ =	shalt  }
0x80: {  	_ =	shalt  }
0x81: {  	_ =	shalt  }
0x82: {  	_ =	shalt  }
0x83: {  	_ =	shalt  }
0x84: {  	_ =	shalt  }
0x85: {  	_ =	shalt  }
0x86: {  	_ =	shalt  }
0x87: {  	_ =	shalt  }
.Lfunc_end0:
.L_simem_size_0:
called_computation.1_lowered:
.L_overlay_start_0:
0x88: {  	s2 =	sld [smem:$0x3FD9]  }
0x89: {  	s3 =	sld [smem:$0x3FFE];
	_ =	sdelay $0x1  }
0x8a: {  	s1 =	srdreg.scid  }
0x8b: {  	s0 =	sand.u32 $0x1, s1  }
0x8c: {  	s17 =	sshll.u32 s0, $0xA;
	s2 =	sadd.s32 s3, s2  }
0x8d: {  	s2 =	sadd.s32 s2, s17  }
0x8e: {  	[smem:$0x3FC5] =	sst s2  }
0x8f: {  	_ = 	snop  }
0x90: {  	s2 =	sld [smem:$0x3FC8]  }
0x91: {  	s18 =	sld [smem:$0x3FD0];
	(tm) =	ssettm $0x1  }
0x92: {  	s4 =	sld [smem:$0x3FFB];
	_ =	sdelay $0x3  }
0x93: {  	_ =	strace s4  }
0x94: {  	s4 =	sld [smem:$0x3FFC];
	_ =	sdelay $0x3  }
0x95: {  	_ =	strace s4  }
0x96: {  	s4 =	sld [smem:$0x3FFD];
	_ =	sdelay $0x3  }
0x97: {  	_ =	strace s4  }
0x98: {  	_ =	strace $0x8FFFFFFF  }
0x99: {  	s19 =	sld [smem:$0x3FDB];
	_ =	sdelay $0x1  }
0x9a: {  	s5 =	simm.s32 $_scs_section_size  }
0x9b: {  	s6 =	simm.s32 $_size__tile_overlayer_lowered;
	s7 =	simm.s32 $_tile_overlayer_lowered  }
0x9c: {  	s22 =	simm.s32 $0x1BFF;
	s21 =	sshll.u32 s7, $0x1;
	s4 =	sadd.s32 s5, s19  }
0x9d: {  	s8 =	simm.s32 $0x0;
	s20 =	sshll.u32 s6, $0x1;
	s6 =	sadd.s32 s21, s4  }
0x9e: {  	[timem:s8], [sflag:s22] =	dma.local [hbm:s6], s20  }
0x9f: {  	_ =	swait.ge [sflag:s22], s20  }
0xa0: {  	s5 =	ssub.s32 $0x0, s20;
	[sflag:s22] =	ssyncset.done $0x0  }
0xa1: {  	[sflag:s22] =	ssyncadd.s32 s5;
	_ =	sdelay $0x1  }
0xa2: {  	s23 =	simm.s32 $0x1B8B  }
0xa3: {  	_ =	swait.ge [sflag:s23], $0x1  }
0xa4: {  	[sflag:s23] =	ssyncset.done $0x0  }
0xa5: {  	s25 =	simm.s32 $0x1B8E;
	s24 =	sld [smem:$0x3FFE];
	[sflag:s23] =	ssyncadd.s32 $0xFFFFFFFF  }
0xa6: {  	s26 =	simm.s32 $execute0_lowered;
	[smem:$0x3FD2] =	sst s25  }
0xa7: {  	s6 =	sshll.u32 s26, $0x1;
	_ =	strace $0x80000046;
	[dreg:$0x1] =	wrdreg $0xFFFFFFFF  }
0xa8: {  	s28 =	simm.s32 $_size_execute0_lowered;
	s4 =	sadd.s32 s4, s6;
	[dreg:$0x0] =	wrdreg $0x0  }
0xa9: {  	s6 =	sshll.u32 s28, $0x1;
	[dreg:$0x2] =	wrdreg s4  }
0xaa: {  	[dreg:$0x3] =	wrdreg s6  }
0xab: {  	[dreg:$0x4] =	wrdreg $0xC0  }
0xac: {  	_ =	task [dreg:s8], $0x5FFFF  }
0xad: {  	[dreg:$0x1] =	wrdreg $0xFFFFFFFF  }
0xae: {  	[dreg:$0x0] =	wrdreg $0x60  }
0xaf: {  	[dreg:$0x2] =	wrdreg s18  }
0xb0: {  	[dreg:$0x3] =	wrdreg s2  }
0xb1: {  	[dreg:$0x4] =	wrdreg s24  }
0xb2: {  	[dreg:$0x5] =	wrdreg $0x9  }
0xb3: {  	_ =	task.clear_ibuf [dreg:s8], $0x6FFFF;
	_ =	strace $0x90000046  }
0xb4: {  	s29 =	simm.s32 $0x9;
	_ =	strace $0x80000048  }
0xb5: {  	_ =	swait.ge [sflag:s29], $0x1  }
0xb6: {  	[sflag:s29] =	ssyncadd.s32 $0xFFFFFFFF  }
0xb7: {  	_ =	strace $0x90000048  }
0xb8: {  	_ =	sfence  }
0xb9: {  	s30 =	sld [smem:$0x0];
	_ =	sdelay $0x2  }
0xba: {  	s31 =	sshll.u32 s1, $0xD;
	s1 =	sshrl.u32 s1, $0x2  }
0xbb: {  	s3 =	sand.u32 $0x4000, s31;
	s1 =	sadd.s32 s1, s30  }
0xbc: {  	s0 =	sor.u32 s3, s0;
	s1 =	sshll.u32 s1, $0x11  }
0xbd: {  	s0 =	sor.u32 s1, s0  }
0xbe: {  	s0 =	sadd.s32 $0x8F2B, s0  }
0xbf: {  	[sflag:s0] =	ssyncadd.remote.s32 $0x1  }
0xc0: {  	_ =	sfence.sel $0xFFFF  }
0xc1: {  	[dreg:$0x0] =	wrdreg $0xFFFFFFFF;
	(pc) =	sbr.abs _section_cstart, $3  }
0xc2: {  	[dreg:$0x1] =	wrdreg $0xFFFFFFFF  }
0xc3: {  	_ =	task.clear_ibuf [dreg:s8], $0x2FFFF;
	_ =	strace $0x9FFFFFFF  }
0xc4: {  	(tm) =	ssettm $0x7FFFFFFF  }
0xc5: {  	_ =	shalt  }
tec
execute0_lowered:
.L_overlay_start_1:
0x0: {  	(tag) =	ssettag $0x1  }
0x1: {  	s18 =	rddreg [dreg:$0x0]  }
0x2: {  	s1 =	rddreg [dreg:$0x1]  }
0x3: {  	s17 =	rddreg [dreg:$0x2];
	s2 =	srdreg.scid  }
0x4: {  	s0 =	rddreg [dreg:$0x3];
	s3 =	simm.s32 $0x0;
	s7 =	simm.s32 $0x40  }
0x5: {  	s21 =	simm.s32 $0x3;
	s22 =	simm.s32 $0x0;
	s6 =	sand.u32 $0x1, s2  }
0x6: {  	[smem:$0x7FF] =	sst s3;
	s2 =	stileid.u32;
	s5 =	sshll.u32 s6, $0x4  }
0x7: {  	s4 =	sadd.s32 $0xA00, s17;
	_ =	strace $0x80000047;
	s20 =	sor.u32 s2, s5  }
0x8: {  	s8 =	ssub.s32 $0x2, s6;
	s6 =	sadd.s32 $0x20A00, s17;
	s5 =	smul.u32 $0x7A10, s20  }
0x9: {  	s31 =	sshll.u32 s2, $0x6;
	s17 =	sadd.s32 $0x7C1A00, s17;
	s9 =	smul.u32 $0x3D080, s20  }
0xa: {  	s10 =	sshrl.u32 s8, $0x1;
	p0 =	seq.s32 s20, $0x1F;
	s11 =	smul.u32 $0x1E8400, s20  }
0xb: {  	s19 =	ssub.s32 s8, s10;
	s10 =	sor.u32 $0x1C02, s31;
	s7 =	simm.s32 @!p0 $0x0  }
0xc: {  	s19 =	smax.u32 s19, $0x1;
	p0 =	sne.s32 s20, $0x1F;
	s20 =	simm.s32 $0x2  }
0xd: {  	s7 =	sadd.s32 s7, s5;
	s8 =	sadd.s32 s6, s9;
	s15 =	sshrl.u32 s11, $0x3  }
0xe: {  	s9 =	sadd.s32 s18, s9;
	s7 =	sadd.s32 $0x7A10, s7;
	s12 =	sadd.s32 $0xF400, s15  }
0xf: {  	s14 =	sadd.s32 $0x1E800, s15;
	s16 =	sadd.s32 $0x2DC00, s15;
	s11 =	sadd.s32 s6, s12  }
0x10: {  	s12 =	sadd.s32 s18, s12;
	s13 =	sadd.s32 s6, s14;
	s14 =	sadd.s32 s18, s14  }
0x11: {  	s15 =	sadd.s32 s6, s16;
	s16 =	sadd.s32 s18, s16;
	s18 =	sadd.s32 $0x7A1000, s18  }
.LBB2_1:
0x12: {  	[hbm:s8], [sflag:s10] =	dma.local [hbm:s9], $0xF400  }
0x13: {  	[hbm:s11], [sflag:s10] =	dma.local [hbm:s12], $0xF400  }
0x14: {  	[hbm:s13], [sflag:s10] =	dma.local [hbm:s14], $0xF400  }
0x15: {  	[hbm:s15], [sflag:s10] =	dma.local [hbm:s16], $0xF480  }
0x16: {  	[hbm:s17], [sflag:s10] =	dma.local @!p0 [hbm:s18], $0x200  }
0x17: {  	_ =	swait.ge [sflag:s20], $0xF400  }
0x18: {  	[sflag:s20] =	ssyncset.done $0x0  }
0x19: {  	[sflag:s20] =	ssyncadd.s32 $0xFFFF0C00  }
0x1a: {  	_ =	swait.ge [sflag:s20], $0xF400  }
0x1b: {  	[sflag:s20] =	ssyncset.done $0x0  }
0x1c: {  	[sflag:s20] =	ssyncadd.s32 $0xFFFF0C00  }
0x1d: {  	_ =	swait.ge [sflag:s20], $0xF400  }
0x1e: {  	[sflag:s20] =	ssyncset.done $0x0  }
0x1f: {  	[sflag:s20] =	ssyncadd.s32 $0xFFFF0C00  }
0x20: {  	_ =	swait.ge [sflag:s20], $0xF480  }
0x21: {  	[sflag:s20] =	ssyncset.done $0x0  }
0x22: {  	s23 =	simm.s32 @!p0 $0x2;
	[sflag:s20] =	ssyncadd.s32 $0xFFFF0B80  }
0x23: {  	_ =	swait.ge @!p0 [sflag:s23], $0x200  }
0x24: {  	[sflag:s23] =	ssyncset.done @!p0 $0x0  }
0x25: {  	[sflag:s23] =	ssyncadd.s32 @!p0 $0xFFFFFE00  }
0x26: {  	[tilespmem:s3], [sflag:$0x3] =	stream.linear.gather [hbm4b:s1+s3], $0x4000, $0x38;
	[tilespmem:$0x4400] =	vst v63  }
0x27: {  	_ =	swait.ge [sflag:s21], $0x4000  }
0x28: {  	[sflag:s21] =	ssyncset.done $0x0  }
0x29: {  	s24 =	smov.u32 s4;
	s23 =	simm.s32 $0x0;
	[sflag:s21] =	ssyncadd.s32 $0xFFFFC000  }
.LBB2_2:
0x2a: {  	s25 =	sshra.s32 s23, $0x2  }
0x2b: {  	v0 =	vld [tilespmem:s25+$0x0];
	_ =	sdelay $0x4  }
0x2c: {  	(v2sf) =	vpush v0, $0x0;
	_ =	sdelay $0xe  }
0x2d: {  	s25 =	spop (v2sf)  }
0x2e: {  	p1 =	slt.s32 s25, s5  }
0x2f: {  	p2 =	sge.s32 @!p1 s25, s7  }
0x30: {  	p1 =	por p2, p1  }
0x31: {  	s26 =	sshll.u32 @!p1 s25, $0x3  }
0x32: {  	s26 =	sand.u32 @!p1 $0x1FFFFFC0, s26  }
0x33: {  	s28 =	simm.s32 @!p1 $0x0;
	s29 =	simm.s32 @!p1 $0x4000;
	s26 =	sadd.s32 @!p1 s6, s26  }
0x34: {  	[tilespmem:s29], [sflag:$0x1] =	stream.linear.gather @!p1 [hbm4b:s26+s28], $0x200, $0x38;
	[tilespmem:$0x4400] =	vst v63  }
0x35: {  	s30 =	simm.s32 @!p1 $0x4200  }
0x36: {  	[tilespmem:s30], [sflag:$0x1] =	stream.linear.gather @!p1 [hbm4b:s24+s28], $0x200, $0x38;
	[tilespmem:$0x4400] =	vst v63  }
0x37: {  	s30 =	simm.s32 @!p1 $0x1  }
0x38: {  	_ =	swait.ge @!p1 [sflag:s30], $0x200  }
0x39: {  	[sflag:s30] =	ssyncset.done @!p1 $0x0  }
0x3a: {  	[sflag:s30] =	ssyncadd.s32 @!p1 $0xFFFFFE00  }
0x3b: {  	_ =	swait.ge @!p1 [sflag:s30], $0x200  }
0x3c: {  	s25 =	sshll.u32 @!p1 s25, $0x6;
	[sflag:s30] =	ssyncset.done @!p1 $0x0  }
0x3d: {  	s25 =	sand.u32 @!p1 $0x1C0, s25;
	[sflag:s30] =	ssyncadd.s32 @!p1 $0xFFFFFE00  }
0x3e: {  	v1 =	vld @!p1 [tilespmem:s25+$0x4000]  }
0x3f: {  	v2 =	vld @!p1 [tilespmem:$0x4200];
	_ =	sdelay $0x4  }
0x40: {  	v1 =	vadd.f32 @!p1 v2, v1;
	_ =	sdelay $0x1  }
0x41: {  	[tilespmem:s25+$0x4000] =	vst @!p1 v1;
	v1 =	vld @!p1 [tilespmem:s25+$0x4010]  }
0x42: {  	v2 =	vld @!p1 [tilespmem:$0x4210];
	_ =	sdelay $0x4  }
0x43: {  	v1 =	vadd.f32 @!p1 v2, v1;
	_ =	sdelay $0x1  }
0x44: {  	[tilespmem:s25+$0x4010] =	vst @!p1 v1;
	v1 =	vld @!p1 [tilespmem:s25+$0x4020]  }
0x45: {  	v2 =	vld @!p1 [tilespmem:$0x4220];
	_ =	sdelay $0x4  }
0x46: {  	v1 =	vadd.f32 @!p1 v2, v1;
	_ =	sdelay $0x1  }
0x47: {  	[tilespmem:s25+$0x4020] =	vst @!p1 v1;
	v1 =	vld @!p1 [tilespmem:s25+$0x4030]  }
0x48: {  	v2 =	vld @!p1 [tilespmem:$0x4230];
	_ =	sdelay $0x4  }
0x49: {  	v1 =	vadd.f32 @!p1 v2, v1;
	_ =	sdelay $0x1  }
0x4a: {  	[tilespmem:s25+$0x4030] =	vst @!p1 v1  }
0x4b: {  	[hbm4b:s26+s28] =	stream.linear.scatter @!p1 [tilespmem:s29], [sflag:$0x1], $0x200, $0x38;
	[tilespmem:$0x4400] =	vst v63  }
0x4c: {  	_ =	swait.ge @!p1 [sflag:s30], $0x200  }
0x4d: {  	(v2sf) =	vpush v0, $0x1;
	_ =	sdelay $0xe  }
0x4e: {  	s25 =	spop (v2sf)  }
0x4f: {  	p2 =	slt.s32 s25, s5  }
0x50: {  	p3 =	sge.s32 @!p2 s25, s7  }
0x51: {  	p2 =	por p3, p2  }
0x52: {  	[sflag:s30] =	ssyncset.done @!p1 $0x0;
	s26 =	sshll.u32 @!p2 s25, $0x3  }
0x53: {  	[sflag:s30] =	ssyncadd.s32 @!p1 $0xFFFFFE00;
	s26 =	sand.u32 @!p2 $0x1FFFFFC0, s26  }
0x54: {  	s28 =	simm.s32 @!p2 $0x0;
	s29 =	simm.s32 @!p2 $0x4000;
	s26 =	sadd.s32 @!p2 s6, s26  }
0x55: {  	[tilespmem:s29], [sflag:$0x1] =	stream.linear.gather @!p2 [hbm4b:s26+s28], $0x200, $0x38;
	[tilespmem:$0x4400] =	vst v63  }
0x56: {  	s30 =	simm.s32 @!p2 $0x4200  }
0x57: {  	[tilespmem:s30], [sflag:$0x1] =	stream.linear.gather @!p2 [hbm4b:s24+s28], $0x200, $0x38;
	[tilespmem:$0x4400] =	vst v63  }
0x58: {  	s30 =	simm.s32 @!p2 $0x1  }
0x59: {  	_ =	swait.ge @!p2 [sflag:s30], $0x200  }
0x5a: {  	[sflag:s30] =	ssyncset.done @!p2 $0x0  }
0x5b: {  	[sflag:s30] =	ssyncadd.s32 @!p2 $0xFFFFFE00  }
0x5c: {  	_ =	swait.ge @!p2 [sflag:s30], $0x200  }
0x5d: {  	s25 =	sshll.u32 @!p2 s25, $0x6;
	[sflag:s30] =	ssyncset.done @!p2 $0x0  }
0x5e: {  	s25 =	sand.u32 @!p2 $0x1C0, s25;
	[sflag:s30] =	ssyncadd.s32 @!p2 $0xFFFFFE00  }
0x5f: {  	v1 =	vld @!p2 [tilespmem:s25+$0x4000]  }
0x60: {  	v2 =	vld @!p2 [tilespmem:$0x4240];
	_ =	sdelay $0x4  }
0x61: {  	v1 =	vadd.f32 @!p2 v2, v1;
	_ =	sdelay $0x1  }
0x62: {  	[tilespmem:s25+$0x4000] =	vst @!p2 v1;
	v1 =	vld @!p2 [tilespmem:s25+$0x4010]  }
0x63: {  	v2 =	vld @!p2 [tilespmem:$0x4250];
	_ =	sdelay $0x4  }
0x64: {  	v1 =	vadd.f32 @!p2 v2, v1;
	_ =	sdelay $0x1  }
0x65: {  	[tilespmem:s25+$0x4010] =	vst @!p2 v1;
	v1 =	vld @!p2 [tilespmem:s25+$0x4020]  }
0x66: {  	v2 =	vld @!p2 [tilespmem:$0x4260];
	_ =	sdelay $0x4  }
0x67: {  	v1 =	vadd.f32 @!p2 v2, v1;
	_ =	sdelay $0x1  }
0x68: {  	[tilespmem:s25+$0x4020] =	vst @!p2 v1;
	v1 =	vld @!p2 [tilespmem:s25+$0x4030]  }
0x69: {  	v2 =	vld @!p2 [tilespmem:$0x4270];
	_ =	sdelay $0x4  }
0x6a: {  	v1 =	vadd.f32 @!p2 v2, v1;
	_ =	sdelay $0x1  }
0x6b: {  	[tilespmem:s25+$0x4030] =	vst @!p2 v1  }
0x6c: {  	[hbm4b:s26+s28] =	stream.linear.scatter @!p2 [tilespmem:s29], [sflag:$0x1], $0x200, $0x38;
	[tilespmem:$0x4400] =	vst v63  }
0x6d: {  	_ =	swait.ge @!p2 [sflag:s30], $0x200  }
0x6e: {  	(v2sf) =	vpush v0, $0x2;
	_ =	sdelay $0xe  }
0x6f: {  	s25 =	spop (v2sf)  }
0x70: {  	p1 =	slt.s32 s25, s5  }
0x71: {  	p3 =	sge.s32 @!p1 s25, s7  }
0x72: {  	p1 =	por p3, p1  }
0x73: {  	[sflag:s30] =	ssyncset.done @!p2 $0x0;
	s26 =	sshll.u32 @!p1 s25, $0x3  }
0x74: {  	[sflag:s30] =	ssyncadd.s32 @!p2 $0xFFFFFE00;
	s26 =	sand.u32 @!p1 $0x1FFFFFC0, s26  }
0x75: {  	s28 =	simm.s32 @!p1 $0x0;
	s29 =	simm.s32 @!p1 $0x4000;
	s26 =	sadd.s32 @!p1 s6, s26  }
0x76: {  	[tilespmem:s29], [sflag:$0x1] =	stream.linear.gather @!p1 [hbm4b:s26+s28], $0x200, $0x38;
	[tilespmem:$0x4400] =	vst v63  }
0x77: {  	s30 =	simm.s32 @!p1 $0x4200  }
0x78: {  	[tilespmem:s30], [sflag:$0x1] =	stream.linear.gather @!p1 [hbm4b:s24+s28], $0x200, $0x38;
	[tilespmem:$0x4400] =	vst v63  }
0x79: {  	s30 =	simm.s32 @!p1 $0x1  }
0x7a: {  	_ =	swait.ge @!p1 [sflag:s30], $0x200  }
0x7b: {  	[sflag:s30] =	ssyncset.done @!p1 $0x0  }
0x7c: {  	[sflag:s30] =	ssyncadd.s32 @!p1 $0xFFFFFE00  }
0x7d: {  	_ =	swait.ge @!p1 [sflag:s30], $0x200  }
0x7e: {  	s25 =	sshll.u32 @!p1 s25, $0x6;
	[sflag:s30] =	ssyncset.done @!p1 $0x0  }
0x7f: {  	s25 =	sand.u32 @!p1 $0x1C0, s25;
	[sflag:s30] =	ssyncadd.s32 @!p1 $0xFFFFFE00  }
0x80: {  	v1 =	vld @!p1 [tilespmem:s25+$0x4000]  }
0x81: {  	v2 =	vld @!p1 [tilespmem:$0x4280];
	_ =	sdelay $0x4  }
0x82: {  	v1 =	vadd.f32 @!p1 v2, v1;
	_ =	sdelay $0x1  }
0x83: {  	[tilespmem:s25+$0x4000] =	vst @!p1 v1;
	v1 =	vld @!p1 [tilespmem:s25+$0x4010]  }
0x84: {  	v2 =	vld @!p1 [tilespmem:$0x4290];
	_ =	sdelay $0x4  }
0x85: {  	v1 =	vadd.f32 @!p1 v2, v1;
	_ =	sdelay $0x1  }
0x86: {  	[tilespmem:s25+$0x4010] =	vst @!p1 v1;
	v1 =	vld @!p1 [tilespmem:s25+$0x4020]  }
0x87: {  	v2 =	vld @!p1 [tilespmem:$0x42A0];
	_ =	sdelay $0x4  }
0x88: {  	v1 =	vadd.f32 @!p1 v2, v1;
	_ =	sdelay $0x1  }
0x89: {  	[tilespmem:s25+$0x4020] =	vst @!p1 v1;
	v1 =	vld @!p1 [tilespmem:s25+$0x4030]  }
0x8a: {  	v2 =	vld @!p1 [tilespmem:$0x42B0];
	_ =	sdelay $0x4  }
0x8b: {  	v1 =	vadd.f32 @!p1 v2, v1;
	_ =	sdelay $0x1  }
0x8c: {  	[tilespmem:s25+$0x4030] =	vst @!p1 v1  }
0x8d: {  	[hbm4b:s26+s28] =	stream.linear.scatter @!p1 [tilespmem:s29], [sflag:$0x1], $0x200, $0x38;
	[tilespmem:$0x4400] =	vst v63  }
0x8e: {  	_ =	swait.ge @!p1 [sflag:s30], $0x200  }
0x8f: {  	(v2sf) =	vpush v0, $0x3;
	_ =	sdelay $0xe  }
0x90: {  	s25 =	spop (v2sf)  }
0x91: {  	p2 =	slt.s32 s25, s5  }
0x92: {  	p3 =	sge.s32 @!p2 s25, s7  }
0x93: {  	p2 =	por p3, p2  }
0x94: {  	[sflag:s30] =	ssyncset.done @!p1 $0x0;
	s26 =	sshll.u32 @!p2 s25, $0x3  }
0x95: {  	[sflag:s30] =	ssyncadd.s32 @!p1 $0xFFFFFE00;
	s26 =	sand.u32 @!p2 $0x1FFFFFC0, s26  }
0x96: {  	s28 =	simm.s32 @!p2 $0x0;
	s29 =	simm.s32 @!p2 $0x4000;
	s26 =	sadd.s32 @!p2 s6, s26  }
0x97: {  	[tilespmem:s29], [sflag:$0x1] =	stream.linear.gather @!p2 [hbm4b:s26+s28], $0x200, $0x38;
	[tilespmem:$0x4400] =	vst v63  }
0x98: {  	s30 =	simm.s32 @!p2 $0x4200  }
0x99: {  	[tilespmem:s30], [sflag:$0x1] =	stream.linear.gather @!p2 [hbm4b:s24+s28], $0x200, $0x38;
	[tilespmem:$0x4400] =	vst v63  }
0x9a: {  	s30 =	simm.s32 @!p2 $0x1  }
0x9b: {  	_ =	swait.ge @!p2 [sflag:s30], $0x200  }
0x9c: {  	[sflag:s30] =	ssyncset.done @!p2 $0x0  }
0x9d: {  	[sflag:s30] =	ssyncadd.s32 @!p2 $0xFFFFFE00  }
0x9e: {  	_ =	swait.ge @!p2 [sflag:s30], $0x200  }
0x9f: {  	s25 =	sshll.u32 @!p2 s25, $0x6;
	[sflag:s30] =	ssyncset.done @!p2 $0x0  }
0xa0: {  	s25 =	sand.u32 @!p2 $0x1C0, s25;
	[sflag:s30] =	ssyncadd.s32 @!p2 $0xFFFFFE00  }
0xa1: {  	v1 =	vld @!p2 [tilespmem:s25+$0x4000]  }
0xa2: {  	v2 =	vld @!p2 [tilespmem:$0x42C0];
	_ =	sdelay $0x4  }
0xa3: {  	v1 =	vadd.f32 @!p2 v2, v1;
	_ =	sdelay $0x1  }
0xa4: {  	[tilespmem:s25+$0x4000] =	vst @!p2 v1;
	v1 =	vld @!p2 [tilespmem:s25+$0x4010]  }
0xa5: {  	v2 =	vld @!p2 [tilespmem:$0x42D0];
	_ =	sdelay $0x4  }
0xa6: {  	v1 =	vadd.f32 @!p2 v2, v1;
	_ =	sdelay $0x1  }
0xa7: {  	[tilespmem:s25+$0x4010] =	vst @!p2 v1;
	v1 =	vld @!p2 [tilespmem:s25+$0x4020]  }
0xa8: {  	v2 =	vld @!p2 [tilespmem:$0x42E0];
	_ =	sdelay $0x4  }
0xa9: {  	v1 =	vadd.f32 @!p2 v2, v1;
	_ =	sdelay $0x1  }
0xaa: {  	[tilespmem:s25+$0x4020] =	vst @!p2 v1;
	v1 =	vld @!p2 [tilespmem:s25+$0x4030]  }
0xab: {  	v2 =	vld @!p2 [tilespmem:$0x42F0];
	_ =	sdelay $0x4  }
0xac: {  	v1 =	vadd.f32 @!p2 v2, v1;
	_ =	sdelay $0x1  }
0xad: {  	[tilespmem:s25+$0x4030] =	vst @!p2 v1  }
0xae: {  	[hbm4b:s26+s28] =	stream.linear.scatter @!p2 [tilespmem:s29], [sflag:$0x1], $0x200, $0x38;
	[tilespmem:$0x4400] =	vst v63  }
0xaf: {  	_ =	swait.ge @!p2 [sflag:s30], $0x200  }
0xb0: {  	(v2sf) =	vpush v0, $0x4;
	_ =	sdelay $0xe  }
0xb1: {  	s25 =	spop (v2sf)  }
0xb2: {  	p1 =	slt.s32 s25, s5  }
0xb3: {  	p3 =	sge.s32 @!p1 s25, s7  }
0xb4: {  	p1 =	por p3, p1  }
0xb5: {  	[sflag:s30] =	ssyncset.done @!p2 $0x0;
	s26 =	sshll.u32 @!p1 s25, $0x3  }
0xb6: {  	[sflag:s30] =	ssyncadd.s32 @!p2 $0xFFFFFE00;
	s26 =	sand.u32 @!p1 $0x1FFFFFC0, s26  }
0xb7: {  	s28 =	simm.s32 @!p1 $0x0;
	s29 =	simm.s32 @!p1 $0x4000;
	s26 =	sadd.s32 @!p1 s6, s26  }
0xb8: {  	[tilespmem:s29], [sflag:$0x1] =	stream.linear.gather @!p1 [hbm4b:s26+s28], $0x200, $0x38;
	[tilespmem:$0x4400] =	vst v63  }
0xb9: {  	s30 =	simm.s32 @!p1 $0x4200  }
0xba: {  	[tilespmem:s30], [sflag:$0x1] =	stream.linear.gather @!p1 [hbm4b:s24+s28], $0x200, $0x38;
	[tilespmem:$0x4400] =	vst v63  }
0xbb: {  	s30 =	simm.s32 @!p1 $0x1  }
0xbc: {  	_ =	swait.ge @!p1 [sflag:s30], $0x200  }
0xbd: {  	[sflag:s30] =	ssyncset.done @!p1 $0x0  }
0xbe: {  	[sflag:s30] =	ssyncadd.s32 @!p1 $0xFFFFFE00  }
0xbf: {  	_ =	swait.ge @!p1 [sflag:s30], $0x200  }
0xc0: {  	s25 =	sshll.u32 @!p1 s25, $0x6;
	[sflag:s30] =	ssyncset.done @!p1 $0x0  }
0xc1: {  	s25 =	sand.u32 @!p1 $0x1C0, s25;
	[sflag:s30] =	ssyncadd.s32 @!p1 $0xFFFFFE00  }
0xc2: {  	v1 =	vld @!p1 [tilespmem:s25+$0x4000]  }
0xc3: {  	v2 =	vld @!p1 [tilespmem:$0x4300];
	_ =	sdelay $0x4  }
0xc4: {  	v1 =	vadd.f32 @!p1 v2, v1;
	_ =	sdelay $0x1  }
0xc5: {  	[tilespmem:s25+$0x4000] =	vst @!p1 v1;
	v1 =	vld @!p1 [tilespmem:s25+$0x4010]  }
0xc6: {  	v2 =	vld @!p1 [tilespmem:$0x4310];
	_ =	sdelay $0x4  }
0xc7: {  	v1 =	vadd.f32 @!p1 v2, v1;
	_ =	sdelay $0x1  }
0xc8: {  	[tilespmem:s25+$0x4010] =	vst @!p1 v1;
	v1 =	vld @!p1 [tilespmem:s25+$0x4020]  }
0xc9: {  	v2 =	vld @!p1 [tilespmem:$0x4320];
	_ =	sdelay $0x4  }
0xca: {  	v1 =	vadd.f32 @!p1 v2, v1;
	_ =	sdelay $0x1  }
0xcb: {  	[tilespmem:s25+$0x4020] =	vst @!p1 v1;
	v1 =	vld @!p1 [tilespmem:s25+$0x4030]  }
0xcc: {  	v2 =	vld @!p1 [tilespmem:$0x4330];
	_ =	sdelay $0x4  }
0xcd: {  	v1 =	vadd.f32 @!p1 v2, v1;
	_ =	sdelay $0x1  }
0xce: {  	[tilespmem:s25+$0x4030] =	vst @!p1 v1  }
0xcf: {  	[hbm4b:s26+s28] =	stream.linear.scatter @!p1 [tilespmem:s29], [sflag:$0x1], $0x200, $0x38;
	[tilespmem:$0x4400] =	vst v63  }
0xd0: {  	_ =	swait.ge @!p1 [sflag:s30], $0x200  }
0xd1: {  	(v2sf) =	vpush v0, $0x5;
	_ =	sdelay $0xe  }
0xd2: {  	s25 =	spop (v2sf)  }
0xd3: {  	p2 =	slt.s32 s25, s5  }
0xd4: {  	p3 =	sge.s32 @!p2 s25, s7  }
0xd5: {  	p2 =	por p3, p2  }
0xd6: {  	[sflag:s30] =	ssyncset.done @!p1 $0x0;
	s26 =	sshll.u32 @!p2 s25, $0x3  }
0xd7: {  	[sflag:s30] =	ssyncadd.s32 @!p1 $0xFFFFFE00;
	s26 =	sand.u32 @!p2 $0x1FFFFFC0, s26  }
0xd8: {  	s28 =	simm.s32 @!p2 $0x0;
	s29 =	simm.s32 @!p2 $0x4000;
	s26 =	sadd.s32 @!p2 s6, s26  }
0xd9: {  	[tilespmem:s29], [sflag:$0x1] =	stream.linear.gather @!p2 [hbm4b:s26+s28], $0x200, $0x38;
	[tilespmem:$0x4400] =	vst v63  }
0xda: {  	s30 =	simm.s32 @!p2 $0x4200  }
0xdb: {  	[tilespmem:s30], [sflag:$0x1] =	stream.linear.gather @!p2 [hbm4b:s24+s28], $0x200, $0x38;
	[tilespmem:$0x4400] =	vst v63  }
0xdc: {  	s30 =	simm.s32 @!p2 $0x1  }
0xdd: {  	_ =	swait.ge @!p2 [sflag:s30], $0x200  }
0xde: {  	[sflag:s30] =	ssyncset.done @!p2 $0x0  }
0xdf: {  	[sflag:s30] =	ssyncadd.s32 @!p2 $0xFFFFFE00  }
0xe0: {  	_ =	swait.ge @!p2 [sflag:s30], $0x200  }
0xe1: {  	s25 =	sshll.u32 @!p2 s25, $0x6;
	[sflag:s30] =	ssyncset.done @!p2 $0x0  }
0xe2: {  	s25 =	sand.u32 @!p2 $0x1C0, s25;
	[sflag:s30] =	ssyncadd.s32 @!p2 $0xFFFFFE00  }
0xe3: {  	v1 =	vld @!p2 [tilespmem:s25+$0x4000]  }
0xe4: {  	v2 =	vld @!p2 [tilespmem:$0x4340];
	_ =	sdelay $0x4  }
0xe5: {  	v1 =	vadd.f32 @!p2 v2, v1;
	_ =	sdelay $0x1  }
0xe6: {  	[tilespmem:s25+$0x4000] =	vst @!p2 v1;
	v1 =	vld @!p2 [tilespmem:s25+$0x4010]  }
0xe7: {  	v2 =	vld @!p2 [tilespmem:$0x4350];
	_ =	sdelay $0x4  }
0xe8: {  	v1 =	vadd.f32 @!p2 v2, v1;
	_ =	sdelay $0x1  }
0xe9: {  	[tilespmem:s25+$0x4010] =	vst @!p2 v1;
	v1 =	vld @!p2 [tilespmem:s25+$0x4020]  }
0xea: {  	v2 =	vld @!p2 [tilespmem:$0x4360];
	_ =	sdelay $0x4  }
0xeb: {  	v1 =	vadd.f32 @!p2 v2, v1;
	_ =	sdelay $0x1  }
0xec: {  	[tilespmem:s25+$0x4020] =	vst @!p2 v1;
	v1 =	vld @!p2 [tilespmem:s25+$0x4030]  }
0xed: {  	v2 =	vld @!p2 [tilespmem:$0x4370];
	_ =	sdelay $0x4  }
0xee: {  	v1 =	vadd.f32 @!p2 v2, v1;
	_ =	sdelay $0x1  }
0xef: {  	[tilespmem:s25+$0x4030] =	vst @!p2 v1  }
0xf0: {  	[hbm4b:s26+s28] =	stream.linear.scatter @!p2 [tilespmem:s29], [sflag:$0x1], $0x200, $0x38;
	[tilespmem:$0x4400] =	vst v63  }
0xf1: {  	_ =	swait.ge @!p2 [sflag:s30], $0x200  }
0xf2: {  	(v2sf) =	vpush v0, $0x6;
	_ =	sdelay $0xe  }
0xf3: {  	s25 =	spop (v2sf)  }
0xf4: {  	p1 =	slt.s32 s25, s5  }
0xf5: {  	p3 =	sge.s32 @!p1 s25, s7  }
0xf6: {  	p1 =	por p3, p1  }
0xf7: {  	[sflag:s30] =	ssyncset.done @!p2 $0x0;
	s26 =	sshll.u32 @!p1 s25, $0x3  }
0xf8: {  	[sflag:s30] =	ssyncadd.s32 @!p2 $0xFFFFFE00;
	s26 =	sand.u32 @!p1 $0x1FFFFFC0, s26  }
0xf9: {  	s28 =	simm.s32 @!p1 $0x0;
	s29 =	simm.s32 @!p1 $0x4000;
	s26 =	sadd.s32 @!p1 s6, s26  }
0xfa: {  	[tilespmem:s29], [sflag:$0x1] =	stream.linear.gather @!p1 [hbm4b:s26+s28], $0x200, $0x38;
	[tilespmem:$0x4400] =	vst v63  }
0xfb: {  	s30 =	simm.s32 @!p1 $0x4200  }
0xfc: {  	[tilespmem:s30], [sflag:$0x1] =	stream.linear.gather @!p1 [hbm4b:s24+s28], $0x200, $0x38;
	[tilespmem:$0x4400] =	vst v63  }
0xfd: {  	s30 =	simm.s32 @!p1 $0x1  }
0xfe: {  	_ =	swait.ge @!p1 [sflag:s30], $0x200  }
0xff: {  	[sflag:s30] =	ssyncset.done @!p1 $0x0  }
0x100: {  	[sflag:s30] =	ssyncadd.s32 @!p1 $0xFFFFFE00  }
0x101: {  	_ =	swait.ge @!p1 [sflag:s30], $0x200  }
0x102: {  	s25 =	sshll.u32 @!p1 s25, $0x6;
	[sflag:s30] =	ssyncset.done @!p1 $0x0  }
0x103: {  	s25 =	sand.u32 @!p1 $0x1C0, s25;
	[sflag:s30] =	ssyncadd.s32 @!p1 $0xFFFFFE00  }
0x104: {  	v1 =	vld @!p1 [tilespmem:s25+$0x4000]  }
0x105: {  	v2 =	vld @!p1 [tilespmem:$0x4380];
	_ =	sdelay $0x4  }
0x106: {  	v1 =	vadd.f32 @!p1 v2, v1;
	_ =	sdelay $0x1  }
0x107: {  	[tilespmem:s25+$0x4000] =	vst @!p1 v1;
	v1 =	vld @!p1 [tilespmem:s25+$0x4010]  }
0x108: {  	v2 =	vld @!p1 [tilespmem:$0x4390];
	_ =	sdelay $0x4  }
0x109: {  	v1 =	vadd.f32 @!p1 v2, v1;
	_ =	sdelay $0x1  }
0x10a: {  	[tilespmem:s25+$0x4010] =	vst @!p1 v1;
	v1 =	vld @!p1 [tilespmem:s25+$0x4020]  }
0x10b: {  	v2 =	vld @!p1 [tilespmem:$0x43A0];
	_ =	sdelay $0x4  }
0x10c: {  	v1 =	vadd.f32 @!p1 v2, v1;
	_ =	sdelay $0x1  }
0x10d: {  	[tilespmem:s25+$0x4020] =	vst @!p1 v1;
	v1 =	vld @!p1 [tilespmem:s25+$0x4030]  }
0x10e: {  	v2 =	vld @!p1 [tilespmem:$0x43B0];
	_ =	sdelay $0x4  }
0x10f: {  	v1 =	vadd.f32 @!p1 v2, v1;
	_ =	sdelay $0x1  }
0x110: {  	[tilespmem:s25+$0x4030] =	vst @!p1 v1  }
0x111: {  	[hbm4b:s26+s28] =	stream.linear.scatter @!p1 [tilespmem:s29], [sflag:$0x1], $0x200, $0x38;
	[tilespmem:$0x4400] =	vst v63  }
0x112: {  	_ =	swait.ge @!p1 [sflag:s30], $0x200  }
0x113: {  	(v2sf) =	vpush v0, $0x7;
	_ =	sdelay $0xe  }
0x114: {  	s25 =	spop (v2sf)  }
0x115: {  	p2 =	slt.s32 s25, s5  }
0x116: {  	p3 =	sge.s32 @!p2 s25, s7  }
0x117: {  	p2 =	por p3, p2  }
0x118: {  	[sflag:s30] =	ssyncset.done @!p1 $0x0;
	s26 =	sshll.u32 @!p2 s25, $0x3  }
0x119: {  	[sflag:s30] =	ssyncadd.s32 @!p1 $0xFFFFFE00;
	s26 =	sand.u32 @!p2 $0x1FFFFFC0, s26  }
0x11a: {  	s28 =	simm.s32 @!p2 $0x0;
	s29 =	simm.s32 @!p2 $0x4000;
	s26 =	sadd.s32 @!p2 s6, s26  }
0x11b: {  	[tilespmem:s29], [sflag:$0x1] =	stream.linear.gather @!p2 [hbm4b:s26+s28], $0x200, $0x38;
	[tilespmem:$0x4400] =	vst v63  }
0x11c: {  	s30 =	simm.s32 @!p2 $0x4200  }
0x11d: {  	[tilespmem:s30], [sflag:$0x1] =	stream.linear.gather @!p2 [hbm4b:s24+s28], $0x200, $0x38;
	[tilespmem:$0x4400] =	vst v63  }
0x11e: {  	s30 =	simm.s32 @!p2 $0x1  }
0x11f: {  	_ =	swait.ge @!p2 [sflag:s30], $0x200  }
0x120: {  	[sflag:s30] =	ssyncset.done @!p2 $0x0  }
0x121: {  	[sflag:s30] =	ssyncadd.s32 @!p2 $0xFFFFFE00  }
0x122: {  	_ =	swait.ge @!p2 [sflag:s30], $0x200  }
0x123: {  	s25 =	sshll.u32 @!p2 s25, $0x6;
	[sflag:s30] =	ssyncset.done @!p2 $0x0  }
0x124: {  	s25 =	sand.u32 @!p2 $0x1C0, s25;
	[sflag:s30] =	ssyncadd.s32 @!p2 $0xFFFFFE00  }
0x125: {  	v1 =	vld @!p2 [tilespmem:s25+$0x4000]  }
0x126: {  	v2 =	vld @!p2 [tilespmem:$0x43C0];
	_ =	sdelay $0x4  }
0x127: {  	v1 =	vadd.f32 @!p2 v2, v1;
	_ =	sdelay $0x1  }
0x128: {  	[tilespmem:s25+$0x4000] =	vst @!p2 v1;
	v1 =	vld @!p2 [tilespmem:s25+$0x4010]  }
0x129: {  	v2 =	vld @!p2 [tilespmem:$0x43D0];
	_ =	sdelay $0x4  }
0x12a: {  	v1 =	vadd.f32 @!p2 v2, v1;
	_ =	sdelay $0x1  }
0x12b: {  	[tilespmem:s25+$0x4010] =	vst @!p2 v1;
	v1 =	vld @!p2 [tilespmem:s25+$0x4020]  }
0x12c: {  	v2 =	vld @!p2 [tilespmem:$0x43E0];
	_ =	sdelay $0x4  }
0x12d: {  	v1 =	vadd.f32 @!p2 v2, v1;
	_ =	sdelay $0x1  }
0x12e: {  	[tilespmem:s25+$0x4020] =	vst @!p2 v1;
	v1 =	vld @!p2 [tilespmem:s25+$0x4030]  }
0x12f: {  	v2 =	vld @!p2 [tilespmem:$0x43F0];
	_ =	sdelay $0x4  }
0x130: {  	v1 =	vadd.f32 @!p2 v2, v1;
	_ =	sdelay $0x1  }
0x131: {  	[tilespmem:s25+$0x4030] =	vst @!p2 v1  }
0x132: {  	[hbm4b:s26+s28] =	stream.linear.scatter @!p2 [tilespmem:s29], [sflag:$0x1], $0x200, $0x38;
	[tilespmem:$0x4400] =	vst v63  }
0x133: {  	_ =	swait.ge @!p2 [sflag:s30], $0x200  }
0x134: {  	(v2sf) =	vpush v0, $0x8;
	_ =	sdelay $0xe  }
0x135: {  	s25 =	spop (v2sf)  }
0x136: {  	p1 =	slt.s32 s25, s5  }
0x137: {  	p3 =	sge.s32 @!p1 s25, s7  }
0x138: {  	p1 =	por p3, p1  }
0x139: {  	[sflag:s30] =	ssyncset.done @!p2 $0x0;
	s26 =	sshll.u32 @!p1 s25, $0x3  }
0x13a: {  	[sflag:s30] =	ssyncadd.s32 @!p2 $0xFFFFFE00;
	s26 =	sand.u32 @!p1 $0x1FFFFFC0, s26  }
0x13b: {  	s28 =	simm.s32 @!p1 $0x0;
	s29 =	simm.s32 @!p1 $0x4000;
	s26 =	sadd.s32 @!p1 s6, s26  }
0x13c: {  	[tilespmem:s29], [sflag:$0x1] =	stream.linear.gather @!p1 [hbm4b:s26+s28], $0x200, $0x38;
	[tilespmem:$0x4400] =	vst v63  }
0x13d: {  	s30 =	sadd.s32 @!p1 $0x40, s24;
	s31 =	simm.s32 @!p1 $0x4200  }
0x13e: {  	[tilespmem:s31], [sflag:$0x1] =	stream.linear.gather @!p1 [hbm4b:s30+s28], $0x200, $0x38;
	[tilespmem:$0x4400] =	vst v63  }
0x13f: {  	s30 =	simm.s32 @!p1 $0x1  }
0x140: {  	_ =	swait.ge @!p1 [sflag:s30], $0x200  }
0x141: {  	[sflag:s30] =	ssyncset.done @!p1 $0x0  }
0x142: {  	[sflag:s30] =	ssyncadd.s32 @!p1 $0xFFFFFE00  }
0x143: {  	_ =	swait.ge @!p1 [sflag:s30], $0x200  }
0x144: {  	s25 =	sshll.u32 @!p1 s25, $0x6;
	[sflag:s30] =	ssyncset.done @!p1 $0x0  }
0x145: {  	s25 =	sand.u32 @!p1 $0x1C0, s25;
	[sflag:s30] =	ssyncadd.s32 @!p1 $0xFFFFFE00  }
0x146: {  	v1 =	vld @!p1 [tilespmem:s25+$0x4000]  }
0x147: {  	v2 =	vld @!p1 [tilespmem:$0x4200];
	_ =	sdelay $0x4  }
0x148: {  	v1 =	vadd.f32 @!p1 v2, v1;
	_ =	sdelay $0x1  }
0x149: {  	[tilespmem:s25+$0x4000] =	vst @!p1 v1;
	v1 =	vld @!p1 [tilespmem:s25+$0x4010]  }
0x14a: {  	v2 =	vld @!p1 [tilespmem:$0x4210];
	_ =	sdelay $0x4  }
0x14b: {  	v1 =	vadd.f32 @!p1 v2, v1;
	_ =	sdelay $0x1  }
0x14c: {  	[tilespmem:s25+$0x4010] =	vst @!p1 v1;
	v1 =	vld @!p1 [tilespmem:s25+$0x4020]  }
0x14d: {  	v2 =	vld @!p1 [tilespmem:$0x4220];
	_ =	sdelay $0x4  }
0x14e: {  	v1 =	vadd.f32 @!p1 v2, v1;
	_ =	sdelay $0x1  }
0x14f: {  	[tilespmem:s25+$0x4020] =	vst @!p1 v1;
	v1 =	vld @!p1 [tilespmem:s25+$0x4030]  }
0x150: {  	v2 =	vld @!p1 [tilespmem:$0x4230];
	_ =	sdelay $0x4  }
0x151: {  	v1 =	vadd.f32 @!p1 v2, v1;
	_ =	sdelay $0x1  }
0x152: {  	[tilespmem:s25+$0x4030] =	vst @!p1 v1  }
0x153: {  	[hbm4b:s26+s28] =	stream.linear.scatter @!p1 [tilespmem:s29], [sflag:$0x1], $0x200, $0x38;
	[tilespmem:$0x4400] =	vst v63  }
0x154: {  	_ =	swait.ge @!p1 [sflag:s30], $0x200  }
0x155: {  	(v2sf) =	vpush v0, $0x9;
	_ =	sdelay $0xe  }
0x156: {  	s25 =	spop (v2sf)  }
0x157: {  	p2 =	slt.s32 s25, s5  }
0x158: {  	p3 =	sge.s32 @!p2 s25, s7  }
0x159: {  	p2 =	por p3, p2  }
0x15a: {  	[sflag:s30] =	ssyncset.done @!p1 $0x0;
	s26 =	sshll.u32 @!p2 s25, $0x3  }
0x15b: {  	[sflag:s30] =	ssyncadd.s32 @!p1 $0xFFFFFE00;
	s26 =	sand.u32 @!p2 $0x1FFFFFC0, s26  }
0x15c: {  	s28 =	simm.s32 @!p2 $0x0;
	s29 =	simm.s32 @!p2 $0x4000;
	s26 =	sadd.s32 @!p2 s6, s26  }
0x15d: {  	[tilespmem:s29], [sflag:$0x1] =	stream.linear.gather @!p2 [hbm4b:s26+s28], $0x200, $0x38;
	[tilespmem:$0x4400] =	vst v63  }
0x15e: {  	s30 =	sadd.s32 @!p2 $0x40, s24;
	s31 =	simm.s32 @!p2 $0x4200  }
0x15f: {  	[tilespmem:s31], [sflag:$0x1] =	stream.linear.gather @!p2 [hbm4b:s30+s28], $0x200, $0x38;
	[tilespmem:$0x4400] =	vst v63  }
0x160: {  	s30 =	simm.s32 @!p2 $0x1  }
0x161: {  	_ =	swait.ge @!p2 [sflag:s30], $0x200  }
0x162: {  	[sflag:s30] =	ssyncset.done @!p2 $0x0  }
0x163: {  	[sflag:s30] =	ssyncadd.s32 @!p2 $0xFFFFFE00  }
0x164: {  	_ =	swait.ge @!p2 [sflag:s30], $0x200  }
0x165: {  	s25 =	sshll.u32 @!p2 s25, $0x6;
	[sflag:s30] =	ssyncset.done @!p2 $0x0  }
0x166: {  	s25 =	sand.u32 @!p2 $0x1C0, s25;
	[sflag:s30] =	ssyncadd.s32 @!p2 $0xFFFFFE00  }
0x167: {  	v1 =	vld @!p2 [tilespmem:s25+$0x4000]  }
0x168: {  	v2 =	vld @!p2 [tilespmem:$0x4240];
	_ =	sdelay $0x4  }
0x169: {  	v1 =	vadd.f32 @!p2 v2, v1;
	_ =	sdelay $0x1  }
0x16a: {  	[tilespmem:s25+$0x4000] =	vst @!p2 v1;
	v1 =	vld @!p2 [tilespmem:s25+$0x4010]  }
0x16b: {  	v2 =	vld @!p2 [tilespmem:$0x4250];
	_ =	sdelay $0x4  }
0x16c: {  	v1 =	vadd.f32 @!p2 v2, v1;
	_ =	sdelay $0x1  }
0x16d: {  	[tilespmem:s25+$0x4010] =	vst @!p2 v1;
	v1 =	vld @!p2 [tilespmem:s25+$0x4020]  }
0x16e: {  	v2 =	vld @!p2 [tilespmem:$0x4260];
	_ =	sdelay $0x4  }
0x16f: {  	v1 =	vadd.f32 @!p2 v2, v1;
	_ =	sdelay $0x1  }
0x170: {  	[tilespmem:s25+$0x4020] =	vst @!p2 v1;
	v1 =	vld @!p2 [tilespmem:s25+$0x4030]  }
0x171: {  	v2 =	vld @!p2 [tilespmem:$0x4270];
	_ =	sdelay $0x4  }
0x172: {  	v1 =	vadd.f32 @!p2 v2, v1;
	_ =	sdelay $0x1  }
0x173: {  	[tilespmem:s25+$0x4030] =	vst @!p2 v1  }
0x174: {  	[hbm4b:s26+s28] =	stream.linear.scatter @!p2 [tilespmem:s29], [sflag:$0x1], $0x200, $0x38;
	[tilespmem:$0x4400] =	vst v63  }
0x175: {  	_ =	swait.ge @!p2 [sflag:s30], $0x200  }
0x176: {  	(v2sf) =	vpush v0, $0xA;
	_ =	sdelay $0xe  }
0x177: {  	s25 =	spop (v2sf)  }
0x178: {  	p1 =	slt.s32 s25, s5  }
0x179: {  	p3 =	sge.s32 @!p1 s25, s7  }
0x17a: {  	p1 =	por p3, p1  }
0x17b: {  	[sflag:s30] =	ssyncset.done @!p2 $0x0;
	s26 =	sshll.u32 @!p1 s25, $0x3  }
0x17c: {  	[sflag:s30] =	ssyncadd.s32 @!p2 $0xFFFFFE00;
	s26 =	sand.u32 @!p1 $0x1FFFFFC0, s26  }
0x17d: {  	s28 =	simm.s32 @!p1 $0x0;
	s29 =	simm.s32 @!p1 $0x4000;
	s26 =	sadd.s32 @!p1 s6, s26  }
0x17e: {  	[tilespmem:s29], [sflag:$0x1] =	stream.linear.gather @!p1 [hbm4b:s26+s28], $0x200, $0x38;
	[tilespmem:$0x4400] =	vst v63  }
0x17f: {  	s30 =	sadd.s32 @!p1 $0x40, s24;
	s31 =	simm.s32 @!p1 $0x4200  }
0x180: {  	[tilespmem:s31], [sflag:$0x1] =	stream.linear.gather @!p1 [hbm4b:s30+s28], $0x200, $0x38;
	[tilespmem:$0x4400] =	vst v63  }
0x181: {  	s30 =	simm.s32 @!p1 $0x1  }
0x182: {  	_ =	swait.ge @!p1 [sflag:s30], $0x200  }
0x183: {  	[sflag:s30] =	ssyncset.done @!p1 $0x0  }
0x184: {  	[sflag:s30] =	ssyncadd.s32 @!p1 $0xFFFFFE00  }
0x185: {  	_ =	swait.ge @!p1 [sflag:s30], $0x200  }
0x186: {  	s25 =	sshll.u32 @!p1 s25, $0x6;
	[sflag:s30] =	ssyncset.done @!p1 $0x0  }
0x187: {  	s25 =	sand.u32 @!p1 $0x1C0, s25;
	[sflag:s30] =	ssyncadd.s32 @!p1 $0xFFFFFE00  }
0x188: {  	v1 =	vld @!p1 [tilespmem:s25+$0x4000]  }
0x189: {  	v2 =	vld @!p1 [tilespmem:$0x4280];
	_ =	sdelay $0x4  }
0x18a: {  	v1 =	vadd.f32 @!p1 v2, v1;
	_ =	sdelay $0x1  }
0x18b: {  	[tilespmem:s25+$0x4000] =	vst @!p1 v1;
	v1 =	vld @!p1 [tilespmem:s25+$0x4010]  }
0x18c: {  	v2 =	vld @!p1 [tilespmem:$0x4290];
	_ =	sdelay $0x4  }
0x18d: {  	v1 =	vadd.f32 @!p1 v2, v1;
	_ =	sdelay $0x1  }
0x18e: {  	[tilespmem:s25+$0x4010] =	vst @!p1 v1;
	v1 =	vld @!p1 [tilespmem:s25+$0x4020]  }
0x18f: {  	v2 =	vld @!p1 [tilespmem:$0x42A0];
	_ =	sdelay $0x4  }
0x190: {  	v1 =	vadd.f32 @!p1 v2, v1;
	_ =	sdelay $0x1  }
0x191: {  	[tilespmem:s25+$0x4020] =	vst @!p1 v1;
	v1 =	vld @!p1 [tilespmem:s25+$0x4030]  }
0x192: {  	v2 =	vld @!p1 [tilespmem:$0x42B0];
	_ =	sdelay $0x4  }
0x193: {  	v1 =	vadd.f32 @!p1 v2, v1;
	_ =	sdelay $0x1  }
0x194: {  	[tilespmem:s25+$0x4030] =	vst @!p1 v1  }
0x195: {  	[hbm4b:s26+s28] =	stream.linear.scatter @!p1 [tilespmem:s29], [sflag:$0x1], $0x200, $0x38;
	[tilespmem:$0x4400] =	vst v63  }
0x196: {  	_ =	swait.ge @!p1 [sflag:s30], $0x200  }
0x197: {  	(v2sf) =	vpush v0, $0xB;
	_ =	sdelay $0xe  }
0x198: {  	s25 =	spop (v2sf)  }
0x199: {  	p2 =	slt.s32 s25, s5  }
0x19a: {  	p3 =	sge.s32 @!p2 s25, s7  }
0x19b: {  	p2 =	por p3, p2  }
0x19c: {  	[sflag:s30] =	ssyncset.done @!p1 $0x0;
	s26 =	sshll.u32 @!p2 s25, $0x3  }
0x19d: {  	[sflag:s30] =	ssyncadd.s32 @!p1 $0xFFFFFE00;
	s26 =	sand.u32 @!p2 $0x1FFFFFC0, s26  }
0x19e: {  	s28 =	simm.s32 @!p2 $0x0;
	s29 =	simm.s32 @!p2 $0x4000;
	s26 =	sadd.s32 @!p2 s6, s26  }
0x19f: {  	[tilespmem:s29], [sflag:$0x1] =	stream.linear.gather @!p2 [hbm4b:s26+s28], $0x200, $0x38;
	[tilespmem:$0x4400] =	vst v63  }
0x1a0: {  	s30 =	sadd.s32 @!p2 $0x40, s24;
	s31 =	simm.s32 @!p2 $0x4200  }
0x1a1: {  	[tilespmem:s31], [sflag:$0x1] =	stream.linear.gather @!p2 [hbm4b:s30+s28], $0x200, $0x38;
	[tilespmem:$0x4400] =	vst v63  }
0x1a2: {  	s30 =	simm.s32 @!p2 $0x1  }
0x1a3: {  	_ =	swait.ge @!p2 [sflag:s30], $0x200  }
0x1a4: {  	[sflag:s30] =	ssyncset.done @!p2 $0x0  }
0x1a5: {  	[sflag:s30] =	ssyncadd.s32 @!p2 $0xFFFFFE00  }
0x1a6: {  	_ =	swait.ge @!p2 [sflag:s30], $0x200  }
0x1a7: {  	s25 =	sshll.u32 @!p2 s25, $0x6;
	[sflag:s30] =	ssyncset.done @!p2 $0x0  }
0x1a8: {  	s25 =	sand.u32 @!p2 $0x1C0, s25;
	[sflag:s30] =	ssyncadd.s32 @!p2 $0xFFFFFE00  }
0x1a9: {  	v1 =	vld @!p2 [tilespmem:s25+$0x4000]  }
0x1aa: {  	v2 =	vld @!p2 [tilespmem:$0x42C0];
	_ =	sdelay $0x4  }
0x1ab: {  	v1 =	vadd.f32 @!p2 v2, v1;
	_ =	sdelay $0x1  }
0x1ac: {  	[tilespmem:s25+$0x4000] =	vst @!p2 v1;
	v1 =	vld @!p2 [tilespmem:s25+$0x4010]  }
0x1ad: {  	v2 =	vld @!p2 [tilespmem:$0x42D0];
	_ =	sdelay $0x4  }
0x1ae: {  	v1 =	vadd.f32 @!p2 v2, v1;
	_ =	sdelay $0x1  }
0x1af: {  	[tilespmem:s25+$0x4010] =	vst @!p2 v1;
	v1 =	vld @!p2 [tilespmem:s25+$0x4020]  }
0x1b0: {  	v2 =	vld @!p2 [tilespmem:$0x42E0];
	_ =	sdelay $0x4  }
0x1b1: {  	v1 =	vadd.f32 @!p2 v2, v1;
	_ =	sdelay $0x1  }
0x1b2: {  	[tilespmem:s25+$0x4020] =	vst @!p2 v1;
	v1 =	vld @!p2 [tilespmem:s25+$0x4030]  }
0x1b3: {  	v2 =	vld @!p2 [tilespmem:$0x42F0];
	_ =	sdelay $0x4  }
0x1b4: {  	v1 =	vadd.f32 @!p2 v2, v1;
	_ =	sdelay $0x1  }
0x1b5: {  	[tilespmem:s25+$0x4030] =	vst @!p2 v1  }
0x1b6: {  	[hbm4b:s26+s28] =	stream.linear.scatter @!p2 [tilespmem:s29], [sflag:$0x1], $0x200, $0x38;
	[tilespmem:$0x4400] =	vst v63  }
0x1b7: {  	_ =	swait.ge @!p2 [sflag:s30], $0x200  }
0x1b8: {  	(v2sf) =	vpush v0, $0xC;
	_ =	sdelay $0xe  }
0x1b9: {  	s25 =	spop (v2sf)  }
0x1ba: {  	p1 =	slt.s32 s25, s5  }
0x1bb: {  	p3 =	sge.s32 @!p1 s25, s7  }
0x1bc: {  	p1 =	por p3, p1  }
0x1bd: {  	[sflag:s30] =	ssyncset.done @!p2 $0x0;
	s26 =	sshll.u32 @!p1 s25, $0x3  }
0x1be: {  	[sflag:s30] =	ssyncadd.s32 @!p2 $0xFFFFFE00;
	s26 =	sand.u32 @!p1 $0x1FFFFFC0, s26  }
0x1bf: {  	s28 =	simm.s32 @!p1 $0x0;
	s29 =	simm.s32 @!p1 $0x4000;
	s26 =	sadd.s32 @!p1 s6, s26  }
0x1c0: {  	[tilespmem:s29], [sflag:$0x1] =	stream.linear.gather @!p1 [hbm4b:s26+s28], $0x200, $0x38;
	[tilespmem:$0x4400] =	vst v63  }
0x1c1: {  	s30 =	sadd.s32 @!p1 $0x40, s24;
	s31 =	simm.s32 @!p1 $0x4200  }
0x1c2: {  	[tilespmem:s31], [sflag:$0x1] =	stream.linear.gather @!p1 [hbm4b:s30+s28], $0x200, $0x38;
	[tilespmem:$0x4400] =	vst v63  }
0x1c3: {  	s30 =	simm.s32 @!p1 $0x1  }
0x1c4: {  	_ =	swait.ge @!p1 [sflag:s30], $0x200  }
0x1c5: {  	[sflag:s30] =	ssyncset.done @!p1 $0x0  }
0x1c6: {  	[sflag:s30] =	ssyncadd.s32 @!p1 $0xFFFFFE00  }
0x1c7: {  	_ =	swait.ge @!p1 [sflag:s30], $0x200  }
0x1c8: {  	s25 =	sshll.u32 @!p1 s25, $0x6;
	[sflag:s30] =	ssyncset.done @!p1 $0x0  }
0x1c9: {  	s25 =	sand.u32 @!p1 $0x1C0, s25;
	[sflag:s30] =	ssyncadd.s32 @!p1 $0xFFFFFE00  }
0x1ca: {  	v1 =	vld @!p1 [tilespmem:s25+$0x4000]  }
0x1cb: {  	v2 =	vld @!p1 [tilespmem:$0x4300];
	_ =	sdelay $0x4  }
0x1cc: {  	v1 =	vadd.f32 @!p1 v2, v1;
	_ =	sdelay $0x1  }
0x1cd: {  	[tilespmem:s25+$0x4000] =	vst @!p1 v1;
	v1 =	vld @!p1 [tilespmem:s25+$0x4010]  }
0x1ce: {  	v2 =	vld @!p1 [tilespmem:$0x4310];
	_ =	sdelay $0x4  }
0x1cf: {  	v1 =	vadd.f32 @!p1 v2, v1;
	_ =	sdelay $0x1  }
0x1d0: {  	[tilespmem:s25+$0x4010] =	vst @!p1 v1;
	v1 =	vld @!p1 [tilespmem:s25+$0x4020]  }
0x1d1: {  	v2 =	vld @!p1 [tilespmem:$0x4320];
	_ =	sdelay $0x4  }
0x1d2: {  	v1 =	vadd.f32 @!p1 v2, v1;
	_ =	sdelay $0x1  }
0x1d3: {  	[tilespmem:s25+$0x4020] =	vst @!p1 v1;
	v1 =	vld @!p1 [tilespmem:s25+$0x4030]  }
0x1d4: {  	v2 =	vld @!p1 [tilespmem:$0x4330];
	_ =	sdelay $0x4  }
0x1d5: {  	v1 =	vadd.f32 @!p1 v2, v1;
	_ =	sdelay $0x1  }
0x1d6: {  	[tilespmem:s25+$0x4030] =	vst @!p1 v1  }
0x1d7: {  	[hbm4b:s26+s28] =	stream.linear.scatter @!p1 [tilespmem:s29], [sflag:$0x1], $0x200, $0x38;
	[tilespmem:$0x4400] =	vst v63  }
0x1d8: {  	_ =	swait.ge @!p1 [sflag:s30], $0x200  }
0x1d9: {  	(v2sf) =	vpush v0, $0xD;
	_ =	sdelay $0xe  }
0x1da: {  	s25 =	spop (v2sf)  }
0x1db: {  	p2 =	slt.s32 s25, s5  }
0x1dc: {  	p3 =	sge.s32 @!p2 s25, s7  }
0x1dd: {  	p2 =	por p3, p2  }
0x1de: {  	[sflag:s30] =	ssyncset.done @!p1 $0x0;
	s26 =	sshll.u32 @!p2 s25, $0x3  }
0x1df: {  	[sflag:s30] =	ssyncadd.s32 @!p1 $0xFFFFFE00;
	s26 =	sand.u32 @!p2 $0x1FFFFFC0, s26  }
0x1e0: {  	s28 =	simm.s32 @!p2 $0x0;
	s29 =	simm.s32 @!p2 $0x4000;
	s26 =	sadd.s32 @!p2 s6, s26  }
0x1e1: {  	[tilespmem:s29], [sflag:$0x1] =	stream.linear.gather @!p2 [hbm4b:s26+s28], $0x200, $0x38;
	[tilespmem:$0x4400] =	vst v63  }
0x1e2: {  	s30 =	sadd.s32 @!p2 $0x40, s24;
	s31 =	simm.s32 @!p2 $0x4200  }
0x1e3: {  	[tilespmem:s31], [sflag:$0x1] =	stream.linear.gather @!p2 [hbm4b:s30+s28], $0x200, $0x38;
	[tilespmem:$0x4400] =	vst v63  }
0x1e4: {  	s30 =	simm.s32 @!p2 $0x1  }
0x1e5: {  	_ =	swait.ge @!p2 [sflag:s30], $0x200  }
0x1e6: {  	[sflag:s30] =	ssyncset.done @!p2 $0x0  }
0x1e7: {  	[sflag:s30] =	ssyncadd.s32 @!p2 $0xFFFFFE00  }
0x1e8: {  	_ =	swait.ge @!p2 [sflag:s30], $0x200  }
0x1e9: {  	s25 =	sshll.u32 @!p2 s25, $0x6;
	[sflag:s30] =	ssyncset.done @!p2 $0x0  }
0x1ea: {  	s25 =	sand.u32 @!p2 $0x1C0, s25;
	[sflag:s30] =	ssyncadd.s32 @!p2 $0xFFFFFE00  }
0x1eb: {  	v1 =	vld @!p2 [tilespmem:s25+$0x4000]  }
0x1ec: {  	v2 =	vld @!p2 [tilespmem:$0x4340];
	_ =	sdelay $0x4  }
0x1ed: {  	v1 =	vadd.f32 @!p2 v2, v1;
	_ =	sdelay $0x1  }
0x1ee: {  	[tilespmem:s25+$0x4000] =	vst @!p2 v1;
	v1 =	vld @!p2 [tilespmem:s25+$0x4010]  }
0x1ef: {  	v2 =	vld @!p2 [tilespmem:$0x4350];
	_ =	sdelay $0x4  }
0x1f0: {  	v1 =	vadd.f32 @!p2 v2, v1;
	_ =	sdelay $0x1  }
0x1f1: {  	[tilespmem:s25+$0x4010] =	vst @!p2 v1;
	v1 =	vld @!p2 [tilespmem:s25+$0x4020]  }
0x1f2: {  	v2 =	vld @!p2 [tilespmem:$0x4360];
	_ =	sdelay $0x4  }
0x1f3: {  	v1 =	vadd.f32 @!p2 v2, v1;
	_ =	sdelay $0x1  }
0x1f4: {  	[tilespmem:s25+$0x4020] =	vst @!p2 v1;
	v1 =	vld @!p2 [tilespmem:s25+$0x4030]  }
0x1f5: {  	v2 =	vld @!p2 [tilespmem:$0x4370];
	_ =	sdelay $0x4  }
0x1f6: {  	v1 =	vadd.f32 @!p2 v2, v1;
	_ =	sdelay $0x1  }
0x1f7: {  	[tilespmem:s25+$0x4030] =	vst @!p2 v1  }
0x1f8: {  	[hbm4b:s26+s28] =	stream.linear.scatter @!p2 [tilespmem:s29], [sflag:$0x1], $0x200, $0x38;
	[tilespmem:$0x4400] =	vst v63  }
0x1f9: {  	_ =	swait.ge @!p2 [sflag:s30], $0x200  }
0x1fa: {  	(v2sf) =	vpush v0, $0xE;
	_ =	sdelay $0xe  }
0x1fb: {  	s25 =	spop (v2sf)  }
0x1fc: {  	p1 =	slt.s32 s25, s5  }
0x1fd: {  	p3 =	sge.s32 @!p1 s25, s7  }
0x1fe: {  	p1 =	por p3, p1  }
0x1ff: {  	[sflag:s30] =	ssyncset.done @!p2 $0x0;
	s26 =	sshll.u32 @!p1 s25, $0x3  }
0x200: {  	[sflag:s30] =	ssyncadd.s32 @!p2 $0xFFFFFE00;
	s26 =	sand.u32 @!p1 $0x1FFFFFC0, s26  }
0x201: {  	s28 =	simm.s32 @!p1 $0x0;
	s29 =	simm.s32 @!p1 $0x4000;
	s26 =	sadd.s32 @!p1 s6, s26  }
0x202: {  	[tilespmem:s29], [sflag:$0x1] =	stream.linear.gather @!p1 [hbm4b:s26+s28], $0x200, $0x38;
	[tilespmem:$0x4400] =	vst v63  }
0x203: {  	s30 =	sadd.s32 @!p1 $0x40, s24;
	s31 =	simm.s32 @!p1 $0x4200  }
0x204: {  	[tilespmem:s31], [sflag:$0x1] =	stream.linear.gather @!p1 [hbm4b:s30+s28], $0x200, $0x38;
	[tilespmem:$0x4400] =	vst v63  }
0x205: {  	s30 =	simm.s32 @!p1 $0x1  }
0x206: {  	_ =	swait.ge @!p1 [sflag:s30], $0x200  }
0x207: {  	[sflag:s30] =	ssyncset.done @!p1 $0x0  }
0x208: {  	[sflag:s30] =	ssyncadd.s32 @!p1 $0xFFFFFE00  }
0x209: {  	_ =	swait.ge @!p1 [sflag:s30], $0x200  }
0x20a: {  	s25 =	sshll.u32 @!p1 s25, $0x6;
	[sflag:s30] =	ssyncset.done @!p1 $0x0  }
0x20b: {  	s25 =	sand.u32 @!p1 $0x1C0, s25;
	[sflag:s30] =	ssyncadd.s32 @!p1 $0xFFFFFE00  }
0x20c: {  	v1 =	vld @!p1 [tilespmem:s25+$0x4000]  }
0x20d: {  	v2 =	vld @!p1 [tilespmem:$0x4380];
	_ =	sdelay $0x4  }
0x20e: {  	v1 =	vadd.f32 @!p1 v2, v1;
	_ =	sdelay $0x1  }
0x20f: {  	[tilespmem:s25+$0x4000] =	vst @!p1 v1;
	v1 =	vld @!p1 [tilespmem:s25+$0x4010]  }
0x210: {  	v2 =	vld @!p1 [tilespmem:$0x4390];
	_ =	sdelay $0x4  }
0x211: {  	v1 =	vadd.f32 @!p1 v2, v1;
	_ =	sdelay $0x1  }
0x212: {  	[tilespmem:s25+$0x4010] =	vst @!p1 v1;
	v1 =	vld @!p1 [tilespmem:s25+$0x4020]  }
0x213: {  	v2 =	vld @!p1 [tilespmem:$0x43A0];
	_ =	sdelay $0x4  }
0x214: {  	v1 =	vadd.f32 @!p1 v2, v1;
	_ =	sdelay $0x1  }
0x215: {  	[tilespmem:s25+$0x4020] =	vst @!p1 v1;
	v1 =	vld @!p1 [tilespmem:s25+$0x4030]  }
0x216: {  	v2 =	vld @!p1 [tilespmem:$0x43B0];
	_ =	sdelay $0x4  }
0x217: {  	v1 =	vadd.f32 @!p1 v2, v1;
	_ =	sdelay $0x1  }
0x218: {  	[tilespmem:s25+$0x4030] =	vst @!p1 v1  }
0x219: {  	[hbm4b:s26+s28] =	stream.linear.scatter @!p1 [tilespmem:s29], [sflag:$0x1], $0x200, $0x38;
	[tilespmem:$0x4400] =	vst v63  }
0x21a: {  	_ =	swait.ge @!p1 [sflag:s30], $0x200  }
0x21b: {  	(v2sf) =	vpush v0, $0xF;
	_ =	sdelay $0xe  }
0x21c: {  	s25 =	spop (v2sf)  }
0x21d: {  	p2 =	slt.s32 s25, s5  }
0x21e: {  	p3 =	sge.s32 @!p2 s25, s7  }
0x21f: {  	p2 =	por p3, p2  }
0x220: {  	[sflag:s30] =	ssyncset.done @!p1 $0x0;
	s26 =	sshll.u32 @!p2 s25, $0x3  }
0x221: {  	[sflag:s30] =	ssyncadd.s32 @!p1 $0xFFFFFE00;
	s26 =	sand.u32 @!p2 $0x1FFFFFC0, s26  }
0x222: {  	s28 =	simm.s32 @!p2 $0x0;
	s29 =	simm.s32 @!p2 $0x4000;
	s26 =	sadd.s32 @!p2 s6, s26  }
0x223: {  	[tilespmem:s29], [sflag:$0x1] =	stream.linear.gather @!p2 [hbm4b:s26+s28], $0x200, $0x38;
	[tilespmem:$0x4400] =	vst v63  }
0x224: {  	s30 =	sadd.s32 @!p2 $0x40, s24;
	s31 =	simm.s32 @!p2 $0x4200  }
0x225: {  	[tilespmem:s31], [sflag:$0x1] =	stream.linear.gather @!p2 [hbm4b:s30+s28], $0x200, $0x38;
	[tilespmem:$0x4400] =	vst v63  }
0x226: {  	s30 =	simm.s32 @!p2 $0x1  }
0x227: {  	_ =	swait.ge @!p2 [sflag:s30], $0x200  }
0x228: {  	[sflag:s30] =	ssyncset.done @!p2 $0x0  }
0x229: {  	[sflag:s30] =	ssyncadd.s32 @!p2 $0xFFFFFE00  }
0x22a: {  	_ =	swait.ge @!p2 [sflag:s30], $0x200  }
0x22b: {  	s25 =	sshll.u32 @!p2 s25, $0x6;
	[sflag:s30] =	ssyncset.done @!p2 $0x0  }
0x22c: {  	s25 =	sand.u32 @!p2 $0x1C0, s25;
	[sflag:s30] =	ssyncadd.s32 @!p2 $0xFFFFFE00  }
0x22d: {  	v0 =	vld @!p2 [tilespmem:s25+$0x4000]  }
0x22e: {  	v1 =	vld @!p2 [tilespmem:$0x43C0];
	_ =	sdelay $0x4  }
0x22f: {  	v0 =	vadd.f32 @!p2 v1, v0;
	_ =	sdelay $0x1  }
0x230: {  	[tilespmem:s25+$0x4000] =	vst @!p2 v0;
	v0 =	vld @!p2 [tilespmem:s25+$0x4010]  }
0x231: {  	v1 =	vld @!p2 [tilespmem:$0x43D0];
	_ =	sdelay $0x4  }
0x232: {  	v0 =	vadd.f32 @!p2 v1, v0;
	_ =	sdelay $0x1  }
0x233: {  	[tilespmem:s25+$0x4010] =	vst @!p2 v0;
	v0 =	vld @!p2 [tilespmem:s25+$0x4020]  }
0x234: {  	v1 =	vld @!p2 [tilespmem:$0x43E0];
	_ =	sdelay $0x4  }
0x235: {  	v0 =	vadd.f32 @!p2 v1, v0;
	_ =	sdelay $0x1  }
0x236: {  	[tilespmem:s25+$0x4020] =	vst @!p2 v0;
	v0 =	vld @!p2 [tilespmem:s25+$0x4030]  }
0x237: {  	v1 =	vld @!p2 [tilespmem:$0x43F0];
	_ =	sdelay $0x4  }
0x238: {  	s23 =	sadd.s32 $0x40, s23;
	v0 =	vadd.f32 @!p2 v1, v0  }
0x239: {  	p1 =	sne.s32 s23, $0x10000  }
.Ltmp0:
0x23a: {  	[tilespmem:s25+$0x4030] =	vst @!p2 v0;
	(pc) =	sbr.rel @p1 .LBB2_2-.Ltmp0, $4  }
0x23b: {  	[hbm4b:s26+s28] =	stream.linear.scatter @!p2 [tilespmem:s29], [sflag:$0x1], $0x200, $0x38;
	[tilespmem:$0x4400] =	vst v63  }
0x23c: {  	_ =	swait.ge @!p2 [sflag:s30], $0x200  }
0x23d: {  	[sflag:s30] =	ssyncset.done @!p2 $0x0  }
0x23e: {  	s24 =	sadd.s32 $0x80, s24;
	[sflag:s30] =	ssyncadd.s32 @!p2 $0xFFFFFE00  }
0x23f: {  	s22 =	sadd.s32 $0x1, s22  }
0x240: {  	p1 =	sne.s32 s22, s19  }
.Ltmp1:
0x241: {  	_ = 	snop;
	(pc) =	sbr.rel @p1 .LBB2_1-.Ltmp1, $1  }
0x242: {  	_ =	sdelay $0x3  }
0x243: {  	_ =	sfence.sel $0x180000  }
0x244: {  	[bflag:$0x0] =	sbarrier.arrive $0xFFFF  }
0x245: {  	p0 =	sne.s32 s2, $0x0;
	_ =	strace $0x90000047  }
0x246: {  	s0 =	sadd.s32 @!p0 $0x100000, s0;
	[bflag:$0x2] =	sbarrier.arrive $0xFFFF  }
0x247: {  	[sflag:s0] =	ssyncadd.tile.s32 @!p0 $0x1;
	_ =	shalt  }
.Lfunc_end2:
_tile_overlayer_lowered:
.L_overlay_start_2:
0x248: {  	(tag) =	ssettag $0x2  }
0x249: {  	s0 =	rddreg [dreg:$0x0];
	s2 =	stileid.u32  }
0x24a: {  	s1 =	rddreg [dreg:$0x1];
	p0 =	sne.s32 s2, $0x0  }
0x24b: {  	s3 =	rddreg [dreg:$0x2];
	[bflag:$0x3] =	sbarrier.arrive $0xFFFF;
	s2 =	simm.s32 @!p0 $0x1C03  }
0x24c: {  	[timem:s3], [sflag:s2] =	dma.local @!p0 [hbm:s0], s1  }
0x24d: {  	s0 =	simm.s32 @!p0 $0x3  }
0x24e: {  	_ =	swait.ge @!p0 [sflag:s0], s1  }
0x24f: {  	s1 =	ssub.s32 @!p0 $0x0, s1;
	[sflag:s0] =	ssyncset.done @!p0 $0x0  }
0x250: {  	[sflag:s0] =	ssyncadd.s32 @!p0 s1  }
0x251: {  	[bflag:$0x3] =	sbarrier.arrive $0xFFFF  }
0x252: {  	_ =	shalt  }

// kernel: sparse-core-data-format-call.cloned.1.call-start
scs
called_computation_lowered:
.L_overlay_start_0:
0x0: {  	s2 =	sld [smem:$0x3FD9]  }
0x1: {  	s3 =	sld [smem:$0x3FFE];
	_ =	sdelay $0x1  }
0x2: {  	s1 =	srdreg.scid  }
0x3: {  	s0 =	sand.u32 $0x1, s1  }
0x4: {  	s18 =	sshll.u32 s0, $0xA;
	s2 =	sadd.s32 s3, s2  }
0x5: {  	s2 =	sadd.s32 s2, s18  }
0x6: {  	[smem:$0x3FC5] =	sst s2  }
0x7: {  	_ = 	snop  }
0x8: {  	s2 =	sld [smem:$0x3FD0];
	(tm) =	ssettm $0x1  }
0x9: {  	s19 =	sld [smem:$0x3FFB];
	_ =	sdelay $0x3  }
0xa: {  	_ =	strace s19  }
0xb: {  	s3 =	sld [smem:$0x3FFC];
	_ =	sdelay $0x3  }
0xc: {  	_ =	strace s3  }
0xd: {  	s3 =	sld [smem:$0x3FFD];
	_ =	sdelay $0x3  }
0xe: {  	_ =	strace s3  }
0xf: {  	_ =	strace $0x8FFFFFFF  }
0x10: {  	s20 =	sld [smem:$0x3FDB];
	_ =	sdelay $0x1  }
0x11: {  	s4 =	simm.s32 $_scs_section_size  }
0x12: {  	s5 =	simm.s32 $_size__tile_overlayer_lowered;
	s6 =	simm.s32 $_tile_overlayer_lowered  }
0x13: {  	s23 =	simm.s32 $0x1BFF;
	s22 =	sshll.u32 s6, $0x1;
	s3 =	sadd.s32 s4, s20  }
0x14: {  	s7 =	simm.s32 $0x0;
	s21 =	sshll.u32 s5, $0x1;
	s5 =	sadd.s32 s22, s3  }
0x15: {  	[timem:s7], [sflag:s23] =	dma.local [hbm:s5], s21  }
0x16: {  	_ =	swait.ge [sflag:s23], s21  }
0x17: {  	s4 =	ssub.s32 $0x0, s21;
	[sflag:s23] =	ssyncset.done $0x0  }
0x18: {  	[sflag:s23] =	ssyncadd.s32 s4;
	_ =	sdelay $0x1  }
0x19: {  	s24 =	simm.s32 $0x1B8B  }
0x1a: {  	_ =	swait.ge [sflag:s24], $0x1  }
0x1b: {  	[sflag:s24] =	ssyncset.done $0x0  }
0x1c: {  	s26 =	simm.s32 $0x1B8E;
	s25 =	sld [smem:$0x3FFE];
	[sflag:s24] =	ssyncadd.s32 $0xFFFFFFFF  }
0x1d: {  	s27 =	simm.s32 $execute0_lowered;
	[smem:$0x3FD2] =	sst s26  }
0x1e: {  	s5 =	sshll.u32 s27, $0x1;
	_ =	strace $0x80000049;
	[dreg:$0x1] =	wrdreg $0xFFFFFFFF  }
0x1f: {  	s28 =	simm.s32 $_size_execute0_lowered;
	s3 =	sadd.s32 s3, s5;
	[dreg:$0x0] =	wrdreg $0x0  }
0x20: {  	s5 =	sshll.u32 s28, $0x1;
	[dreg:$0x2] =	wrdreg s3  }
0x21: {  	[dreg:$0x3] =	wrdreg s5  }
0x22: {  	[dreg:$0x4] =	wrdreg $0xC0  }
0x23: {  	_ =	task [dreg:s7], $0x5FFFF  }
0x24: {  	[dreg:$0x1] =	wrdreg $0xFFFFFFFF  }
0x25: {  	[dreg:$0x0] =	wrdreg $0x60  }
0x26: {  	[dreg:$0x2] =	wrdreg s25  }
0x27: {  	[dreg:$0x3] =	wrdreg s2  }
0x28: {  	[dreg:$0x4] =	wrdreg $0x9  }
0x29: {  	_ =	task.clear_ibuf [dreg:s7], $0x5FFFF;
	_ =	strace $0x90000049  }
0x2a: {  	s29 =	simm.s32 $0x9;
	_ =	strace $0x8000004B  }
0x2b: {  	_ =	swait.ge [sflag:s29], $0x1  }
0x2c: {  	[sflag:s29] =	ssyncadd.s32 $0xFFFFFFFF  }
0x2d: {  	_ =	strace $0x9000004B  }
0x2e: {  	_ =	sfence  }
0x2f: {  	s30 =	sld [smem:$0x0];
	_ =	sdelay $0x2  }
0x30: {  	s31 =	sshll.u32 s1, $0xD;
	s1 =	sshrl.u32 s1, $0x2  }
0x31: {  	s3 =	sand.u32 $0x4000, s31;
	s1 =	sadd.s32 s1, s30  }
0x32: {  	s0 =	sor.u32 s3, s0;
	s1 =	sshll.u32 s1, $0x11  }
0x33: {  	s0 =	sor.u32 s1, s0  }
0x34: {  	s0 =	sadd.s32 $0x8F2B, s0  }
0x35: {  	[sflag:s0] =	ssyncadd.remote.s32 $0x1  }
0x36: {  	_ =	sfence.sel $0xFFFF  }
0x37: {  	[dreg:$0x0] =	wrdreg $0xFFFFFFFF;
	(pc) =	sbr.abs _section_cstart, $3  }
0x38: {  	[dreg:$0x1] =	wrdreg $0xFFFFFFFF  }
0x39: {  	_ =	task.clear_ibuf [dreg:s7], $0x2FFFF;
	_ =	strace $0x9FFFFFFF  }
0x3a: {  	(tm) =	ssettm $0x7FFFFFFF  }
0x3b: {  	_ =	shalt  }
tec
execute0_lowered:
.L_overlay_start_1:
0x0: {  	(tag) =	ssettag $0x1  }
0x1: {  	s4 =	rddreg [dreg:$0x0]  }
0x2: {  	s0 =	srdreg.scid;
	s2 =	rddreg [dreg:$0x1]  }
0x3: {  	s1 =	stileid.u32;
	s5 =	simm.s32 $0x1;
	s0 =	sshll.u32 s0, $0x4  }
0x4: {  	s7 =	simm.s32 $0x2;
	s11 =	simm.s32 $0x0;
	s3 =	sand.u32 $0x10, s0  }
.Ltmp0:
0x5: {  	p0 =	por $0x0, $0x0;
	s3 =	sor.u32 s1, s3;
	(pc) =	sbr.rel .LBB1_1-.Ltmp0, $4  }
0x6: {  	s8 =	simm.s32 $0x7A1400;
	s10 =	simm.s32 $0x0;
	s3 =	sshll.u32 s3, $0x7  }
0x7: {  	s0 =	rddreg [dreg:$0x2];
	_ =	strace $0x8000004A;
	s6 =	ssub.s32 $0xF4200, s3  }
0x8: {  	s4 =	sadd.s32 $0x7C1C00, s4;
	[sflag:s5] =	ssyncpa.u1 $0x0;
	s6 =	sshrl.u32 s6, $0xC  }
0x9: {  	[sflag:s7] =	ssyncpa.u1 $0x0;
	s9 =	smov.u32 s3;
	s7 =	sadd.s32 $0x2, s6  }
.LBB1_5:
0xa: {  	s13 =	sadd.s32 $0x1000, s9  }
0xb: {  	p2 =	sgt.s32 s13, $0xF423F  }
0xc: {  	s13 =	smov.u32 @p2 s3;
	p2 =	sne.s32 s10, s7  }
.Ltmp1:
0xd: {  	p1 =	slt.u32 s10, $0x2;
	(pc) =	sbr.rel @!p2 .LBB1_6-.Ltmp1, $4  }
0xe: {  	s12 =	simm.s32 @!p1 $0x2  }
0xf: {  	s14 =	sadd.s32 $0x1, s10;
	_ =	swait.ge @!p1 [sflag:s12], $0x2000  }
0x10: {  	s11 =	smov.u32 s9;
	p0 =	por !p0, !p0;
	[sflag:s12] =	ssyncset.done @!p1 $0x0  }
0x11: {  	s10 =	smov.u32 s14;
	s9 =	smov.u32 s13;
	[sflag:s12] =	ssyncadd.s32 @!p1 $0xFFFFE000  }
.LBB1_1:
0x12: {  	p1 =	sgt.u32 s10, s6  }
0x13: {  	s13 =	smov.u32 s9;
	p2 =	sgt.s32 @!p1 s9, $0xF41C0  }
0x14: {  	s12 =	sand.u32 @!p1 $0x1FFFFFF, s9;
	s14 =	sshra.s32 @!p1 s9, $0x1F;
	p2 =	por !p2, p1  }
0x15: {  	s15 =	smulhi.u32 @!p1 $0x218DEF5, s12;
	s14 =	sand.u32 @!p1 s14, s9;
	s13 =	simm.s32 @p2 $0xF41C0  }
0x16: {  	s13 =	ssub.s32 @!p1 s13, s14  }
0x17: {  	s14 =	sshrl.u32 @!p1 s15, $0xD;
	s13 =	sadd.s32 @!p1 $0xFFF0BE40, s13  }
0x18: {  	s15 =	sxor.u32 @!p1 $0xFFFFFFFF, s10;
	s14 =	smul.u32 @!p1 $0xF4240, s14;
	s16 =	sshll.u32 @!p1 s13, $0x8  }
0x19: {  	s15 =	sshll.u32 @!p1 s15, $0xD;
	p2 =	sgt.s32 @!p1 s13, $0x7F;
	s13 =	ssub.s32 @!p1 $0x8000, s16  }
0x1a: {  	s12 =	ssub.s32 @!p1 s12, s14;
	p2 =	por !p2, p1;
	s14 =	sand.u32 @!p1 $0x2000, s15  }
0x1b: {  	s15 =	simm.s32 @!p1 $0x40;
	s13 =	sshrl.u32 @!p1 s13, $0x2;
	s12 =	sshll.u32 @!p1 s12, $0x4  }
0x1c: {  	s16 =	simm.s32 @!p1 $0x80;
	s13 =	simm.s32 @!p2 $0x0;
	s12 =	sadd.s32 @!p1 s4, s12  }
0x1d: {  	[tilespmem:s14], [sflag:$0x1] =	stream.strided.gather @!p1 [hbm4b:s12+s15], s13, s16, s15, $0x38;
	[tilespmem:$0x8080] =	vst v63  }
0x1e: {  	p1 =	seq.s32 s10, $0x0  }
0x1f: {  	p2 =	sge.u32 @!p1 s10, s7  }
0x20: {  	p1 =	por p1, p2  }
.Ltmp2:
0x21: {  	_ = 	snop;
	(pc) =	sbr.rel @p1 .LBB1_5-.Ltmp2, $1  }
0x22: {  	_ =	sdelay $0x3  }
0x23: {  	p1 =	sgt.s32 s11, $0xF41C0;
	s12 =	smov.u32 s11;
	s13 =	sshra.s32 s11, $0x1F  }
0x24: {  	s12 =	simm.s32 @!p1 $0xF41C0;
	s13 =	sand.u32 s13, s11  }
0x25: {  	s12 =	ssub.s32 s12, s13  }
0x26: {  	s12 =	sadd.s32 $0xFFF0BE40, s12  }
0x27: {  	s28 =	sshll.u32 s12, $0x8  }
0x28: {  	s13 =	ssub.s32 $0x8000, s28  }
0x29: {  	p1 =	sgt.s32 s12, $0x7F;
	s12 =	sshrl.u32 s13, $0x2  }
0x2a: {  	s13 =	simm.s32 $0x1;
	s12 =	simm.s32 @p1 $0x0  }
0x2b: {  	s13 =	simm.s32 @!p0 $0x0;
	_ =	swait.ge [sflag:s5], s12  }
0x2c: {  	s14 =	sshll.u32 s13, $0xD;
	s12 =	ssub.s32 $0x0, s12;
	[sflag:s5] =	ssyncset.done $0x0  }
0x2d: {  	s16 =	sor.u32 $0x20, s14;
	[sflag:s5] =	ssyncadd.s32 s12  }
0x2e: {  	s29 =	smul.u32 $0x8100, s13;
	v3 =	vld [tilespmem:s16+$0x10]  }
0x2f: {  	s30 =	sand.u32 $0x1, s10;
	v2 =	vld [tilespmem:s16+$0xFFFFFFF0]  }
0x30: {  	s13 =	smul.u32 $0x8100, s30;
	s12 =	sshrl.u32 s29, $0x2;
	v0 =	vld [tilespmem:s16+$0x0]  }
0x31: {  	s14 =	sor.u32 $0x4000, s12;
	v1 =	vld [tilespmem:s16+$0xFFFFFFE0]  }
0x32: {  	s31 =	sshrl.u32 s13, $0x2;
	s13 =	sadd.s32 $0x0, s14  }
0x33: {  	s15 =	simm.s32 $0x4;
	s12 =	sor.u32 $0x4000, s31;
	s16 =	sadd.s32 $0x40, s16;
	[tilespmem:s13+$0x1830 ss:$0x81] =	vst.msk $0xffff, v3  }
.LBB1_3:
0x34: {  	v3 =	vld [tilespmem:s16+$0x10];
	p1 =	sne.s32 s15, $0x1FC;
	[tilespmem:s13+$0x810 ss:$0x81] =	vst.msk $0xffff, v2;
	s17 =	smov.u32 s15;
	s15 =	sadd.s32 $0x4, s15  }
.Ltmp3:
0x35: {  	v2 =	vld [tilespmem:s16+$0xFFFFFFF0];
	[tilespmem:s13+$0x1020 ss:$0x81] =	vst.msk $0xffff, v0;
	(pc) =	sbr.rel @p1 .LBB1_3-.Ltmp3, $4  }
0x36: {  	v0 =	vld [tilespmem:s16+$0x0];
	[tilespmem:s13+$0x0 ss:$0x81] =	vst.msk $0xffff, v1  }
0x37: {  	s13 =	sshra.s32 s17, $0x2;
	v1 =	vld [tilespmem:s16+$0xFFFFFFE0]  }
0x38: {  	s13 =	sadd.s32 s13, s14  }
0x39: {  	s16 =	sadd.s32 $0x40, s16;
	[tilespmem:s13+$0x1830 ss:$0x81] =	vst.msk $0xffff, v3  }
0x3a: {  	s14 =	sshll.u32 s11, $0x3  }
0x3b: {  	s30 =	sand.u32 $0x7F, s11;
	s14 =	sand.u32 $0xFFFFFC00, s14  }
0x3c: {  	s11 =	sor.u32 s30, s14  }
0x3d: {  	s15 =	smulhi.u32 $0x218D6287, s11;
	_ =	sdelay $0x1  }
0x3e: {  	s14 =	smulhi.u32 $0x218D6287, s14;
	s15 =	sshrl.u32 s15, $0x11  }
0x3f: {  	s15 =	smul.u32 $0xF4280, s15  }
0x40: {  	s14 =	sshrl.u32 s14, $0x11  }
.Ltmp4:
0x41: {  	s14 =	sand.u32 $0x3F, s14;
	s11 =	ssub.s32 s11, s15;
	(pc) =	sbr.rel .LBB1_5-.Ltmp4, $4  }
0x42: {  	[tilespmem:s13+$0x810 ss:$0x81] =	vst.msk $0xffff, v2;
	s14 =	smul.u32 $0x1E850, s14;
	s15 =	sshrl.u32 s11, $0x3;
	s11 =	sand.u32 $0x7, s11  }
0x43: {  	[tilespmem:s13+$0x1020 ss:$0x81] =	vst.msk $0xffff, v0;
	s15 =	sadd.s32 s2, s15;
	s11 =	sshll.u32 s11, $0x12  }
0x44: {  	[tilespmem:s13+$0x0 ss:$0x81] =	vst.msk $0xffff, v1;
	s31 =	sadd.s32 s14, s15;
	s11 =	sor.u32 $0x400, s11  }
0x45: {  	[hbm4b:s31+s11] =	stream.strided.scatter [tilespmem:s12], [sflag:$0x2], $0x2000, s8, s11, $0x20;
	[tilespmem:$0x8080] =	vst v63  }
.LBB1_6:
0x46: {  	_ =	sfence.sel $0x180000  }
0x47: {  	s2 =	simm.s32 $0x1;
	[bflag:$0x0] =	sbarrier.arrive $0xFFFF  }
0x48: {  	s31 =	simm.s32 $0x2;
	[sflag:s2] =	ssyncpa.u1 $0x1  }
0x49: {  	[sflag:s31] =	ssyncpa.u1 $0x1  }
0x4a: {  	p0 =	sne.s32 s1, $0x0;
	_ =	strace $0x9000004A  }
0x4b: {  	s0 =	sadd.s32 @!p0 $0x100000, s0;
	[bflag:$0x2] =	sbarrier.arrive $0xFFFF  }
0x4c: {  	[sflag:s0] =	ssyncadd.tile.s32 @!p0 $0x1;
	_ =	shalt  }
.Lfunc_end1:
_tile_overlayer_lowered:
.L_overlay_start_2:
0x4d: {  	(tag) =	ssettag $0x2  }
0x4e: {  	s0 =	rddreg [dreg:$0x0];
	s2 =	stileid.u32  }
0x4f: {  	s1 =	rddreg [dreg:$0x1];
	p0 =	sne.s32 s2, $0x0  }
0x50: {  	s3 =	rddreg [dreg:$0x2];
	[bflag:$0x3] =	sbarrier.arrive $0xFFFF;
	s2 =	simm.s32 @!p0 $0x1C01  }
0x51: {  	[timem:s3], [sflag:s2] =	dma.local @!p0 [hbm:s0], s1  }
0x52: {  	s0 =	simm.s32 @!p0 $0x1  }
0x53: {  	_ =	swait.ge @!p0 [sflag:s0], s1  }
0x54: {  	s1 =	ssub.s32 @!p0 $0x0, s1;
	[sflag:s0] =	ssyncset.done @!p0 $0x0  }
0x55: {  	[sflag:s0] =	ssyncadd.s32 @!p0 s1  }
0x56: {  	[bflag:$0x3] =	sbarrier.arrive $0xFFFF  }
0x57: {  	_ =	shalt  }

</sc_bundles>
